<compile_context>
chip_gen: v7x
topology: tpu7x:2x2x1
jax: 0.10.2.dev20260603
libtpu: 0.0.44.dev20260713+nightly
codegen_flags: <defaults>
</compile_context>

<pallas_src>
import functools

import jax
import jax.numpy as jnp
from jax import lax
from jax.experimental import pallas as pl
from jax.experimental.pallas import tpu as pltpu
from jax.experimental.pallas import tpu_sc as plsc

N = 10000
D = 128
E = 320000
NC = 2
NS = 16
NW = NC * NS
EPT = E // NW
CH = 128
NCHUNK = 80
Q = 2
PADE = NCHUNK * CH - EPT
N_PAD = 10240
RPT = N_PAD // NS
EPS = 1e-5


@functools.cache
def _get_sc_deg():
  mesh = plsc.VectorSubcoreMesh(core_axis_name="c", subcore_axis_name="s")

  @functools.partial(
      pl.kernel,
      out_type=jax.ShapeDtypeStruct((NC, N_PAD), jnp.float32),
      mesh=mesh,
      scratch_types=[
          pltpu.VMEM((NCHUNK, CH), jnp.int32),
          pltpu.VMEM((CH,), jnp.float32),
          pltpu.VMEM((RPT,), jnp.float32),
          pltpu.VMEM_SHARED((N_PAD,), jnp.float32),
          pltpu.SemaphoreType.DMA,
      ],
  )
  def _sc_deg(dst_hbm, out_hbm, dst_v, ones_v, zbuf_v, acc_sh, semd):
    c = lax.axis_index("c")
    s = lax.axis_index("s")
    wid = c * NS + s

    pltpu.sync_copy(dst_hbm.at[wid], dst_v)

    one16 = jnp.ones((16,), jnp.float32)
    z16 = jnp.zeros((16,), jnp.float32)
    for k in range(CH // 16):
      ones_v[pl.ds(k * 16, 16)] = one16

    def _zero(i, carry):
      zbuf_v[pl.ds(i * 16, 16)] = z16
      return carry

    lax.fori_loop(0, RPT // 16, _zero, 0)
    pltpu.sync_copy(zbuf_v, acc_sh.at[pl.ds(s * RPT, RPT)])
    plsc.subcore_barrier()

    WD = 8

    def _fire(j, carry):
      pltpu.async_copy(ones_v, acc_sh.at[dst_v.at[j]], semd, add=True)
      return carry

    def _fire_drain(j, carry):
      pltpu.make_async_copy(ones_v, acc_sh.at[dst_v.at[0]], semd).wait()
      pltpu.async_copy(ones_v, acc_sh.at[dst_v.at[j]], semd, add=True)
      return carry

    def _drain(j, carry):
      pltpu.make_async_copy(ones_v, acc_sh.at[dst_v.at[0]], semd).wait()
      return carry

    lax.fori_loop(0, WD, _fire, 0)
    lax.fori_loop(WD, NCHUNK, _fire_drain, 0)
    lax.fori_loop(0, WD, _drain, 0)
    plsc.subcore_barrier()

    pltpu.sync_copy(acc_sh.at[pl.ds(s * RPT, RPT)],
                    out_hbm.at[c, pl.ds(s * RPT, RPT)])

  return _sc_deg


@functools.cache
def _get_sc_agg():
  mesh = plsc.VectorSubcoreMesh(core_axis_name="c", subcore_axis_name="s")

  @functools.partial(
      pl.kernel,
      out_type=jax.ShapeDtypeStruct((NC, N_PAD, D), jnp.float32),
      mesh=mesh,
      scratch_types=(
          [pltpu.VMEM((CH,), jnp.int32) for _ in range(Q)]
          + [pltpu.VMEM((CH, D), jnp.float32) for _ in range(Q)]
          + [pltpu.VMEM((NCHUNK, CH), jnp.int32)]
          + [pltpu.VMEM_SHARED((N_PAD, D), jnp.float32)]
          + [pltpu.SemaphoreType.DMA] * (2 * Q)
      ),
  )
  def _sc_agg(hs_hbm, src_hbm, dst_hbm, out_hbm, *refs):
    sidx = refs[0:Q]
    rows = refs[Q:2 * Q]
    dst_v = refs[2 * Q]
    acc_sh = refs[2 * Q + 1]
    sg = refs[2 * Q + 2:2 * Q + 2 + Q]
    si = refs[2 * Q + 2 + Q:2 * Q + 2 + 2 * Q]

    c = lax.axis_index("c")
    s = lax.axis_index("s")
    wid = c * NS + s

    pltpu.sync_copy(dst_hbm.at[wid], dst_v)

    for q in range(Q - 1):
      pltpu.sync_copy(src_hbm.at[wid, q], sidx[q])
      pltpu.async_copy(hs_hbm.at[sidx[q]], rows[q], sg[q])
    pltpu.async_copy(src_hbm.at[wid, Q - 1], sidx[Q - 1], si[Q - 1])

    z16 = jnp.zeros((16,), jnp.float32)
    zrow = rows[Q - 1]

    def _zero(i, carry):
      for k in range(D // 16):
        zrow[i, pl.ds(k * 16, 16)] = z16
      return carry

    lax.fori_loop(0, CH, _zero, 0)
    for m in range(RPT // CH):
      pltpu.sync_copy(zrow, acc_sh.at[pl.ds(s * RPT + m * CH, CH)])
    if RPT % CH:
      pltpu.sync_copy(
          zrow.at[pl.ds(0, RPT % CH)],
          acc_sh.at[pl.ds(s * RPT + (RPT // CH) * CH, RPT % CH)])
    plsc.subcore_barrier()

    def _body(i, carry):
      for k in range(Q):
        t = i * Q + k
        kg = (k + Q - 1) % Q
        tg = jnp.minimum(t + Q - 1, NCHUNK - 1)
        tp = jnp.minimum(t + Q, NCHUNK - 1)
        pltpu.make_async_copy(src_hbm.at[wid, tg], sidx[kg], si[kg]).wait()
        pltpu.async_copy(hs_hbm.at[sidx[kg]], rows[kg], sg[kg])
        pltpu.make_async_copy(hs_hbm.at[sidx[k]], rows[k], sg[k]).wait()
        pltpu.async_copy(src_hbm.at[wid, tp], sidx[k], si[k])
        pltpu.sync_copy(rows[k], acc_sh.at[dst_v.at[t]], add=True)
      return carry

    lax.fori_loop(0, NCHUNK // Q, _body, 0)
    for q in range(Q - 1):
      pltpu.make_async_copy(hs_hbm.at[sidx[q]], rows[q], sg[q]).wait()
    pltpu.make_async_copy(src_hbm.at[wid, 0], sidx[Q - 1], si[Q - 1]).wait()
    plsc.subcore_barrier()

    pltpu.sync_copy(acc_sh.at[pl.ds(s * RPT, RPT)],
                    out_hbm.at[c, pl.ds(s * RPT, RPT)])

  return _sc_agg


def _tc_pre(x, W, partials):

  def body(x_ref, w_ref, p_ref, o_ref, d_ref):
    degc = lax.dot_general(
        p_ref[...], jnp.ones((NC, 1), jnp.float32),
        (((0,), (0,)), ((), ())), preferred_element_type=jnp.float32) + 1.0
    row = lax.broadcasted_iota(jnp.int32, (N_PAD, 1), 0)
    dcol = jnp.where(row < N, lax.rsqrt(degc), 0.0)
    d_ref[...] = dcol
    h = jnp.dot(x_ref[...], w_ref[...], preferred_element_type=jnp.float32)
    o_ref[pl.ds(0, N), :] = h * dcol[:N, :]
    o_ref[pl.ds(N, N_PAD - N), :] = jnp.zeros((N_PAD - N, D), jnp.float32)

  return pl.pallas_call(
      body,
      out_shape=(jax.ShapeDtypeStruct((N_PAD, D), jnp.float32),
                 jax.ShapeDtypeStruct((N_PAD, 1), jnp.float32)),
  )(x, W, partials)


def _tc_mid(p0, p1, hs, dcol, b, g, be, Wn):
  def body(p0r, p1r, hsr, dr, br, gr, ber, wr, o_ref):
    t = (p0r[...] + p1r[...] + hsr[...]) * dr[...] + br[...]
    row = lax.broadcasted_iota(jnp.int32, (N_PAD, 1), 0)
    m = jnp.where(row < N, 1.0, 0.0)
    mean = jnp.sum(t * m, axis=0, keepdims=True) * (1.0 / N)
    ctr = (t - mean) * m
    var = jnp.sum(ctr * ctr, axis=0, keepdims=True) * (1.0 / N)
    y = jnp.maximum(gr[...] * ctr * lax.rsqrt(var + EPS) + ber[...], 0.0)
    h = jnp.dot(y, wr[...], preferred_element_type=jnp.float32)
    o_ref[...] = h * dr[...]

  return pl.pallas_call(
      body, out_shape=jax.ShapeDtypeStruct((N_PAD, D), jnp.float32)
  )(p0, p1, hs, dcol, b, g, be, Wn)


def _tc_post(p0, p1, hs, dcol, b):
  def body(p0r, p1r, hsr, dr, br, o_ref):
    t = (p0r[...] + p1r[...] + hsr[...]) * dr[...] + br[...]
    o_ref[...] = t[:N, :]

  return pl.pallas_call(
      body, out_shape=jax.ShapeDtypeStruct((N, D), jnp.float32)
  )(p0, p1, hs, dcol, b)


def kernel(x, edge_index, W1, b1, g1, be1, W2, b2, g2, be2, W3, b3):
  ei = edge_index.astype(jnp.int32)
  src = ei[0].reshape(NW, EPT)
  dst = ei[1].reshape(NW, EPT)

  i = jnp.arange(PADE, dtype=jnp.int32)[None, :]
  w = jnp.arange(NW, dtype=jnp.int32)[:, None]
  src_pad = (i * NW + w) % N
  dst_pad = N + (i * 7 + w) % PADE
  src3 = jnp.concatenate([src, src_pad], axis=1).reshape(NW, NCHUNK, CH)
  dst3 = jnp.concatenate([dst, dst_pad], axis=1).reshape(NW, NCHUNK, CH)

  sc_deg = _get_sc_deg()
  sc_agg = _get_sc_agg()

  degp = sc_deg(dst3)

  b1r, g1r, be1r = b1.reshape(1, D), g1.reshape(1, D), be1.reshape(1, D)
  b2r, g2r, be2r = b2.reshape(1, D), g2.reshape(1, D), be2.reshape(1, D)
  b3r = b3.reshape(1, D)

  hs1, dcol = _tc_pre(x, W1, degp)
  p = sc_agg(hs1, src3, dst3)
  hs2 = _tc_mid(p[0], p[1], hs1, dcol, b1r, g1r, be1r, W2)
  p = sc_agg(hs2, src3, dst3)
  hs3 = _tc_mid(p[0], p[1], hs2, dcol, b2r, g2r, be2r, W3)
  p = sc_agg(hs3, src3, dst3)
  return _tc_post(p[0], p[1], hs3, dcol, b3r)

# --- scband reference (transcript-rebuilt; emitter-appended) ---
"""Pipeline reference for scband-graph-convolutional-network-15281493639201 (READ-ONLY COPY).

The authoritative reference and input builder live on the scoring server;
editing this copy changes nothing except your own understanding.
"""

import jax, jax.numpy as jnp
import numpy as np

N_NODES = 10000
N_EDGES = 320000
D_IN = 128
D_HID = 128
D_OUT = 128


def setup_inputs(seed: int = 0) -> dict:
    key = jax.random.key(seed)
    ks = jax.random.split(key, 12)
    x = jax.random.normal(ks[0], (N_NODES, D_IN), dtype=jnp.float32)
    edge_index = jax.random.randint(ks[1], (2, N_EDGES), 0, N_NODES, dtype=jnp.int64 if jax.config.jax_enable_x64 else jnp.int32)
    s1 = (1.0 / np.sqrt(D_IN))
    s2 = (1.0 / np.sqrt(D_HID))
    W1 = jax.random.uniform(ks[2], (D_IN, D_HID), dtype=jnp.float32, minval=-s1, maxval=s1)
    b1 = jnp.zeros((D_HID,), dtype=jnp.float32)
    g1 = jnp.ones((D_HID,), dtype=jnp.float32)
    be1 = jnp.zeros((D_HID,), dtype=jnp.float32)
    W2 = jax.random.uniform(ks[3], (D_HID, D_HID), dtype=jnp.float32, minval=-s2, maxval=s2)
    b2 = jnp.zeros((D_HID,), dtype=jnp.float32)
    g2 = jnp.ones((D_HID,), dtype=jnp.float32)
    be2 = jnp.zeros((D_HID,), dtype=jnp.float32)
    W3 = jax.random.uniform(ks[4], (D_HID, D_OUT), dtype=jnp.float32, minval=-s2, maxval=s2)
    b3 = jnp.zeros((D_OUT,), dtype=jnp.float32)
    return {"x": x, "edge_index": edge_index, "W1": W1, "b1": b1, "g1": g1, "be1": be1,
            "W2": W2, "b2": b2, "g2": g2, "be2": be2, "W3": W3, "b3": b3}


def gcn_conv(x, edge_index, W, b):
    # PyG-style GCNConv: linear transform, add self-loops, symmetric normalization, scatter-add, bias
    n = x.shape[0]
    h = x @ W
    src = edge_index[0]
    dst = edge_index[1]
    loop = jnp.arange(n, dtype=src.dtype)
    src = jnp.concatenate([src, loop])
    dst = jnp.concatenate([dst, loop])
    deg = jnp.zeros((n,), dtype=h.dtype).at[dst].add(1.0)
    dinv = jnp.where(deg > 0, jax.lax.rsqrt(deg), 0.0)
    norm = dinv[src] * dinv[dst]
    msg = h[src] * norm[:, None]
    out = jnp.zeros_like(h).at[dst].add(msg)
    return out + b


def batch_norm(x, gamma, beta, eps=1e-5):
    mean = jnp.mean(x, axis=0, keepdims=True)
    var = jnp.var(x, axis=0, keepdims=True)
    return gamma * (x - mean) * jax.lax.rsqrt(var + eps) + beta


def reference(x, edge_index, W1, b1, g1, be1, W2, b2, g2, be2, W3, b3):
    # layer 1
    h = gcn_conv(x, edge_index, W1, b1)
    h = batch_norm(h, g1, be1)
    h = jax.nn.relu(h)
    # dropout is identity in eval / deterministic reference
    # layer 2
    h = gcn_conv(h, edge_index, W2, b2)
    h = batch_norm(h, g2, be2)
    h = jax.nn.relu(h)
    # output layer (no bn / activation), batch=None so no global pooling
    h = gcn_conv(h, edge_index, W3, b3)
    return h

if __name__ == "__main__":
    import jax
    _d = setup_inputs()
    print(jax.jit(kernel)(*tuple(_d.values())))

</pallas_src>

<mosaic_0001>
#map = affine_map<(d0, d1) -> (0, 0)>
#map1 = affine_map<(d0, d1) -> (0, 0, 0)>
module attributes {stable_mosaic.version = 14 : i64} {
  func.func @_sc_agg(%arg0: i32, %arg1: i32, %arg2: memref<10240x128xf32, #tpu.memory_space<hbm>>, %arg3: memref<32x80x128xi32, #tpu.memory_space<hbm>>, %arg4: memref<32x80x128xi32, #tpu.memory_space<hbm>>, %arg5: memref<2x10240x128xf32, #tpu.memory_space<hbm>>, %arg6: memref<128xi32, #tpu.memory_space<vmem>>, %arg7: memref<128xi32, #tpu.memory_space<vmem>>, %arg8: memref<128x128xf32, #tpu.memory_space<vmem>>, %arg9: memref<128x128xf32, #tpu.memory_space<vmem>>, %arg10: memref<80x128xi32, #tpu.memory_space<vmem>>, %arg11: memref<10240x128xf32, #tpu.memory_space<vmem_shared>>, %arg12: memref<!tpu.dma_semaphore, #tpu.memory_space<semaphore_mem>>, %arg13: memref<!tpu.dma_semaphore, #tpu.memory_space<semaphore_mem>>, %arg14: memref<!tpu.dma_semaphore, #tpu.memory_space<semaphore_mem>>, %arg15: memref<!tpu.dma_semaphore, #tpu.memory_space<semaphore_mem>>) attributes {dimension_semantics = [#tpu.dimension_semantics<core_parallel>, #tpu.dimension_semantics<subcore_parallel>], iteration_bounds = array<i64: 2, 16>, scalar_prefetch = 0 : i64, scratch_operands = 10 : i64, tpu.core_type = #tpu.core_type<sc_vector_subcore>, window_params = [{transform_indices = #map}, {transform_indices = #map1}, {transform_indices = #map1}, {transform_indices = #map1}]} {
    %mul3A = arith.constant 16 : i32
    %mul3A_0 = arith.muli %arg0, %mul3A : i32
    %add3A = arith.addi %mul3A_0, %arg1 : i32
    "tpu.region"() ({
      %run_scoped3A_56 = tpu.sem_alloc : memref<!tpu.dma_semaphore, #tpu.memory_space<semaphore_mem>>
      %dma_start3A_57 = arith.constant 0 : i32
      %dma_start3A_58 = arith.constant 0 : i32
      %dma_start3A_59 = tpu.memref_slice %arg4[%add3A, %dma_start3A_57, %dma_start3A_58] : memref<32x80x128xi32, #tpu.memory_space<hbm>> -> memref<1x80x128xi32, #tpu.memory_space<hbm>>
      %dma_start3A_60 = tpu.memref_squeeze %dma_start3A_59 : memref<1x80x128xi32, #tpu.memory_space<hbm>> -> memref<80x128xi32, #tpu.memory_space<hbm>>
      %dma_start3A_61 = arith.constant 0 : i32
      %dma_start3A_62 = arith.constant 0 : i32
      %dma_start3A_63 = tpu.memref_slice %arg4[%add3A, %dma_start3A_61, %dma_start3A_62] : memref<32x80x128xi32, #tpu.memory_space<hbm>> -> memref<1x80x128xi32, #tpu.memory_space<hbm>>
      %dma_start3A_64 = tpu.memref_squeeze %dma_start3A_63 : memref<1x80x128xi32, #tpu.memory_space<hbm>> -> memref<80x128xi32, #tpu.memory_space<hbm>>
      tpu.enqueue_dma source(%dma_start3A_64 : memref<80x128xi32, #tpu.memory_space<hbm>>) target(%arg10 : memref<80x128xi32, #tpu.memory_space<vmem>>) target_semaphore(%run_scoped3A_56 : memref<!tpu.dma_semaphore, #tpu.memory_space<semaphore_mem>>)
      %dma_wait3A_65 = arith.constant 0 : i32
      %dma_wait3A_66 = arith.constant 0 : i32
      %dma_wait3A_67 = tpu.memref_slice %arg4[%add3A, %dma_wait3A_65, %dma_wait3A_66] : memref<32x80x128xi32, #tpu.memory_space<hbm>> -> memref<1x80x128xi32, #tpu.memory_space<hbm>>
      %dma_wait3A_68 = tpu.memref_squeeze %dma_wait3A_67 : memref<1x80x128xi32, #tpu.memory_space<hbm>> -> memref<80x128xi32, #tpu.memory_space<hbm>>
      %dma_wait3A_69 = arith.constant 0 : i32
      %dma_wait3A_70 = arith.constant 0 : i32
      %dma_wait3A_71 = tpu.memref_slice %arg4[%add3A, %dma_wait3A_69, %dma_wait3A_70] : memref<32x80x128xi32, #tpu.memory_space<hbm>> -> memref<1x80x128xi32, #tpu.memory_space<hbm>>
      %dma_wait3A_72 = tpu.memref_squeeze %dma_wait3A_71 : memref<1x80x128xi32, #tpu.memory_space<hbm>> -> memref<80x128xi32, #tpu.memory_space<hbm>>
      tpu.wait_dma2 semaphore(%run_scoped3A_56 : memref<!tpu.dma_semaphore, #tpu.memory_space<semaphore_mem>>) src(%dma_wait3A_72 : memref<80x128xi32, #tpu.memory_space<hbm>>) dst(%arg10 : memref<80x128xi32, #tpu.memory_space<vmem>>)
      tpu.yield
    }) : () -> ()
    %run_scoped3A = arith.constant 0 : i32
    "tpu.region"() ({
      %run_scoped3A_56 = tpu.sem_alloc : memref<!tpu.dma_semaphore, #tpu.memory_space<semaphore_mem>>
      %dma_start3A_57 = arith.constant 0 : i32
      %dma_start3A_58 = tpu.memref_slice %arg3[%add3A, %run_scoped3A, %dma_start3A_57] : memref<32x80x128xi32, #tpu.memory_space<hbm>> -> memref<1x1x128xi32, #tpu.memory_space<hbm>>
      %dma_start3A_59 = tpu.memref_squeeze %dma_start3A_58 : memref<1x1x128xi32, #tpu.memory_space<hbm>> -> memref<128xi32, #tpu.memory_space<hbm>>
      %dma_start3A_60 = arith.constant 0 : i32
      %dma_start3A_61 = tpu.memref_slice %arg3[%add3A, %run_scoped3A, %dma_start3A_60] : memref<32x80x128xi32, #tpu.memory_space<hbm>> -> memref<1x1x128xi32, #tpu.memory_space<hbm>>
      %dma_start3A_62 = tpu.memref_squeeze %dma_start3A_61 : memref<1x1x128xi32, #tpu.memory_space<hbm>> -> memref<128xi32, #tpu.memory_space<hbm>>
      tpu.enqueue_dma source(%dma_start3A_62 : memref<128xi32, #tpu.memory_space<hbm>>) target(%arg6 : memref<128xi32, #tpu.memory_space<vmem>>) target_semaphore(%run_scoped3A_56 : memref<!tpu.dma_semaphore, #tpu.memory_space<semaphore_mem>>)
      %dma_wait3A_63 = arith.constant 0 : i32
      %dma_wait3A_64 = tpu.memref_slice %arg3[%add3A, %run_scoped3A, %dma_wait3A_63] : memref<32x80x128xi32, #tpu.memory_space<hbm>> -> memref<1x1x128xi32, #tpu.memory_space<hbm>>
      %dma_wait3A_65 = tpu.memref_squeeze %dma_wait3A_64 : memref<1x1x128xi32, #tpu.memory_space<hbm>> -> memref<128xi32, #tpu.memory_space<hbm>>
      %dma_wait3A_66 = arith.constant 0 : i32
      %dma_wait3A_67 = tpu.memref_slice %arg3[%add3A, %run_scoped3A, %dma_wait3A_66] : memref<32x80x128xi32, #tpu.memory_space<hbm>> -> memref<1x1x128xi32, #tpu.memory_space<hbm>>
      %dma_wait3A_68 = tpu.memref_squeeze %dma_wait3A_67 : memref<1x1x128xi32, #tpu.memory_space<hbm>> -> memref<128xi32, #tpu.memory_space<hbm>>
      tpu.wait_dma2 semaphore(%run_scoped3A_56 : memref<!tpu.dma_semaphore, #tpu.memory_space<semaphore_mem>>) src(%dma_wait3A_68 : memref<128xi32, #tpu.memory_space<hbm>>) dst(%arg6 : memref<128xi32, #tpu.memory_space<vmem>>)
      tpu.yield
    }) : () -> ()
    %dma_start3A = arith.constant 0 : i32
    %dma_start3A_1 = arith.constant 0 : i32
    %dma_start3A_2 = tpu.memref_slice %arg2[%dma_start3A, %dma_start3A_1] : memref<10240x128xf32, #tpu.memory_space<hbm>> -> memref<10240x128xf32, #tpu.memory_space<hbm>>
    tpu.enqueue_indirect_dma source(%dma_start3A_2 : memref<10240x128xf32, #tpu.memory_space<hbm>>) target(%arg8 : memref<128x128xf32, #tpu.memory_space<vmem>>) offsets(%arg6 : memref<128xi32, #tpu.memory_space<vmem>>) semaphore(%arg12 : memref<!tpu.dma_semaphore, #tpu.memory_space<semaphore_mem>>)
    %dma_start3A_3 = arith.constant 1 : i32
    %dma_start3A_4 = arith.constant 0 : i32
    %dma_start3A_5 = tpu.memref_slice %arg3[%add3A, %dma_start3A_3, %dma_start3A_4] : memref<32x80x128xi32, #tpu.memory_space<hbm>> -> memref<1x1x128xi32, #tpu.memory_space<hbm>>
    %dma_start3A_6 = tpu.memref_squeeze %dma_start3A_5 : memref<1x1x128xi32, #tpu.memory_space<hbm>> -> memref<128xi32, #tpu.memory_space<hbm>>
    %dma_start3A_7 = arith.constant 0 : i32
    %dma_start3A_8 = tpu.memref_slice %arg3[%add3A, %dma_start3A_3, %dma_start3A_7] : memref<32x80x128xi32, #tpu.memory_space<hbm>> -> memref<1x1x128xi32, #tpu.memory_space<hbm>>
    %dma_start3A_9 = tpu.memref_squeeze %dma_start3A_8 : memref<1x1x128xi32, #tpu.memory_space<hbm>> -> memref<128xi32, #tpu.memory_space<hbm>>
    tpu.enqueue_dma source(%dma_start3A_9 : memref<128xi32, #tpu.memory_space<hbm>>) target(%arg7 : memref<128xi32, #tpu.memory_space<vmem>>) target_semaphore(%arg15 : memref<!tpu.dma_semaphore, #tpu.memory_space<semaphore_mem>>)
    %broadcast_in_dim3A = arith.constant 0.000000e+00 : f32
    %broadcast_in_dim3A_10 = vector.broadcast %broadcast_in_dim3A : f32 to vector<16xf32>
    %scan3A = arith.constant 0 : i32
    %scan3A_11 = arith.constant 0 : i32
    %scan3A_12 = arith.constant 128 : i32
    %scan3A_13 = arith.addi %scan3A_11, %scan3A_12 : i32
    %scan3A_14 = arith.constant 1 : i32
    scf.for %scan3A_56 = %scan3A_11 to %scan3A_13 step %scan3A_14  : i32 {
      %swap3A = arith.index_cast %scan3A_56 : i32 to index
      %swap3A_57 = arith.constant 0 : index
      %swap3A_58 = tpu.vector_load %arg9[%swap3A, %swap3A_57] {strides = array<i32>} : memref<128x128xf32, #tpu.memory_space<vmem>>, vector<1x16xf32>,
      %swap3A_59 = vector.shape_cast %swap3A_58 : vector<1x16xf32> to vector<16xf32>
      %swap3A_60 = vector.shape_cast %broadcast_in_dim3A_10 : vector<16xf32> to vector<1x16xf32>
      tpu.vector_store %arg9[%swap3A, %swap3A_57], %swap3A_60 {strides = array<i32>} : memref<128x128xf32, #tpu.memory_space<vmem>>, vector<1x16xf32>,
      %swap3A_61 = arith.index_cast %scan3A_56 : i32 to index
      %swap3A_62 = arith.constant 16 : index
      %swap3A_63 = tpu.vector_load %arg9[%swap3A_61, %swap3A_62] {strides = array<i32>} : memref<128x128xf32, #tpu.memory_space<vmem>>, vector<1x16xf32>,
      %swap3A_64 = vector.shape_cast %swap3A_63 : vector<1x16xf32> to vector<16xf32>
      %swap3A_65 = vector.shape_cast %broadcast_in_dim3A_10 : vector<16xf32> to vector<1x16xf32>
      tpu.vector_store %arg9[%swap3A_61, %swap3A_62], %swap3A_65 {strides = array<i32>} : memref<128x128xf32, #tpu.memory_space<vmem>>, vector<1x16xf32>,
      %swap3A_66 = arith.index_cast %scan3A_56 : i32 to index
      %swap3A_67 = arith.constant 32 : index
      %swap3A_68 = tpu.vector_load %arg9[%swap3A_66, %swap3A_67] {strides = array<i32>} : memref<128x128xf32, #tpu.memory_space<vmem>>, vector<1x16xf32>,
      %swap3A_69 = vector.shape_cast %swap3A_68 : vector<1x16xf32> to vector<16xf32>
      %swap3A_70 = vector.shape_cast %broadcast_in_dim3A_10 : vector<16xf32> to vector<1x16xf32>
      tpu.vector_store %arg9[%swap3A_66, %swap3A_67], %swap3A_70 {strides = array<i32>} : memref<128x128xf32, #tpu.memory_space<vmem>>, vector<1x16xf32>,
      %swap3A_71 = arith.index_cast %scan3A_56 : i32 to index
      %swap3A_72 = arith.constant 48 : index
      %swap3A_73 = tpu.vector_load %arg9[%swap3A_71, %swap3A_72] {strides = array<i32>} : memref<128x128xf32, #tpu.memory_space<vmem>>, vector<1x16xf32>,
      %swap3A_74 = vector.shape_cast %swap3A_73 : vector<1x16xf32> to vector<16xf32>
      %swap3A_75 = vector.shape_cast %broadcast_in_dim3A_10 : vector<16xf32> to vector<1x16xf32>
      tpu.vector_store %arg9[%swap3A_71, %swap3A_72], %swap3A_75 {strides = array<i32>} : memref<128x128xf32, #tpu.memory_space<vmem>>, vector<1x16xf32>,
      %swap3A_76 = arith.index_cast %scan3A_56 : i32 to index
      %swap3A_77 = arith.constant 64 : index
      %swap3A_78 = tpu.vector_load %arg9[%swap3A_76, %swap3A_77] {strides = array<i32>} : memref<128x128xf32, #tpu.memory_space<vmem>>, vector<1x16xf32>,
      %swap3A_79 = vector.shape_cast %swap3A_78 : vector<1x16xf32> to vector<16xf32>
      %swap3A_80 = vector.shape_cast %broadcast_in_dim3A_10 : vector<16xf32> to vector<1x16xf32>
      tpu.vector_store %arg9[%swap3A_76, %swap3A_77], %swap3A_80 {strides = array<i32>} : memref<128x128xf32, #tpu.memory_space<vmem>>, vector<1x16xf32>,
      %swap3A_81 = arith.index_cast %scan3A_56 : i32 to index
      %swap3A_82 = arith.constant 80 : index
      %swap3A_83 = tpu.vector_load %arg9[%swap3A_81, %swap3A_82] {strides = array<i32>} : memref<128x128xf32, #tpu.memory_space<vmem>>, vector<1x16xf32>,
      %swap3A_84 = vector.shape_cast %swap3A_83 : vector<1x16xf32> to vector<16xf32>
      %swap3A_85 = vector.shape_cast %broadcast_in_dim3A_10 : vector<16xf32> to vector<1x16xf32>
      tpu.vector_store %arg9[%swap3A_81, %swap3A_82], %swap3A_85 {strides = array<i32>} : memref<128x128xf32, #tpu.memory_space<vmem>>, vector<1x16xf32>,
      %swap3A_86 = arith.index_cast %scan3A_56 : i32 to index
      %swap3A_87 = arith.constant 96 : index
      %swap3A_88 = tpu.vector_load %arg9[%swap3A_86, %swap3A_87] {strides = array<i32>} : memref<128x128xf32, #tpu.memory_space<vmem>>, vector<1x16xf32>,
      %swap3A_89 = vector.shape_cast %swap3A_88 : vector<1x16xf32> to vector<16xf32>
      %swap3A_90 = vector.shape_cast %broadcast_in_dim3A_10 : vector<16xf32> to vector<1x16xf32>
      tpu.vector_store %arg9[%swap3A_86, %swap3A_87], %swap3A_90 {strides = array<i32>} : memref<128x128xf32, #tpu.memory_space<vmem>>, vector<1x16xf32>,
      %swap3A_91 = arith.index_cast %scan3A_56 : i32 to index
      %swap3A_92 = arith.constant 112 : index
      %swap3A_93 = tpu.vector_load %arg9[%swap3A_91, %swap3A_92] {strides = array<i32>} : memref<128x128xf32, #tpu.memory_space<vmem>>, vector<1x16xf32>,
      %swap3A_94 = vector.shape_cast %swap3A_93 : vector<1x16xf32> to vector<16xf32>
      %swap3A_95 = vector.shape_cast %broadcast_in_dim3A_10 : vector<16xf32> to vector<1x16xf32>
      tpu.vector_store %arg9[%swap3A_91, %swap3A_92], %swap3A_95 {strides = array<i32>} : memref<128x128xf32, #tpu.memory_space<vmem>>, vector<1x16xf32>,
    }
    %scan3A_15 = arith.constant 128 : i32
    %mul3A_16 = arith.constant 640 : i32
    %mul3A_17 = arith.muli %arg1, %mul3A_16 : i32
    %add3A_18 = arith.constant 0 : i32
    %add3A_19 = arith.addi %mul3A_17, %add3A_18 : i32
    "tpu.region"() ({
      %run_scoped3A_56 = tpu.sem_alloc : memref<!tpu.dma_semaphore, #tpu.memory_space<semaphore_mem>>
      %dma_start3A_57 = arith.constant 0 : i32
      %dma_start3A_58 = tpu.memref_slice %arg11[%add3A_19, %dma_start3A_57] : memref<10240x128xf32, #tpu.memory_space<vmem_shared>> -> memref<128x128xf32, #tpu.memory_space<vmem_shared>>
      %dma_start3A_59 = arith.constant 0 : i32
      %dma_start3A_60 = tpu.memref_slice %arg11[%add3A_19, %dma_start3A_59] : memref<10240x128xf32, #tpu.memory_space<vmem_shared>> -> memref<128x128xf32, #tpu.memory_space<vmem_shared>>
      tpu.enqueue_dma source(%arg9 : memref<128x128xf32, #tpu.memory_space<vmem>>) target(%dma_start3A_60 : memref<128x128xf32, #tpu.memory_space<vmem_shared>>) target_semaphore(%run_scoped3A_56 : memref<!tpu.dma_semaphore, #tpu.memory_space<semaphore_mem>>)
      %dma_wait3A_61 = arith.constant 0 : i32
      %dma_wait3A_62 = tpu.memref_slice %arg11[%add3A_19, %dma_wait3A_61] : memref<10240x128xf32, #tpu.memory_space<vmem_shared>> -> memref<128x128xf32, #tpu.memory_space<vmem_shared>>
      %dma_wait3A_63 = arith.constant 0 : i32
      %dma_wait3A_64 = tpu.memref_slice %arg11[%add3A_19, %dma_wait3A_63] : memref<10240x128xf32, #tpu.memory_space<vmem_shared>> -> memref<128x128xf32, #tpu.memory_space<vmem_shared>>
      tpu.wait_dma2 semaphore(%run_scoped3A_56 : memref<!tpu.dma_semaphore, #tpu.memory_space<semaphore_mem>>) src(%arg9 : memref<128x128xf32, #tpu.memory_space<vmem>>) dst(%dma_wait3A_64 : memref<128x128xf32, #tpu.memory_space<vmem_shared>>)
      tpu.yield
    }) : () -> ()
    %mul3A_20 = arith.constant 640 : i32
    %mul3A_21 = arith.muli %arg1, %mul3A_20 : i32
    %add3A_22 = arith.constant 128 : i32
    %add3A_23 = arith.addi %mul3A_21, %add3A_22 : i32
    "tpu.region"() ({
      %run_scoped3A_56 = tpu.sem_alloc : memref<!tpu.dma_semaphore, #tpu.memory_space<semaphore_mem>>
      %dma_start3A_57 = arith.constant 0 : i32
      %dma_start3A_58 = tpu.memref_slice %arg11[%add3A_23, %dma_start3A_57] : memref<10240x128xf32, #tpu.memory_space<vmem_shared>> -> memref<128x128xf32, #tpu.memory_space<vmem_shared>>
      %dma_start3A_59 = arith.constant 0 : i32
      %dma_start3A_60 = tpu.memref_slice %arg11[%add3A_23, %dma_start3A_59] : memref<10240x128xf32, #tpu.memory_space<vmem_shared>> -> memref<128x128xf32, #tpu.memory_space<vmem_shared>>
      tpu.enqueue_dma source(%arg9 : memref<128x128xf32, #tpu.memory_space<vmem>>) target(%dma_start3A_60 : memref<128x128xf32, #tpu.memory_space<vmem_shared>>) target_semaphore(%run_scoped3A_56 : memref<!tpu.dma_semaphore, #tpu.memory_space<semaphore_mem>>)
      %dma_wait3A_61 = arith.constant 0 : i32
      %dma_wait3A_62 = tpu.memref_slice %arg11[%add3A_23, %dma_wait3A_61] : memref<10240x128xf32, #tpu.memory_space<vmem_shared>> -> memref<128x128xf32, #tpu.memory_space<vmem_shared>>
      %dma_wait3A_63 = arith.constant 0 : i32
      %dma_wait3A_64 = tpu.memref_slice %arg11[%add3A_23, %dma_wait3A_63] : memref<10240x128xf32, #tpu.memory_space<vmem_shared>> -> memref<128x128xf32, #tpu.memory_space<vmem_shared>>
      tpu.wait_dma2 semaphore(%run_scoped3A_56 : memref<!tpu.dma_semaphore, #tpu.memory_space<semaphore_mem>>) src(%arg9 : memref<128x128xf32, #tpu.memory_space<vmem>>) dst(%dma_wait3A_64 : memref<128x128xf32, #tpu.memory_space<vmem_shared>>)
      tpu.yield
    }) : () -> ()
    %mul3A_24 = arith.constant 640 : i32
    %mul3A_25 = arith.muli %arg1, %mul3A_24 : i32
    %add3A_26 = arith.constant 256 : i32
    %add3A_27 = arith.addi %mul3A_25, %add3A_26 : i32
    "tpu.region"() ({
      %run_scoped3A_56 = tpu.sem_alloc : memref<!tpu.dma_semaphore, #tpu.memory_space<semaphore_mem>>
      %dma_start3A_57 = arith.constant 0 : i32
      %dma_start3A_58 = tpu.memref_slice %arg11[%add3A_27, %dma_start3A_57] : memref<10240x128xf32, #tpu.memory_space<vmem_shared>> -> memref<128x128xf32, #tpu.memory_space<vmem_shared>>
      %dma_start3A_59 = arith.constant 0 : i32
      %dma_start3A_60 = tpu.memref_slice %arg11[%add3A_27, %dma_start3A_59] : memref<10240x128xf32, #tpu.memory_space<vmem_shared>> -> memref<128x128xf32, #tpu.memory_space<vmem_shared>>
      tpu.enqueue_dma source(%arg9 : memref<128x128xf32, #tpu.memory_space<vmem>>) target(%dma_start3A_60 : memref<128x128xf32, #tpu.memory_space<vmem_shared>>) target_semaphore(%run_scoped3A_56 : memref<!tpu.dma_semaphore, #tpu.memory_space<semaphore_mem>>)
      %dma_wait3A_61 = arith.constant 0 : i32
      %dma_wait3A_62 = tpu.memref_slice %arg11[%add3A_27, %dma_wait3A_61] : memref<10240x128xf32, #tpu.memory_space<vmem_shared>> -> memref<128x128xf32, #tpu.memory_space<vmem_shared>>
      %dma_wait3A_63 = arith.constant 0 : i32
      %dma_wait3A_64 = tpu.memref_slice %arg11[%add3A_27, %dma_wait3A_63] : memref<10240x128xf32, #tpu.memory_space<vmem_shared>> -> memref<128x128xf32, #tpu.memory_space<vmem_shared>>
      tpu.wait_dma2 semaphore(%run_scoped3A_56 : memref<!tpu.dma_semaphore, #tpu.memory_space<semaphore_mem>>) src(%arg9 : memref<128x128xf32, #tpu.memory_space<vmem>>) dst(%dma_wait3A_64 : memref<128x128xf32, #tpu.memory_space<vmem_shared>>)
      tpu.yield
    }) : () -> ()
    %mul3A_28 = arith.constant 640 : i32
    %mul3A_29 = arith.muli %arg1, %mul3A_28 : i32
    %add3A_30 = arith.constant 384 : i32
    %add3A_31 = arith.addi %mul3A_29, %add3A_30 : i32
    "tpu.region"() ({
      %run_scoped3A_56 = tpu.sem_alloc : memref<!tpu.dma_semaphore, #tpu.memory_space<semaphore_mem>>
      %dma_start3A_57 = arith.constant 0 : i32
      %dma_start3A_58 = tpu.memref_slice %arg11[%add3A_31, %dma_start3A_57] : memref<10240x128xf32, #tpu.memory_space<vmem_shared>> -> memref<128x128xf32, #tpu.memory_space<vmem_shared>>
      %dma_start3A_59 = arith.constant 0 : i32
      %dma_start3A_60 = tpu.memref_slice %arg11[%add3A_31, %dma_start3A_59] : memref<10240x128xf32, #tpu.memory_space<vmem_shared>> -> memref<128x128xf32, #tpu.memory_space<vmem_shared>>
      tpu.enqueue_dma source(%arg9 : memref<128x128xf32, #tpu.memory_space<vmem>>) target(%dma_start3A_60 : memref<128x128xf32, #tpu.memory_space<vmem_shared>>) target_semaphore(%run_scoped3A_56 : memref<!tpu.dma_semaphore, #tpu.memory_space<semaphore_mem>>)
      %dma_wait3A_61 = arith.constant 0 : i32
      %dma_wait3A_62 = tpu.memref_slice %arg11[%add3A_31, %dma_wait3A_61] : memref<10240x128xf32, #tpu.memory_space<vmem_shared>> -> memref<128x128xf32, #tpu.memory_space<vmem_shared>>
      %dma_wait3A_63 = arith.constant 0 : i32
      %dma_wait3A_64 = tpu.memref_slice %arg11[%add3A_31, %dma_wait3A_63] : memref<10240x128xf32, #tpu.memory_space<vmem_shared>> -> memref<128x128xf32, #tpu.memory_space<vmem_shared>>
      tpu.wait_dma2 semaphore(%run_scoped3A_56 : memref<!tpu.dma_semaphore, #tpu.memory_space<semaphore_mem>>) src(%arg9 : memref<128x128xf32, #tpu.memory_space<vmem>>) dst(%dma_wait3A_64 : memref<128x128xf32, #tpu.memory_space<vmem_shared>>)
      tpu.yield
    }) : () -> ()
    %mul3A_32 = arith.constant 640 : i32
    %mul3A_33 = arith.muli %arg1, %mul3A_32 : i32
    %add3A_34 = arith.constant 512 : i32
    %add3A_35 = arith.addi %mul3A_33, %add3A_34 : i32
    "tpu.region"() ({
      %run_scoped3A_56 = tpu.sem_alloc : memref<!tpu.dma_semaphore, #tpu.memory_space<semaphore_mem>>
      %dma_start3A_57 = arith.constant 0 : i32
      %dma_start3A_58 = tpu.memref_slice %arg11[%add3A_35, %dma_start3A_57] : memref<10240x128xf32, #tpu.memory_space<vmem_shared>> -> memref<128x128xf32, #tpu.memory_space<vmem_shared>>
      %dma_start3A_59 = arith.constant 0 : i32
      %dma_start3A_60 = tpu.memref_slice %arg11[%add3A_35, %dma_start3A_59] : memref<10240x128xf32, #tpu.memory_space<vmem_shared>> -> memref<128x128xf32, #tpu.memory_space<vmem_shared>>
      tpu.enqueue_dma source(%arg9 : memref<128x128xf32, #tpu.memory_space<vmem>>) target(%dma_start3A_60 : memref<128x128xf32, #tpu.memory_space<vmem_shared>>) target_semaphore(%run_scoped3A_56 : memref<!tpu.dma_semaphore, #tpu.memory_space<semaphore_mem>>)
      %dma_wait3A_61 = arith.constant 0 : i32
      %dma_wait3A_62 = tpu.memref_slice %arg11[%add3A_35, %dma_wait3A_61] : memref<10240x128xf32, #tpu.memory_space<vmem_shared>> -> memref<128x128xf32, #tpu.memory_space<vmem_shared>>
      %dma_wait3A_63 = arith.constant 0 : i32
      %dma_wait3A_64 = tpu.memref_slice %arg11[%add3A_35, %dma_wait3A_63] : memref<10240x128xf32, #tpu.memory_space<vmem_shared>> -> memref<128x128xf32, #tpu.memory_space<vmem_shared>>
      tpu.wait_dma2 semaphore(%run_scoped3A_56 : memref<!tpu.dma_semaphore, #tpu.memory_space<semaphore_mem>>) src(%arg9 : memref<128x128xf32, #tpu.memory_space<vmem>>) dst(%dma_wait3A_64 : memref<128x128xf32, #tpu.memory_space<vmem_shared>>)
      tpu.yield
    }) : () -> ()
    %barrier3A = arith.constant 0 : index
    tpu.barrier barrier_id(%barrier3A)
    %scan3A_36 = arith.constant 0 : i32
    %scan3A_37 = arith.constant 0 : i32
    %scan3A_38 = arith.constant 40 : i32
    %scan3A_39 = arith.addi %scan3A_37, %scan3A_38 : i32
    %scan3A_40 = arith.constant 1 : i32
    scf.for %scan3A_56 = %scan3A_37 to %scan3A_39 step %scan3A_40  : i32 {
      %mul3A_57 = arith.constant 2 : i32
      %mul3A_58 = arith.muli %scan3A_56, %mul3A_57 : i32
      %add3A_59 = arith.constant 0 : i32
      %add3A_60 = arith.addi %mul3A_58, %add3A_59 : i32
      %add3A_61 = arith.constant 2 : i32
      %add3A_62 = arith.addi %add3A_60, %add3A_61 : i32
      %sub3A = arith.constant 1 : i32
      %sub3A_63 = arith.subi %add3A_62, %sub3A : i32
      %min3A = arith.constant 79 : i32
      %min3A_64 = arith.minsi %sub3A_63, %min3A : i32
      %add3A_65 = arith.constant 2 : i32
      %add3A_66 = arith.addi %add3A_60, %add3A_65 : i32
      %min3A_67 = arith.constant 79 : i32
      %min3A_68 = arith.minsi %add3A_66, %min3A_67 : i32
      %dma_wait3A_69 = arith.constant 0 : i32
      %dma_wait3A_70 = tpu.memref_slice %arg3[%add3A, %min3A_64, %dma_wait3A_69] : memref<32x80x128xi32, #tpu.memory_space<hbm>> -> memref<1x1x128xi32, #tpu.memory_space<hbm>>
      %dma_wait3A_71 = tpu.memref_squeeze %dma_wait3A_70 : memref<1x1x128xi32, #tpu.memory_space<hbm>> -> memref<128xi32, #tpu.memory_space<hbm>>
      %dma_wait3A_72 = arith.constant 0 : i32
      %dma_wait3A_73 = tpu.memref_slice %arg3[%add3A, %min3A_64, %dma_wait3A_72] : memref<32x80x128xi32, #tpu.memory_space<hbm>> -> memref<1x1x128xi32, #tpu.memory_space<hbm>>
      %dma_wait3A_74 = tpu.memref_squeeze %dma_wait3A_73 : memref<1x1x128xi32, #tpu.memory_space<hbm>> -> memref<128xi32, #tpu.memory_space<hbm>>
      tpu.wait_dma2 semaphore(%arg15 : memref<!tpu.dma_semaphore, #tpu.memory_space<semaphore_mem>>) src(%dma_wait3A_74 : memref<128xi32, #tpu.memory_space<hbm>>) dst(%arg7 : memref<128xi32, #tpu.memory_space<vmem>>)
      %dma_start3A_75 = arith.constant 0 : i32
      %dma_start3A_76 = arith.constant 0 : i32
      %dma_start3A_77 = tpu.memref_slice %arg2[%dma_start3A_75, %dma_start3A_76] : memref<10240x128xf32, #tpu.memory_space<hbm>> -> memref<10240x128xf32, #tpu.memory_space<hbm>>
      tpu.enqueue_indirect_dma source(%dma_start3A_77 : memref<10240x128xf32, #tpu.memory_space<hbm>>) target(%arg9 : memref<128x128xf32, #tpu.memory_space<vmem>>) offsets(%arg7 : memref<128xi32, #tpu.memory_space<vmem>>) semaphore(%arg13 : memref<!tpu.dma_semaphore, #tpu.memory_space<semaphore_mem>>)
      %dma_wait3A_78 = arith.constant 0 : i32
      %dma_wait3A_79 = arith.constant 0 : i32
      %dma_wait3A_80 = tpu.memref_slice %arg2[%dma_wait3A_78, %dma_wait3A_79] : memref<10240x128xf32, #tpu.memory_space<hbm>> -> memref<10240x128xf32, #tpu.memory_space<hbm>>
      tpu.wait_indirect_dma semaphore(%arg12 : memref<!tpu.dma_semaphore, #tpu.memory_space<semaphore_mem>>) src(%dma_wait3A_80 : memref<10240x128xf32, #tpu.memory_space<hbm>>) dst(%arg8 : memref<128x128xf32, #tpu.memory_space<vmem>>)
      %dma_start3A_81 = arith.constant 0 : i32
      %dma_start3A_82 = tpu.memref_slice %arg3[%add3A, %min3A_68, %dma_start3A_81] : memref<32x80x128xi32, #tpu.memory_space<hbm>> -> memref<1x1x128xi32, #tpu.memory_space<hbm>>
      %dma_start3A_83 = tpu.memref_squeeze %dma_start3A_82 : memref<1x1x128xi32, #tpu.memory_space<hbm>> -> memref<128xi32, #tpu.memory_space<hbm>>
      %dma_start3A_84 = arith.constant 0 : i32
      %dma_start3A_85 = tpu.memref_slice %arg3[%add3A, %min3A_68, %dma_start3A_84] : memref<32x80x128xi32, #tpu.memory_space<hbm>> -> memref<1x1x128xi32, #tpu.memory_space<hbm>>
      %dma_start3A_86 = tpu.memref_squeeze %dma_start3A_85 : memref<1x1x128xi32, #tpu.memory_space<hbm>> -> memref<128xi32, #tpu.memory_space<hbm>>
      tpu.enqueue_dma source(%dma_start3A_86 : memref<128xi32, #tpu.memory_space<hbm>>) target(%arg6 : memref<128xi32, #tpu.memory_space<vmem>>) target_semaphore(%arg14 : memref<!tpu.dma_semaphore, #tpu.memory_space<semaphore_mem>>)
      "tpu.region"() ({
        %run_scoped3A_119 = tpu.sem_alloc : memref<!tpu.dma_semaphore, #tpu.memory_space<semaphore_mem>>
        %dma_start3A_120 = arith.constant 0 : i32
        %dma_start3A_121 = tpu.memref_slice %arg10[%add3A_60, %dma_start3A_120] : memref<80x128xi32, #tpu.memory_space<vmem>> -> memref<1x128xi32, #tpu.memory_space<vmem>>
        %dma_start3A_122 = tpu.memref_squeeze %dma_start3A_121 : memref<1x128xi32, #tpu.memory_space<vmem>> -> memref<128xi32, #tpu.memory_space<vmem>>
        %dma_start3A_123 = arith.constant 0 : i32
        %dma_start3A_124 = arith.constant 0 : i32
        %dma_start3A_125 = tpu.memref_slice %arg11[%dma_start3A_123, %dma_start3A_124] : memref<10240x128xf32, #tpu.memory_space<vmem_shared>> -> memref<10240x128xf32, #tpu.memory_space<vmem_shared>>
        tpu.enqueue_indirect_dma source(%arg8 : memref<128x128xf32, #tpu.memory_space<vmem>>) target(%dma_start3A_125 : memref<10240x128xf32, #tpu.memory_space<vmem_shared>>) offsets(%dma_start3A_122 : memref<128xi32, #tpu.memory_space<vmem>>) semaphore(%run_scoped3A_119 : memref<!tpu.dma_semaphore, #tpu.memory_space<semaphore_mem>>) {add = true}
        %dma_wait3A_126 = arith.constant 0 : i32
        %dma_wait3A_127 = tpu.memref_slice %arg10[%add3A_60, %dma_wait3A_126] : memref<80x128xi32, #tpu.memory_space<vmem>> -> memref<1x128xi32, #tpu.memory_space<vmem>>
        %dma_wait3A_128 = tpu.memref_squeeze %dma_wait3A_127 : memref<1x128xi32, #tpu.memory_space<vmem>> -> memref<128xi32, #tpu.memory_space<vmem>>
        %dma_wait3A_129 = arith.constant 0 : i32
        %dma_wait3A_130 = arith.constant 0 : i32
        %dma_wait3A_131 = tpu.memref_slice %arg11[%dma_wait3A_129, %dma_wait3A_130] : memref<10240x128xf32, #tpu.memory_space<vmem_shared>> -> memref<10240x128xf32, #tpu.memory_space<vmem_shared>>
        tpu.wait_indirect_dma semaphore(%run_scoped3A_119 : memref<!tpu.dma_semaphore, #tpu.memory_space<semaphore_mem>>) src(%arg8 : memref<128x128xf32, #tpu.memory_space<vmem>>) dst(%dma_wait3A_131 : memref<10240x128xf32, #tpu.memory_space<vmem_shared>>)
        tpu.yield
      }) : () -> ()
      %mul3A_87 = arith.constant 2 : i32
      %mul3A_88 = arith.muli %scan3A_56, %mul3A_87 : i32
      %add3A_89 = arith.constant 1 : i32
      %add3A_90 = arith.addi %mul3A_88, %add3A_89 : i32
      %add3A_91 = arith.constant 2 : i32
      %add3A_92 = arith.addi %add3A_90, %add3A_91 : i32
      %sub3A_93 = arith.constant 1 : i32
      %sub3A_94 = arith.subi %add3A_92, %sub3A_93 : i32
      %min3A_95 = arith.constant 79 : i32
      %min3A_96 = arith.minsi %sub3A_94, %min3A_95 : i32
      %add3A_97 = arith.constant 2 : i32
      %add3A_98 = arith.addi %add3A_90, %add3A_97 : i32
      %min3A_99 = arith.constant 79 : i32
      %min3A_100 = arith.minsi %add3A_98, %min3A_99 : i32
      %dma_wait3A_101 = arith.constant 0 : i32
      %dma_wait3A_102 = tpu.memref_slice %arg3[%add3A, %min3A_96, %dma_wait3A_101] : memref<32x80x128xi32, #tpu.memory_space<hbm>> -> memref<1x1x128xi32, #tpu.memory_space<hbm>>
      %dma_wait3A_103 = tpu.memref_squeeze %dma_wait3A_102 : memref<1x1x128xi32, #tpu.memory_space<hbm>> -> memref<128xi32, #tpu.memory_space<hbm>>
      %dma_wait3A_104 = arith.constant 0 : i32
      %dma_wait3A_105 = tpu.memref_slice %arg3[%add3A, %min3A_96, %dma_wait3A_104] : memref<32x80x128xi32, #tpu.memory_space<hbm>> -> memref<1x1x128xi32, #tpu.memory_space<hbm>>
      %dma_wait3A_106 = tpu.memref_squeeze %dma_wait3A_105 : memref<1x1x128xi32, #tpu.memory_space<hbm>> -> memref<128xi32, #tpu.memory_space<hbm>>
      tpu.wait_dma2 semaphore(%arg14 : memref<!tpu.dma_semaphore, #tpu.memory_space<semaphore_mem>>) src(%dma_wait3A_106 : memref<128xi32, #tpu.memory_space<hbm>>) dst(%arg6 : memref<128xi32, #tpu.memory_space<vmem>>)
      %dma_start3A_107 = arith.constant 0 : i32
      %dma_start3A_108 = arith.constant 0 : i32
      %dma_start3A_109 = tpu.memref_slice %arg2[%dma_start3A_107, %dma_start3A_108] : memref<10240x128xf32, #tpu.memory_space<hbm>> -> memref<10240x128xf32, #tpu.memory_space<hbm>>
      tpu.enqueue_indirect_dma source(%dma_start3A_109 : memref<10240x128xf32, #tpu.memory_space<hbm>>) target(%arg8 : memref<128x128xf32, #tpu.memory_space<vmem>>) offsets(%arg6 : memref<128xi32, #tpu.memory_space<vmem>>) semaphore(%arg12 : memref<!tpu.dma_semaphore, #tpu.memory_space<semaphore_mem>>)
      %dma_wait3A_110 = arith.constant 0 : i32
      %dma_wait3A_111 = arith.constant 0 : i32
      %dma_wait3A_112 = tpu.memref_slice %arg2[%dma_wait3A_110, %dma_wait3A_111] : memref<10240x128xf32, #tpu.memory_space<hbm>> -> memref<10240x128xf32, #tpu.memory_space<hbm>>
      tpu.wait_indirect_dma semaphore(%arg13 : memref<!tpu.dma_semaphore, #tpu.memory_space<semaphore_mem>>) src(%dma_wait3A_112 : memref<10240x128xf32, #tpu.memory_space<hbm>>) dst(%arg9 : memref<128x128xf32, #tpu.memory_space<vmem>>)
      %dma_start3A_113 = arith.constant 0 : i32
      %dma_start3A_114 = tpu.memref_slice %arg3[%add3A, %min3A_100, %dma_start3A_113] : memref<32x80x128xi32, #tpu.memory_space<hbm>> -> memref<1x1x128xi32, #tpu.memory_space<hbm>>
      %dma_start3A_115 = tpu.memref_squeeze %dma_start3A_114 : memref<1x1x128xi32, #tpu.memory_space<hbm>> -> memref<128xi32, #tpu.memory_space<hbm>>
      %dma_start3A_116 = arith.constant 0 : i32
      %dma_start3A_117 = tpu.memref_slice %arg3[%add3A, %min3A_100, %dma_start3A_116] : memref<32x80x128xi32, #tpu.memory_space<hbm>> -> memref<1x1x128xi32, #tpu.memory_space<hbm>>
      %dma_start3A_118 = tpu.memref_squeeze %dma_start3A_117 : memref<1x1x128xi32, #tpu.memory_space<hbm>> -> memref<128xi32, #tpu.memory_space<hbm>>
      tpu.enqueue_dma source(%dma_start3A_118 : memref<128xi32, #tpu.memory_space<hbm>>) target(%arg7 : memref<128xi32, #tpu.memory_space<vmem>>) target_semaphore(%arg15 : memref<!tpu.dma_semaphore, #tpu.memory_space<semaphore_mem>>)
      "tpu.region"() ({
        %run_scoped3A_119 = tpu.sem_alloc : memref<!tpu.dma_semaphore, #tpu.memory_space<semaphore_mem>>
        %dma_start3A_120 = arith.constant 0 : i32
        %dma_start3A_121 = tpu.memref_slice %arg10[%add3A_90, %dma_start3A_120] : memref<80x128xi32, #tpu.memory_space<vmem>> -> memref<1x128xi32, #tpu.memory_space<vmem>>
        %dma_start3A_122 = tpu.memref_squeeze %dma_start3A_121 : memref<1x128xi32, #tpu.memory_space<vmem>> -> memref<128xi32, #tpu.memory_space<vmem>>
        %dma_start3A_123 = arith.constant 0 : i32
        %dma_start3A_124 = arith.constant 0 : i32
        %dma_start3A_125 = tpu.memref_slice %arg11[%dma_start3A_123, %dma_start3A_124] : memref<10240x128xf32, #tpu.memory_space<vmem_shared>> -> memref<10240x128xf32, #tpu.memory_space<vmem_shared>>
        tpu.enqueue_indirect_dma source(%arg9 : memref<128x128xf32, #tpu.memory_space<vmem>>) target(%dma_start3A_125 : memref<10240x128xf32, #tpu.memory_space<vmem_shared>>) offsets(%dma_start3A_122 : memref<128xi32, #tpu.memory_space<vmem>>) semaphore(%run_scoped3A_119 : memref<!tpu.dma_semaphore, #tpu.memory_space<semaphore_mem>>) {add = true}
        %dma_wait3A_126 = arith.constant 0 : i32
        %dma_wait3A_127 = tpu.memref_slice %arg10[%add3A_90, %dma_wait3A_126] : memref<80x128xi32, #tpu.memory_space<vmem>> -> memref<1x128xi32, #tpu.memory_space<vmem>>
        %dma_wait3A_128 = tpu.memref_squeeze %dma_wait3A_127 : memref<1x128xi32, #tpu.memory_space<vmem>> -> memref<128xi32, #tpu.memory_space<vmem>>
        %dma_wait3A_129 = arith.constant 0 : i32
        %dma_wait3A_130 = arith.constant 0 : i32
        %dma_wait3A_131 = tpu.memref_slice %arg11[%dma_wait3A_129, %dma_wait3A_130] : memref<10240x128xf32, #tpu.memory_space<vmem_shared>> -> memref<10240x128xf32, #tpu.memory_space<vmem_shared>>
        tpu.wait_indirect_dma semaphore(%run_scoped3A_119 : memref<!tpu.dma_semaphore, #tpu.memory_space<semaphore_mem>>) src(%arg9 : memref<128x128xf32, #tpu.memory_space<vmem>>) dst(%dma_wait3A_131 : memref<10240x128xf32, #tpu.memory_space<vmem_shared>>)
        tpu.yield
      }) : () -> ()
    }
    %scan3A_41 = arith.constant 40 : i32
    %dma_wait3A = arith.constant 0 : i32
    %dma_wait3A_42 = arith.constant 0 : i32
    %dma_wait3A_43 = tpu.memref_slice %arg2[%dma_wait3A, %dma_wait3A_42] : memref<10240x128xf32, #tpu.memory_space<hbm>> -> memref<10240x128xf32, #tpu.memory_space<hbm>>
    tpu.wait_indirect_dma semaphore(%arg12 : memref<!tpu.dma_semaphore, #tpu.memory_space<semaphore_mem>>) src(%dma_wait3A_43 : memref<10240x128xf32, #tpu.memory_space<hbm>>) dst(%arg8 : memref<128x128xf32, #tpu.memory_space<vmem>>)
    %dma_wait3A_44 = arith.constant 0 : i32
    %dma_wait3A_45 = arith.constant 0 : i32
    %dma_wait3A_46 = tpu.memref_slice %arg3[%add3A, %dma_wait3A_44, %dma_wait3A_45] : memref<32x80x128xi32, #tpu.memory_space<hbm>> -> memref<1x1x128xi32, #tpu.memory_space<hbm>>
    %dma_wait3A_47 = tpu.memref_squeeze %dma_wait3A_46 : memref<1x1x128xi32, #tpu.memory_space<hbm>> -> memref<128xi32, #tpu.memory_space<hbm>>
    %dma_wait3A_48 = arith.constant 0 : i32
    %dma_wait3A_49 = tpu.memref_slice %arg3[%add3A, %dma_wait3A_44, %dma_wait3A_48] : memref<32x80x128xi32, #tpu.memory_space<hbm>> -> memref<1x1x128xi32, #tpu.memory_space<hbm>>
    %dma_wait3A_50 = tpu.memref_squeeze %dma_wait3A_49 : memref<1x1x128xi32, #tpu.memory_space<hbm>> -> memref<128xi32, #tpu.memory_space<hbm>>
    tpu.wait_dma2 semaphore(%arg15 : memref<!tpu.dma_semaphore, #tpu.memory_space<semaphore_mem>>) src(%dma_wait3A_50 : memref<128xi32, #tpu.memory_space<hbm>>) dst(%arg7 : memref<128xi32, #tpu.memory_space<vmem>>)
    %barrier3A_51 = arith.constant 0 : index
    tpu.barrier barrier_id(%barrier3A_51)
    %mul3A_52 = arith.constant 640 : i32
    %mul3A_53 = arith.muli %arg1, %mul3A_52 : i32
    %mul3A_54 = arith.constant 640 : i32
    %mul3A_55 = arith.muli %arg1, %mul3A_54 : i32
    "tpu.region"() ({
      %run_scoped3A_56 = tpu.sem_alloc : memref<!tpu.dma_semaphore, #tpu.memory_space<semaphore_mem>>
      %dma_start3A_57 = arith.constant 0 : i32
      %dma_start3A_58 = tpu.memref_slice %arg5[%arg0, %mul3A_55, %dma_start3A_57] : memref<2x10240x128xf32, #tpu.memory_space<hbm>> -> memref<1x640x128xf32, #tpu.memory_space<hbm>>
      %dma_start3A_59 = tpu.memref_squeeze %dma_start3A_58 : memref<1x640x128xf32, #tpu.memory_space<hbm>> -> memref<640x128xf32, #tpu.memory_space<hbm>>
      %dma_start3A_60 = arith.constant 0 : i32
      %dma_start3A_61 = tpu.memref_slice %arg11[%mul3A_53, %dma_start3A_60] : memref<10240x128xf32, #tpu.memory_space<vmem_shared>> -> memref<640x128xf32, #tpu.memory_space<vmem_shared>>
      tpu.enqueue_dma source(%dma_start3A_61 : memref<640x128xf32, #tpu.memory_space<vmem_shared>>) target(%dma_start3A_59 : memref<640x128xf32, #tpu.memory_space<hbm>>) target_semaphore(%run_scoped3A_56 : memref<!tpu.dma_semaphore, #tpu.memory_space<semaphore_mem>>)
      %dma_wait3A_62 = arith.constant 0 : i32
      %dma_wait3A_63 = tpu.memref_slice %arg5[%arg0, %mul3A_55, %dma_wait3A_62] : memref<2x10240x128xf32, #tpu.memory_space<hbm>> -> memref<1x640x128xf32, #tpu.memory_space<hbm>>
      %dma_wait3A_64 = tpu.memref_squeeze %dma_wait3A_63 : memref<1x640x128xf32, #tpu.memory_space<hbm>> -> memref<640x128xf32, #tpu.memory_space<hbm>>
      %dma_wait3A_65 = arith.constant 0 : i32
      %dma_wait3A_66 = tpu.memref_slice %arg11[%mul3A_53, %dma_wait3A_65] : memref<10240x128xf32, #tpu.memory_space<vmem_shared>> -> memref<640x128xf32, #tpu.memory_space<vmem_shared>>
      tpu.wait_dma2 semaphore(%run_scoped3A_56 : memref<!tpu.dma_semaphore, #tpu.memory_space<semaphore_mem>>) src(%dma_wait3A_66 : memref<640x128xf32, #tpu.memory_space<vmem_shared>>) dst(%dma_wait3A_64 : memref<640x128xf32, #tpu.memory_space<hbm>>)
      tpu.yield
    }) : () -> ()
    return
  }
}

#map = affine_map<(d0, d1) -> (0, 0, 0)>
#map1 = affine_map<(d0, d1) -> (0, 0)>
module attributes {stable_mosaic.version = 14 : i64} {
  func.func @_sc_deg(%arg0: i32, %arg1: i32, %arg2: memref<32x80x128xi32, #tpu.memory_space<hbm>>, %arg3: memref<2x10240xf32, #tpu.memory_space<hbm>>, %arg4: memref<80x128xi32, #tpu.memory_space<vmem>>, %arg5: memref<128xf32, #tpu.memory_space<vmem>>, %arg6: memref<640xf32, #tpu.memory_space<vmem>>, %arg7: memref<10240xf32, #tpu.memory_space<vmem_shared>>, %arg8: memref<!tpu.dma_semaphore, #tpu.memory_space<semaphore_mem>>) attributes {dimension_semantics = [#tpu.dimension_semantics<core_parallel>, #tpu.dimension_semantics<subcore_parallel>], iteration_bounds = array<i64: 2, 16>, scalar_prefetch = 0 : i64, scratch_operands = 5 : i64, tpu.core_type = #tpu.core_type<sc_vector_subcore>, window_params = [{transform_indices = #map}, {transform_indices = #map1}]} {
    %mul3A = arith.constant 16 : i32
    %mul3A_0 = arith.muli %arg0, %mul3A : i32
    %add3A = arith.addi %mul3A_0, %arg1 : i32
    "tpu.region"() ({
      %run_scoped3A = tpu.sem_alloc : memref<!tpu.dma_semaphore, #tpu.memory_space<semaphore_mem>>
      %dma_start3A = arith.constant 0 : i32
      %dma_start3A_65 = arith.constant 0 : i32
      %dma_start3A_66 = tpu.memref_slice %arg2[%add3A, %dma_start3A, %dma_start3A_65] : memref<32x80x128xi32, #tpu.memory_space<hbm>> -> memref<1x80x128xi32, #tpu.memory_space<hbm>>
      %dma_start3A_67 = tpu.memref_squeeze %dma_start3A_66 : memref<1x80x128xi32, #tpu.memory_space<hbm>> -> memref<80x128xi32, #tpu.memory_space<hbm>>
      %dma_start3A_68 = arith.constant 0 : i32
      %dma_start3A_69 = arith.constant 0 : i32
      %dma_start3A_70 = tpu.memref_slice %arg2[%add3A, %dma_start3A_68, %dma_start3A_69] : memref<32x80x128xi32, #tpu.memory_space<hbm>> -> memref<1x80x128xi32, #tpu.memory_space<hbm>>
      %dma_start3A_71 = tpu.memref_squeeze %dma_start3A_70 : memref<1x80x128xi32, #tpu.memory_space<hbm>> -> memref<80x128xi32, #tpu.memory_space<hbm>>
      tpu.enqueue_dma source(%dma_start3A_71 : memref<80x128xi32, #tpu.memory_space<hbm>>) target(%arg4 : memref<80x128xi32, #tpu.memory_space<vmem>>) target_semaphore(%run_scoped3A : memref<!tpu.dma_semaphore, #tpu.memory_space<semaphore_mem>>)
      %dma_wait3A = arith.constant 0 : i32
      %dma_wait3A_72 = arith.constant 0 : i32
      %dma_wait3A_73 = tpu.memref_slice %arg2[%add3A, %dma_wait3A, %dma_wait3A_72] : memref<32x80x128xi32, #tpu.memory_space<hbm>> -> memref<1x80x128xi32, #tpu.memory_space<hbm>>
      %dma_wait3A_74 = tpu.memref_squeeze %dma_wait3A_73 : memref<1x80x128xi32, #tpu.memory_space<hbm>> -> memref<80x128xi32, #tpu.memory_space<hbm>>
      %dma_wait3A_75 = arith.constant 0 : i32
      %dma_wait3A_76 = arith.constant 0 : i32
      %dma_wait3A_77 = tpu.memref_slice %arg2[%add3A, %dma_wait3A_75, %dma_wait3A_76] : memref<32x80x128xi32, #tpu.memory_space<hbm>> -> memref<1x80x128xi32, #tpu.memory_space<hbm>>
      %dma_wait3A_78 = tpu.memref_squeeze %dma_wait3A_77 : memref<1x80x128xi32, #tpu.memory_space<hbm>> -> memref<80x128xi32, #tpu.memory_space<hbm>>
      tpu.wait_dma2 semaphore(%run_scoped3A : memref<!tpu.dma_semaphore, #tpu.memory_space<semaphore_mem>>) src(%dma_wait3A_78 : memref<80x128xi32, #tpu.memory_space<hbm>>) dst(%arg4 : memref<80x128xi32, #tpu.memory_space<vmem>>)
      tpu.yield
    }) : () -> ()
    %broadcast_in_dim3A = arith.constant 1.000000e+00 : f32
    %broadcast_in_dim3A_1 = vector.broadcast %broadcast_in_dim3A : f32 to vector<16xf32>
    %broadcast_in_dim3A_2 = arith.constant 0.000000e+00 : f32
    %broadcast_in_dim3A_3 = vector.broadcast %broadcast_in_dim3A_2 : f32 to vector<16xf32>
    %swap3A = arith.constant 0 : index
    %swap3A_4 = tpu.vector_load %arg5[%swap3A] {strides = array<i32>} : memref<128xf32, #tpu.memory_space<vmem>>, vector<16xf32>,
    %swap3A_5 = vector.shape_cast %swap3A_4 : vector<16xf32> to vector<16xf32>
    %swap3A_6 = vector.shape_cast %broadcast_in_dim3A_1 : vector<16xf32> to vector<16xf32>
    tpu.vector_store %arg5[%swap3A], %swap3A_6 {strides = array<i32>} : memref<128xf32, #tpu.memory_space<vmem>>, vector<16xf32>,
    %swap3A_7 = arith.constant 16 : index
    %swap3A_8 = tpu.vector_load %arg5[%swap3A_7] {strides = array<i32>} : memref<128xf32, #tpu.memory_space<vmem>>, vector<16xf32>,
    %swap3A_9 = vector.shape_cast %swap3A_8 : vector<16xf32> to vector<16xf32>
    %swap3A_10 = vector.shape_cast %broadcast_in_dim3A_1 : vector<16xf32> to vector<16xf32>
    tpu.vector_store %arg5[%swap3A_7], %swap3A_10 {strides = array<i32>} : memref<128xf32, #tpu.memory_space<vmem>>, vector<16xf32>,
    %swap3A_11 = arith.constant 32 : index
    %swap3A_12 = tpu.vector_load %arg5[%swap3A_11] {strides = array<i32>} : memref<128xf32, #tpu.memory_space<vmem>>, vector<16xf32>,
    %swap3A_13 = vector.shape_cast %swap3A_12 : vector<16xf32> to vector<16xf32>
    %swap3A_14 = vector.shape_cast %broadcast_in_dim3A_1 : vector<16xf32> to vector<16xf32>
    tpu.vector_store %arg5[%swap3A_11], %swap3A_14 {strides = array<i32>} : memref<128xf32, #tpu.memory_space<vmem>>, vector<16xf32>,
    %swap3A_15 = arith.constant 48 : index
    %swap3A_16 = tpu.vector_load %arg5[%swap3A_15] {strides = array<i32>} : memref<128xf32, #tpu.memory_space<vmem>>, vector<16xf32>,
    %swap3A_17 = vector.shape_cast %swap3A_16 : vector<16xf32> to vector<16xf32>
    %swap3A_18 = vector.shape_cast %broadcast_in_dim3A_1 : vector<16xf32> to vector<16xf32>
    tpu.vector_store %arg5[%swap3A_15], %swap3A_18 {strides = array<i32>} : memref<128xf32, #tpu.memory_space<vmem>>, vector<16xf32>,
    %swap3A_19 = arith.constant 64 : index
    %swap3A_20 = tpu.vector_load %arg5[%swap3A_19] {strides = array<i32>} : memref<128xf32, #tpu.memory_space<vmem>>, vector<16xf32>,
    %swap3A_21 = vector.shape_cast %swap3A_20 : vector<16xf32> to vector<16xf32>
    %swap3A_22 = vector.shape_cast %broadcast_in_dim3A_1 : vector<16xf32> to vector<16xf32>
    tpu.vector_store %arg5[%swap3A_19], %swap3A_22 {strides = array<i32>} : memref<128xf32, #tpu.memory_space<vmem>>, vector<16xf32>,
    %swap3A_23 = arith.constant 80 : index
    %swap3A_24 = tpu.vector_load %arg5[%swap3A_23] {strides = array<i32>} : memref<128xf32, #tpu.memory_space<vmem>>, vector<16xf32>,
    %swap3A_25 = vector.shape_cast %swap3A_24 : vector<16xf32> to vector<16xf32>
    %swap3A_26 = vector.shape_cast %broadcast_in_dim3A_1 : vector<16xf32> to vector<16xf32>
    tpu.vector_store %arg5[%swap3A_23], %swap3A_26 {strides = array<i32>} : memref<128xf32, #tpu.memory_space<vmem>>, vector<16xf32>,
    %swap3A_27 = arith.constant 96 : index
    %swap3A_28 = tpu.vector_load %arg5[%swap3A_27] {strides = array<i32>} : memref<128xf32, #tpu.memory_space<vmem>>, vector<16xf32>,
    %swap3A_29 = vector.shape_cast %swap3A_28 : vector<16xf32> to vector<16xf32>
    %swap3A_30 = vector.shape_cast %broadcast_in_dim3A_1 : vector<16xf32> to vector<16xf32>
    tpu.vector_store %arg5[%swap3A_27], %swap3A_30 {strides = array<i32>} : memref<128xf32, #tpu.memory_space<vmem>>, vector<16xf32>,
    %swap3A_31 = arith.constant 112 : index
    %swap3A_32 = tpu.vector_load %arg5[%swap3A_31] {strides = array<i32>} : memref<128xf32, #tpu.memory_space<vmem>>, vector<16xf32>,
    %swap3A_33 = vector.shape_cast %swap3A_32 : vector<16xf32> to vector<16xf32>
    %swap3A_34 = vector.shape_cast %broadcast_in_dim3A_1 : vector<16xf32> to vector<16xf32>
    tpu.vector_store %arg5[%swap3A_31], %swap3A_34 {strides = array<i32>} : memref<128xf32, #tpu.memory_space<vmem>>, vector<16xf32>,
    %scan3A = arith.constant 0 : i32
    %scan3A_35 = arith.constant 0 : i32
    %scan3A_36 = arith.constant 40 : i32
    %scan3A_37 = arith.addi %scan3A_35, %scan3A_36 : i32
    %scan3A_38 = arith.constant 1 : i32
    scf.for %scan3A_65 = %scan3A_35 to %scan3A_37 step %scan3A_38  : i32 {
      %mul3A_66 = arith.constant 16 : i32
      %mul3A_67 = arith.muli %scan3A_65, %mul3A_66 : i32
      %swap3A_68 = arith.index_cast %mul3A_67 : i32 to index
      %swap3A_69 = tpu.vector_load %arg6[%swap3A_68] {strides = array<i32>} : memref<640xf32, #tpu.memory_space<vmem>>, vector<16xf32>,
      %swap3A_70 = vector.shape_cast %swap3A_69 : vector<16xf32> to vector<16xf32>
      %swap3A_71 = vector.shape_cast %broadcast_in_dim3A_3 : vector<16xf32> to vector<16xf32>
      tpu.vector_store %arg6[%swap3A_68], %swap3A_71 {strides = array<i32>} : memref<640xf32, #tpu.memory_space<vmem>>, vector<16xf32>,
    }
    %scan3A_39 = arith.constant 40 : i32
    %mul3A_40 = arith.constant 640 : i32
    %mul3A_41 = arith.muli %arg1, %mul3A_40 : i32
    "tpu.region"() ({
      %run_scoped3A = tpu.sem_alloc : memref<!tpu.dma_semaphore, #tpu.memory_space<semaphore_mem>>
      %dma_start3A = tpu.memref_slice %arg7[%mul3A_41] : memref<10240xf32, #tpu.memory_space<vmem_shared>> -> memref<640xf32, #tpu.memory_space<vmem_shared>>
      %dma_start3A_65 = tpu.memref_slice %arg7[%mul3A_41] : memref<10240xf32, #tpu.memory_space<vmem_shared>> -> memref<640xf32, #tpu.memory_space<vmem_shared>>
      tpu.enqueue_dma source(%arg6 : memref<640xf32, #tpu.memory_space<vmem>>) target(%dma_start3A_65 : memref<640xf32, #tpu.memory_space<vmem_shared>>) target_semaphore(%run_scoped3A : memref<!tpu.dma_semaphore, #tpu.memory_space<semaphore_mem>>)
      %dma_wait3A = tpu.memref_slice %arg7[%mul3A_41] : memref<10240xf32, #tpu.memory_space<vmem_shared>> -> memref<640xf32, #tpu.memory_space<vmem_shared>>
      %dma_wait3A_66 = tpu.memref_slice %arg7[%mul3A_41] : memref<10240xf32, #tpu.memory_space<vmem_shared>> -> memref<640xf32, #tpu.memory_space<vmem_shared>>
      tpu.wait_dma2 semaphore(%run_scoped3A : memref<!tpu.dma_semaphore, #tpu.memory_space<semaphore_mem>>) src(%arg6 : memref<640xf32, #tpu.memory_space<vmem>>) dst(%dma_wait3A_66 : memref<640xf32, #tpu.memory_space<vmem_shared>>)
      tpu.yield
    }) : () -> ()
    %barrier3A = arith.constant 0 : index
    tpu.barrier barrier_id(%barrier3A)
    %scan3A_42 = arith.constant 0 : i32
    %scan3A_43 = arith.constant 0 : i32
    %scan3A_44 = arith.constant 8 : i32
    %scan3A_45 = arith.addi %scan3A_43, %scan3A_44 : i32
    %scan3A_46 = arith.constant 1 : i32
    scf.for %scan3A_65 = %scan3A_43 to %scan3A_45 step %scan3A_46  : i32 {
      %dma_start3A = arith.constant 0 : i32
      %dma_start3A_66 = tpu.memref_slice %arg4[%scan3A_65, %dma_start3A] : memref<80x128xi32, #tpu.memory_space<vmem>> -> memref<1x128xi32, #tpu.memory_space<vmem>>
      %dma_start3A_67 = tpu.memref_squeeze %dma_start3A_66 : memref<1x128xi32, #tpu.memory_space<vmem>> -> memref<128xi32, #tpu.memory_space<vmem>>
      %dma_start3A_68 = arith.constant 0 : i32
      %dma_start3A_69 = tpu.memref_slice %arg7[%dma_start3A_68] : memref<10240xf32, #tpu.memory_space<vmem_shared>> -> memref<10240xf32, #tpu.memory_space<vmem_shared>>
      tpu.enqueue_indirect_dma source(%arg5 : memref<128xf32, #tpu.memory_space<vmem>>) target(%dma_start3A_69 : memref<10240xf32, #tpu.memory_space<vmem_shared>>) offsets(%dma_start3A_67 : memref<128xi32, #tpu.memory_space<vmem>>) semaphore(%arg8 : memref<!tpu.dma_semaphore, #tpu.memory_space<semaphore_mem>>) {add = true}
    }
    %scan3A_47 = arith.constant 8 : i32
    %scan3A_48 = arith.constant 0 : i32
    %scan3A_49 = arith.constant 8 : i32
    %scan3A_50 = arith.constant 72 : i32
    %scan3A_51 = arith.addi %scan3A_49, %scan3A_50 : i32
    %scan3A_52 = arith.constant 1 : i32
    scf.for %scan3A_65 = %scan3A_49 to %scan3A_51 step %scan3A_52  : i32 {
      %dma_wait3A = arith.constant 0 : i32
      %dma_wait3A_66 = arith.constant 0 : i32
      %dma_wait3A_67 = tpu.memref_slice %arg4[%dma_wait3A, %dma_wait3A_66] : memref<80x128xi32, #tpu.memory_space<vmem>> -> memref<1x128xi32, #tpu.memory_space<vmem>>
      %dma_wait3A_68 = tpu.memref_squeeze %dma_wait3A_67 : memref<1x128xi32, #tpu.memory_space<vmem>> -> memref<128xi32, #tpu.memory_space<vmem>>
      %dma_wait3A_69 = arith.constant 0 : i32
      %dma_wait3A_70 = tpu.memref_slice %arg7[%dma_wait3A_69] : memref<10240xf32, #tpu.memory_space<vmem_shared>> -> memref<10240xf32, #tpu.memory_space<vmem_shared>>
      tpu.wait_indirect_dma semaphore(%arg8 : memref<!tpu.dma_semaphore, #tpu.memory_space<semaphore_mem>>) src(%arg5 : memref<128xf32, #tpu.memory_space<vmem>>) dst(%dma_wait3A_70 : memref<10240xf32, #tpu.memory_space<vmem_shared>>)
      %dma_start3A = arith.constant 0 : i32
      %dma_start3A_71 = tpu.memref_slice %arg4[%scan3A_65, %dma_start3A] : memref<80x128xi32, #tpu.memory_space<vmem>> -> memref<1x128xi32, #tpu.memory_space<vmem>>
      %dma_start3A_72 = tpu.memref_squeeze %dma_start3A_71 : memref<1x128xi32, #tpu.memory_space<vmem>> -> memref<128xi32, #tpu.memory_space<vmem>>
      %dma_start3A_73 = arith.constant 0 : i32
      %dma_start3A_74 = tpu.memref_slice %arg7[%dma_start3A_73] : memref<10240xf32, #tpu.memory_space<vmem_shared>> -> memref<10240xf32, #tpu.memory_space<vmem_shared>>
      tpu.enqueue_indirect_dma source(%arg5 : memref<128xf32, #tpu.memory_space<vmem>>) target(%dma_start3A_74 : memref<10240xf32, #tpu.memory_space<vmem_shared>>) offsets(%dma_start3A_72 : memref<128xi32, #tpu.memory_space<vmem>>) semaphore(%arg8 : memref<!tpu.dma_semaphore, #tpu.memory_space<semaphore_mem>>) {add = true}
    }
    %scan3A_53 = arith.constant 72 : i32
    %scan3A_54 = arith.constant 0 : i32
    %scan3A_55 = arith.constant 0 : i32
    %scan3A_56 = arith.constant 8 : i32
    %scan3A_57 = arith.addi %scan3A_55, %scan3A_56 : i32
    %scan3A_58 = arith.constant 1 : i32
    scf.for %scan3A_65 = %scan3A_55 to %scan3A_57 step %scan3A_58  : i32 {
      %dma_wait3A = arith.constant 0 : i32
      %dma_wait3A_66 = arith.constant 0 : i32
      %dma_wait3A_67 = tpu.memref_slice %arg4[%dma_wait3A, %dma_wait3A_66] : memref<80x128xi32, #tpu.memory_space<vmem>> -> memref<1x128xi32, #tpu.memory_space<vmem>>
      %dma_wait3A_68 = tpu.memref_squeeze %dma_wait3A_67 : memref<1x128xi32, #tpu.memory_space<vmem>> -> memref<128xi32, #tpu.memory_space<vmem>>
      %dma_wait3A_69 = arith.constant 0 : i32
      %dma_wait3A_70 = tpu.memref_slice %arg7[%dma_wait3A_69] : memref<10240xf32, #tpu.memory_space<vmem_shared>> -> memref<10240xf32, #tpu.memory_space<vmem_shared>>
      tpu.wait_indirect_dma semaphore(%arg8 : memref<!tpu.dma_semaphore, #tpu.memory_space<semaphore_mem>>) src(%arg5 : memref<128xf32, #tpu.memory_space<vmem>>) dst(%dma_wait3A_70 : memref<10240xf32, #tpu.memory_space<vmem_shared>>)
    }
    %scan3A_59 = arith.constant 8 : i32
    %barrier3A_60 = arith.constant 0 : index
    tpu.barrier barrier_id(%barrier3A_60)
    %mul3A_61 = arith.constant 640 : i32
    %mul3A_62 = arith.muli %arg1, %mul3A_61 : i32
    %mul3A_63 = arith.constant 640 : i32
    %mul3A_64 = arith.muli %arg1, %mul3A_63 : i32
    "tpu.region"() ({
      %run_scoped3A = tpu.sem_alloc : memref<!tpu.dma_semaphore, #tpu.memory_space<semaphore_mem>>
      %dma_start3A = tpu.memref_slice %arg3[%arg0, %mul3A_64] : memref<2x10240xf32, #tpu.memory_space<hbm>> -> memref<1x640xf32, #tpu.memory_space<hbm>>
      %dma_start3A_65 = tpu.memref_squeeze %dma_start3A : memref<1x640xf32, #tpu.memory_space<hbm>> -> memref<640xf32, #tpu.memory_space<hbm>>
      %dma_start3A_66 = tpu.memref_slice %arg7[%mul3A_62] : memref<10240xf32, #tpu.memory_space<vmem_shared>> -> memref<640xf32, #tpu.memory_space<vmem_shared>>
      tpu.enqueue_dma source(%dma_start3A_66 : memref<640xf32, #tpu.memory_space<vmem_shared>>) target(%dma_start3A_65 : memref<640xf32, #tpu.memory_space<hbm>>) target_semaphore(%run_scoped3A : memref<!tpu.dma_semaphore, #tpu.memory_space<semaphore_mem>>)
      %dma_wait3A = tpu.memref_slice %arg3[%arg0, %mul3A_64] : memref<2x10240xf32, #tpu.memory_space<hbm>> -> memref<1x640xf32, #tpu.memory_space<hbm>>
      %dma_wait3A_67 = tpu.memref_squeeze %dma_wait3A : memref<1x640xf32, #tpu.memory_space<hbm>> -> memref<640xf32, #tpu.memory_space<hbm>>
      %dma_wait3A_68 = tpu.memref_slice %arg7[%mul3A_62] : memref<10240xf32, #tpu.memory_space<vmem_shared>> -> memref<640xf32, #tpu.memory_space<vmem_shared>>
      tpu.wait_dma2 semaphore(%run_scoped3A : memref<!tpu.dma_semaphore, #tpu.memory_space<semaphore_mem>>) src(%dma_wait3A_68 : memref<640xf32, #tpu.memory_space<vmem_shared>>) dst(%dma_wait3A_67 : memref<640xf32, #tpu.memory_space<hbm>>)
      tpu.yield
    }) : () -> ()
    return
  }
}

#map = affine_map<(d0, d1) -> (0, 0)>
#map1 = affine_map<(d0, d1) -> (0, 0, 0)>
module attributes {stable_mosaic.version = 14 : i64} {
  func.func @_sc_agg(%arg0: i32, %arg1: i32, %arg2: memref<10240x128xf32, #tpu.memory_space<hbm>>, %arg3: memref<32x80x128xi32, #tpu.memory_space<hbm>>, %arg4: memref<32x80x128xi32, #tpu.memory_space<hbm>>, %arg5: memref<2x10240x128xf32, #tpu.memory_space<hbm>>, %arg6: memref<128xi32, #tpu.memory_space<vmem>>, %arg7: memref<128xi32, #tpu.memory_space<vmem>>, %arg8: memref<128x128xf32, #tpu.memory_space<vmem>>, %arg9: memref<128x128xf32, #tpu.memory_space<vmem>>, %arg10: memref<80x128xi32, #tpu.memory_space<vmem>>, %arg11: memref<10240x128xf32, #tpu.memory_space<vmem_shared>>, %arg12: memref<!tpu.dma_semaphore, #tpu.memory_space<semaphore_mem>>, %arg13: memref<!tpu.dma_semaphore, #tpu.memory_space<semaphore_mem>>, %arg14: memref<!tpu.dma_semaphore, #tpu.memory_space<semaphore_mem>>, %arg15: memref<!tpu.dma_semaphore, #tpu.memory_space<semaphore_mem>>) attributes {dimension_semantics = [#tpu.dimension_semantics<core_parallel>, #tpu.dimension_semantics<subcore_parallel>], iteration_bounds = array<i64: 2, 16>, scalar_prefetch = 0 : i64, scratch_operands = 10 : i64, tpu.core_type = #tpu.core_type<sc_vector_subcore>, window_params = [{transform_indices = #map}, {transform_indices = #map1}, {transform_indices = #map1}, {transform_indices = #map1}]} {
    %mul3A = arith.constant 16 : i32
    %mul3A_0 = arith.muli %arg0, %mul3A : i32
    %add3A = arith.addi %mul3A_0, %arg1 : i32
    "tpu.region"() ({
      %run_scoped3A_56 = tpu.sem_alloc : memref<!tpu.dma_semaphore, #tpu.memory_space<semaphore_mem>>
      %dma_start3A_57 = arith.constant 0 : i32
      %dma_start3A_58 = arith.constant 0 : i32
      %dma_start3A_59 = tpu.memref_slice %arg4[%add3A, %dma_start3A_57, %dma_start3A_58] : memref<32x80x128xi32, #tpu.memory_space<hbm>> -> memref<1x80x128xi32, #tpu.memory_space<hbm>>
      %dma_start3A_60 = tpu.memref_squeeze %dma_start3A_59 : memref<1x80x128xi32, #tpu.memory_space<hbm>> -> memref<80x128xi32, #tpu.memory_space<hbm>>
      %dma_start3A_61 = arith.constant 0 : i32
      %dma_start3A_62 = arith.constant 0 : i32
      %dma_start3A_63 = tpu.memref_slice %arg4[%add3A, %dma_start3A_61, %dma_start3A_62] : memref<32x80x128xi32, #tpu.memory_space<hbm>> -> memref<1x80x128xi32, #tpu.memory_space<hbm>>
      %dma_start3A_64 = tpu.memref_squeeze %dma_start3A_63 : memref<1x80x128xi32, #tpu.memory_space<hbm>> -> memref<80x128xi32, #tpu.memory_space<hbm>>
      tpu.enqueue_dma source(%dma_start3A_64 : memref<80x128xi32, #tpu.memory_space<hbm>>) target(%arg10 : memref<80x128xi32, #tpu.memory_space<vmem>>) target_semaphore(%run_scoped3A_56 : memref<!tpu.dma_semaphore, #tpu.memory_space<semaphore_mem>>)
      %dma_wait3A_65 = arith.constant 0 : i32
      %dma_wait3A_66 = arith.constant 0 : i32
      %dma_wait3A_67 = tpu.memref_slice %arg4[%add3A, %dma_wait3A_65, %dma_wait3A_66] : memref<32x80x128xi32, #tpu.memory_space<hbm>> -> memref<1x80x128xi32, #tpu.memory_space<hbm>>
      %dma_wait3A_68 = tpu.memref_squeeze %dma_wait3A_67 : memref<1x80x128xi32, #tpu.memory_space<hbm>> -> memref<80x128xi32, #tpu.memory_space<hbm>>
      %dma_wait3A_69 = arith.constant 0 : i32
      %dma_wait3A_70 = arith.constant 0 : i32
      %dma_wait3A_71 = tpu.memref_slice %arg4[%add3A, %dma_wait3A_69, %dma_wait3A_70] : memref<32x80x128xi32, #tpu.memory_space<hbm>> -> memref<1x80x128xi32, #tpu.memory_space<hbm>>
      %dma_wait3A_72 = tpu.memref_squeeze %dma_wait3A_71 : memref<1x80x128xi32, #tpu.memory_space<hbm>> -> memref<80x128xi32, #tpu.memory_space<hbm>>
      tpu.wait_dma2 semaphore(%run_scoped3A_56 : memref<!tpu.dma_semaphore, #tpu.memory_space<semaphore_mem>>) src(%dma_wait3A_72 : memref<80x128xi32, #tpu.memory_space<hbm>>) dst(%arg10 : memref<80x128xi32, #tpu.memory_space<vmem>>)
      tpu.yield
    }) : () -> ()
    %run_scoped3A = arith.constant 0 : i32
    "tpu.region"() ({
      %run_scoped3A_56 = tpu.sem_alloc : memref<!tpu.dma_semaphore, #tpu.memory_space<semaphore_mem>>
      %dma_start3A_57 = arith.constant 0 : i32
      %dma_start3A_58 = tpu.memref_slice %arg3[%add3A, %run_scoped3A, %dma_start3A_57] : memref<32x80x128xi32, #tpu.memory_space<hbm>> -> memref<1x1x128xi32, #tpu.memory_space<hbm>>
      %dma_start3A_59 = tpu.memref_squeeze %dma_start3A_58 : memref<1x1x128xi32, #tpu.memory_space<hbm>> -> memref<128xi32, #tpu.memory_space<hbm>>
      %dma_start3A_60 = arith.constant 0 : i32
      %dma_start3A_61 = tpu.memref_slice %arg3[%add3A, %run_scoped3A, %dma_start3A_60] : memref<32x80x128xi32, #tpu.memory_space<hbm>> -> memref<1x1x128xi32, #tpu.memory_space<hbm>>
      %dma_start3A_62 = tpu.memref_squeeze %dma_start3A_61 : memref<1x1x128xi32, #tpu.memory_space<hbm>> -> memref<128xi32, #tpu.memory_space<hbm>>
      tpu.enqueue_dma source(%dma_start3A_62 : memref<128xi32, #tpu.memory_space<hbm>>) target(%arg6 : memref<128xi32, #tpu.memory_space<vmem>>) target_semaphore(%run_scoped3A_56 : memref<!tpu.dma_semaphore, #tpu.memory_space<semaphore_mem>>)
      %dma_wait3A_63 = arith.constant 0 : i32
      %dma_wait3A_64 = tpu.memref_slice %arg3[%add3A, %run_scoped3A, %dma_wait3A_63] : memref<32x80x128xi32, #tpu.memory_space<hbm>> -> memref<1x1x128xi32, #tpu.memory_space<hbm>>
      %dma_wait3A_65 = tpu.memref_squeeze %dma_wait3A_64 : memref<1x1x128xi32, #tpu.memory_space<hbm>> -> memref<128xi32, #tpu.memory_space<hbm>>
      %dma_wait3A_66 = arith.constant 0 : i32
      %dma_wait3A_67 = tpu.memref_slice %arg3[%add3A, %run_scoped3A, %dma_wait3A_66] : memref<32x80x128xi32, #tpu.memory_space<hbm>> -> memref<1x1x128xi32, #tpu.memory_space<hbm>>
      %dma_wait3A_68 = tpu.memref_squeeze %dma_wait3A_67 : memref<1x1x128xi32, #tpu.memory_space<hbm>> -> memref<128xi32, #tpu.memory_space<hbm>>
      tpu.wait_dma2 semaphore(%run_scoped3A_56 : memref<!tpu.dma_semaphore, #tpu.memory_space<semaphore_mem>>) src(%dma_wait3A_68 : memref<128xi32, #tpu.memory_space<hbm>>) dst(%arg6 : memref<128xi32, #tpu.memory_space<vmem>>)
      tpu.yield
    }) : () -> ()
    %dma_start3A = arith.constant 0 : i32
    %dma_start3A_1 = arith.constant 0 : i32
    %dma_start3A_2 = tpu.memref_slice %arg2[%dma_start3A, %dma_start3A_1] : memref<10240x128xf32, #tpu.memory_space<hbm>> -> memref<10240x128xf32, #tpu.memory_space<hbm>>
    tpu.enqueue_indirect_dma source(%dma_start3A_2 : memref<10240x128xf32, #tpu.memory_space<hbm>>) target(%arg8 : memref<128x128xf32, #tpu.memory_space<vmem>>) offsets(%arg6 : memref<128xi32, #tpu.memory_space<vmem>>) semaphore(%arg12 : memref<!tpu.dma_semaphore, #tpu.memory_space<semaphore_mem>>)
    %dma_start3A_3 = arith.constant 1 : i32
    %dma_start3A_4 = arith.constant 0 : i32
    %dma_start3A_5 = tpu.memref_slice %arg3[%add3A, %dma_start3A_3, %dma_start3A_4] : memref<32x80x128xi32, #tpu.memory_space<hbm>> -> memref<1x1x128xi32, #tpu.memory_space<hbm>>
    %dma_start3A_6 = tpu.memref_squeeze %dma_start3A_5 : memref<1x1x128xi32, #tpu.memory_space<hbm>> -> memref<128xi32, #tpu.memory_space<hbm>>
    %dma_start3A_7 = arith.constant 0 : i32
    %dma_start3A_8 = tpu.memref_slice %arg3[%add3A, %dma_start3A_3, %dma_start3A_7] : memref<32x80x128xi32, #tpu.memory_space<hbm>> -> memref<1x1x128xi32, #tpu.memory_space<hbm>>
    %dma_start3A_9 = tpu.memref_squeeze %dma_start3A_8 : memref<1x1x128xi32, #tpu.memory_space<hbm>> -> memref<128xi32, #tpu.memory_space<hbm>>
    tpu.enqueue_dma source(%dma_start3A_9 : memref<128xi32, #tpu.memory_space<hbm>>) target(%arg7 : memref<128xi32, #tpu.memory_space<vmem>>) target_semaphore(%arg15 : memref<!tpu.dma_semaphore, #tpu.memory_space<semaphore_mem>>)
    %broadcast_in_dim3A = arith.constant 0.000000e+00 : f32
    %broadcast_in_dim3A_10 = vector.broadcast %broadcast_in_dim3A : f32 to vector<16xf32>
    %scan3A = arith.constant 0 : i32
    %scan3A_11 = arith.constant 0 : i32
    %scan3A_12 = arith.constant 128 : i32
    %scan3A_13 = arith.addi %scan3A_11, %scan3A_12 : i32
    %scan3A_14 = arith.constant 1 : i32
    scf.for %scan3A_56 = %scan3A_11 to %scan3A_13 step %scan3A_14  : i32 {
      %swap3A = arith.index_cast %scan3A_56 : i32 to index
      %swap3A_57 = arith.constant 0 : index
      %swap3A_58 = tpu.vector_load %arg9[%swap3A, %swap3A_57] {strides = array<i32>} : memref<128x128xf32, #tpu.memory_space<vmem>>, vector<1x16xf32>,
      %swap3A_59 = vector.shape_cast %swap3A_58 : vector<1x16xf32> to vector<16xf32>
      %swap3A_60 = vector.shape_cast %broadcast_in_dim3A_10 : vector<16xf32> to vector<1x16xf32>
      tpu.vector_store %arg9[%swap3A, %swap3A_57], %swap3A_60 {strides = array<i32>} : memref<128x128xf32, #tpu.memory_space<vmem>>, vector<1x16xf32>,
      %swap3A_61 = arith.index_cast %scan3A_56 : i32 to index
      %swap3A_62 = arith.constant 16 : index
      %swap3A_63 = tpu.vector_load %arg9[%swap3A_61, %swap3A_62] {strides = array<i32>} : memref<128x128xf32, #tpu.memory_space<vmem>>, vector<1x16xf32>,
      %swap3A_64 = vector.shape_cast %swap3A_63 : vector<1x16xf32> to vector<16xf32>
      %swap3A_65 = vector.shape_cast %broadcast_in_dim3A_10 : vector<16xf32> to vector<1x16xf32>
      tpu.vector_store %arg9[%swap3A_61, %swap3A_62], %swap3A_65 {strides = array<i32>} : memref<128x128xf32, #tpu.memory_space<vmem>>, vector<1x16xf32>,
      %swap3A_66 = arith.index_cast %scan3A_56 : i32 to index
      %swap3A_67 = arith.constant 32 : index
      %swap3A_68 = tpu.vector_load %arg9[%swap3A_66, %swap3A_67] {strides = array<i32>} : memref<128x128xf32, #tpu.memory_space<vmem>>, vector<1x16xf32>,
      %swap3A_69 = vector.shape_cast %swap3A_68 : vector<1x16xf32> to vector<16xf32>
      %swap3A_70 = vector.shape_cast %broadcast_in_dim3A_10 : vector<16xf32> to vector<1x16xf32>
      tpu.vector_store %arg9[%swap3A_66, %swap3A_67], %swap3A_70 {strides = array<i32>} : memref<128x128xf32, #tpu.memory_space<vmem>>, vector<1x16xf32>,
      %swap3A_71 = arith.index_cast %scan3A_56 : i32 to index
      %swap3A_72 = arith.constant 48 : index
      %swap3A_73 = tpu.vector_load %arg9[%swap3A_71, %swap3A_72] {strides = array<i32>} : memref<128x128xf32, #tpu.memory_space<vmem>>, vector<1x16xf32>,
      %swap3A_74 = vector.shape_cast %swap3A_73 : vector<1x16xf32> to vector<16xf32>
      %swap3A_75 = vector.shape_cast %broadcast_in_dim3A_10 : vector<16xf32> to vector<1x16xf32>
      tpu.vector_store %arg9[%swap3A_71, %swap3A_72], %swap3A_75 {strides = array<i32>} : memref<128x128xf32, #tpu.memory_space<vmem>>, vector<1x16xf32>,
      %swap3A_76 = arith.index_cast %scan3A_56 : i32 to index
      %swap3A_77 = arith.constant 64 : index
      %swap3A_78 = tpu.vector_load %arg9[%swap3A_76, %swap3A_77] {strides = array<i32>} : memref<128x128xf32, #tpu.memory_space<vmem>>, vector<1x16xf32>,
      %swap3A_79 = vector.shape_cast %swap3A_78 : vector<1x16xf32> to vector<16xf32>
      %swap3A_80 = vector.shape_cast %broadcast_in_dim3A_10 : vector<16xf32> to vector<1x16xf32>
      tpu.vector_store %arg9[%swap3A_76, %swap3A_77], %swap3A_80 {strides = array<i32>} : memref<128x128xf32, #tpu.memory_space<vmem>>, vector<1x16xf32>,
      %swap3A_81 = arith.index_cast %scan3A_56 : i32 to index
      %swap3A_82 = arith.constant 80 : index
      %swap3A_83 = tpu.vector_load %arg9[%swap3A_81, %swap3A_82] {strides = array<i32>} : memref<128x128xf32, #tpu.memory_space<vmem>>, vector<1x16xf32>,
      %swap3A_84 = vector.shape_cast %swap3A_83 : vector<1x16xf32> to vector<16xf32>
      %swap3A_85 = vector.shape_cast %broadcast_in_dim3A_10 : vector<16xf32> to vector<1x16xf32>
      tpu.vector_store %arg9[%swap3A_81, %swap3A_82], %swap3A_85 {strides = array<i32>} : memref<128x128xf32, #tpu.memory_space<vmem>>, vector<1x16xf32>,
      %swap3A_86 = arith.index_cast %scan3A_56 : i32 to index
      %swap3A_87 = arith.constant 96 : index
      %swap3A_88 = tpu.vector_load %arg9[%swap3A_86, %swap3A_87] {strides = array<i32>} : memref<128x128xf32, #tpu.memory_space<vmem>>, vector<1x16xf32>,
      %swap3A_89 = vector.shape_cast %swap3A_88 : vector<1x16xf32> to vector<16xf32>
      %swap3A_90 = vector.shape_cast %broadcast_in_dim3A_10 : vector<16xf32> to vector<1x16xf32>
      tpu.vector_store %arg9[%swap3A_86, %swap3A_87], %swap3A_90 {strides = array<i32>} : memref<128x128xf32, #tpu.memory_space<vmem>>, vector<1x16xf32>,
      %swap3A_91 = arith.index_cast %scan3A_56 : i32 to index
      %swap3A_92 = arith.constant 112 : index
      %swap3A_93 = tpu.vector_load %arg9[%swap3A_91, %swap3A_92] {strides = array<i32>} : memref<128x128xf32, #tpu.memory_space<vmem>>, vector<1x16xf32>,
      %swap3A_94 = vector.shape_cast %swap3A_93 : vector<1x16xf32> to vector<16xf32>
      %swap3A_95 = vector.shape_cast %broadcast_in_dim3A_10 : vector<16xf32> to vector<1x16xf32>
      tpu.vector_store %arg9[%swap3A_91, %swap3A_92], %swap3A_95 {strides = array<i32>} : memref<128x128xf32, #tpu.memory_space<vmem>>, vector<1x16xf32>,
    }
    %scan3A_15 = arith.constant 128 : i32
    %mul3A_16 = arith.constant 640 : i32
    %mul3A_17 = arith.muli %arg1, %mul3A_16 : i32
    %add3A_18 = arith.constant 0 : i32
    %add3A_19 = arith.addi %mul3A_17, %add3A_18 : i32
    "tpu.region"() ({
      %run_scoped3A_56 = tpu.sem_alloc : memref<!tpu.dma_semaphore, #tpu.memory_space<semaphore_mem>>
      %dma_start3A_57 = arith.constant 0 : i32
      %dma_start3A_58 = tpu.memref_slice %arg11[%add3A_19, %dma_start3A_57] : memref<10240x128xf32, #tpu.memory_space<vmem_shared>> -> memref<128x128xf32, #tpu.memory_space<vmem_shared>>
      %dma_start3A_59 = arith.constant 0 : i32
      %dma_start3A_60 = tpu.memref_slice %arg11[%add3A_19, %dma_start3A_59] : memref<10240x128xf32, #tpu.memory_space<vmem_shared>> -> memref<128x128xf32, #tpu.memory_space<vmem_shared>>
      tpu.enqueue_dma source(%arg9 : memref<128x128xf32, #tpu.memory_space<vmem>>) target(%dma_start3A_60 : memref<128x128xf32, #tpu.memory_space<vmem_shared>>) target_semaphore(%run_scoped3A_56 : memref<!tpu.dma_semaphore, #tpu.memory_space<semaphore_mem>>)
      %dma_wait3A_61 = arith.constant 0 : i32
      %dma_wait3A_62 = tpu.memref_slice %arg11[%add3A_19, %dma_wait3A_61] : memref<10240x128xf32, #tpu.memory_space<vmem_shared>> -> memref<128x128xf32, #tpu.memory_space<vmem_shared>>
      %dma_wait3A_63 = arith.constant 0 : i32
      %dma_wait3A_64 = tpu.memref_slice %arg11[%add3A_19, %dma_wait3A_63] : memref<10240x128xf32, #tpu.memory_space<vmem_shared>> -> memref<128x128xf32, #tpu.memory_space<vmem_shared>>
      tpu.wait_dma2 semaphore(%run_scoped3A_56 : memref<!tpu.dma_semaphore, #tpu.memory_space<semaphore_mem>>) src(%arg9 : memref<128x128xf32, #tpu.memory_space<vmem>>) dst(%dma_wait3A_64 : memref<128x128xf32, #tpu.memory_space<vmem_shared>>)
      tpu.yield
    }) : () -> ()
    %mul3A_20 = arith.constant 640 : i32
    %mul3A_21 = arith.muli %arg1, %mul3A_20 : i32
    %add3A_22 = arith.constant 128 : i32
    %add3A_23 = arith.addi %mul3A_21, %add3A_22 : i32
    "tpu.region"() ({
      %run_scoped3A_56 = tpu.sem_alloc : memref<!tpu.dma_semaphore, #tpu.memory_space<semaphore_mem>>
      %dma_start3A_57 = arith.constant 0 : i32
      %dma_start3A_58 = tpu.memref_slice %arg11[%add3A_23, %dma_start3A_57] : memref<10240x128xf32, #tpu.memory_space<vmem_shared>> -> memref<128x128xf32, #tpu.memory_space<vmem_shared>>
      %dma_start3A_59 = arith.constant 0 : i32
      %dma_start3A_60 = tpu.memref_slice %arg11[%add3A_23, %dma_start3A_59] : memref<10240x128xf32, #tpu.memory_space<vmem_shared>> -> memref<128x128xf32, #tpu.memory_space<vmem_shared>>
      tpu.enqueue_dma source(%arg9 : memref<128x128xf32, #tpu.memory_space<vmem>>) target(%dma_start3A_60 : memref<128x128xf32, #tpu.memory_space<vmem_shared>>) target_semaphore(%run_scoped3A_56 : memref<!tpu.dma_semaphore, #tpu.memory_space<semaphore_mem>>)
      %dma_wait3A_61 = arith.constant 0 : i32
      %dma_wait3A_62 = tpu.memref_slice %arg11[%add3A_23, %dma_wait3A_61] : memref<10240x128xf32, #tpu.memory_space<vmem_shared>> -> memref<128x128xf32, #tpu.memory_space<vmem_shared>>
      %dma_wait3A_63 = arith.constant 0 : i32
      %dma_wait3A_64 = tpu.memref_slice %arg11[%add3A_23, %dma_wait3A_63] : memref<10240x128xf32, #tpu.memory_space<vmem_shared>> -> memref<128x128xf32, #tpu.memory_space<vmem_shared>>
      tpu.wait_dma2 semaphore(%run_scoped3A_56 : memref<!tpu.dma_semaphore, #tpu.memory_space<semaphore_mem>>) src(%arg9 : memref<128x128xf32, #tpu.memory_space<vmem>>) dst(%dma_wait3A_64 : memref<128x128xf32, #tpu.memory_space<vmem_shared>>)
      tpu.yield
    }) : () -> ()
    %mul3A_24 = arith.constant 640 : i32
    %mul3A_25 = arith.muli %arg1, %mul3A_24 : i32
    %add3A_26 = arith.constant 256 : i32
    %add3A_27 = arith.addi %mul3A_25, %add3A_26 : i32
    "tpu.region"() ({
      %run_scoped3A_56 = tpu.sem_alloc : memref<!tpu.dma_semaphore, #tpu.memory_space<semaphore_mem>>
      %dma_start3A_57 = arith.constant 0 : i32
      %dma_start3A_58 = tpu.memref_slice %arg11[%add3A_27, %dma_start3A_57] : memref<10240x128xf32, #tpu.memory_space<vmem_shared>> -> memref<128x128xf32, #tpu.memory_space<vmem_shared>>
      %dma_start3A_59 = arith.constant 0 : i32
      %dma_start3A_60 = tpu.memref_slice %arg11[%add3A_27, %dma_start3A_59] : memref<10240x128xf32, #tpu.memory_space<vmem_shared>> -> memref<128x128xf32, #tpu.memory_space<vmem_shared>>
      tpu.enqueue_dma source(%arg9 : memref<128x128xf32, #tpu.memory_space<vmem>>) target(%dma_start3A_60 : memref<128x128xf32, #tpu.memory_space<vmem_shared>>) target_semaphore(%run_scoped3A_56 : memref<!tpu.dma_semaphore, #tpu.memory_space<semaphore_mem>>)
      %dma_wait3A_61 = arith.constant 0 : i32
      %dma_wait3A_62 = tpu.memref_slice %arg11[%add3A_27, %dma_wait3A_61] : memref<10240x128xf32, #tpu.memory_space<vmem_shared>> -> memref<128x128xf32, #tpu.memory_space<vmem_shared>>
      %dma_wait3A_63 = arith.constant 0 : i32
      %dma_wait3A_64 = tpu.memref_slice %arg11[%add3A_27, %dma_wait3A_63] : memref<10240x128xf32, #tpu.memory_space<vmem_shared>> -> memref<128x128xf32, #tpu.memory_space<vmem_shared>>
      tpu.wait_dma2 semaphore(%run_scoped3A_56 : memref<!tpu.dma_semaphore, #tpu.memory_space<semaphore_mem>>) src(%arg9 : memref<128x128xf32, #tpu.memory_space<vmem>>) dst(%dma_wait3A_64 : memref<128x128xf32, #tpu.memory_space<vmem_shared>>)
      tpu.yield
    }) : () -> ()
    %mul3A_28 = arith.constant 640 : i32
    %mul3A_29 = arith.muli %arg1, %mul3A_28 : i32
    %add3A_30 = arith.constant 384 : i32
    %add3A_31 = arith.addi %mul3A_29, %add3A_30 : i32
    "tpu.region"() ({
      %run_scoped3A_56 = tpu.sem_alloc : memref<!tpu.dma_semaphore, #tpu.memory_space<semaphore_mem>>
      %dma_start3A_57 = arith.constant 0 : i32
      %dma_start3A_58 = tpu.memref_slice %arg11[%add3A_31, %dma_start3A_57] : memref<10240x128xf32, #tpu.memory_space<vmem_shared>> -> memref<128x128xf32, #tpu.memory_space<vmem_shared>>
      %dma_start3A_59 = arith.constant 0 : i32
      %dma_start3A_60 = tpu.memref_slice %arg11[%add3A_31, %dma_start3A_59] : memref<10240x128xf32, #tpu.memory_space<vmem_shared>> -> memref<128x128xf32, #tpu.memory_space<vmem_shared>>
      tpu.enqueue_dma source(%arg9 : memref<128x128xf32, #tpu.memory_space<vmem>>) target(%dma_start3A_60 : memref<128x128xf32, #tpu.memory_space<vmem_shared>>) target_semaphore(%run_scoped3A_56 : memref<!tpu.dma_semaphore, #tpu.memory_space<semaphore_mem>>)
      %dma_wait3A_61 = arith.constant 0 : i32
      %dma_wait3A_62 = tpu.memref_slice %arg11[%add3A_31, %dma_wait3A_61] : memref<10240x128xf32, #tpu.memory_space<vmem_shared>> -> memref<128x128xf32, #tpu.memory_space<vmem_shared>>
      %dma_wait3A_63 = arith.constant 0 : i32
      %dma_wait3A_64 = tpu.memref_slice %arg11[%add3A_31, %dma_wait3A_63] : memref<10240x128xf32, #tpu.memory_space<vmem_shared>> -> memref<128x128xf32, #tpu.memory_space<vmem_shared>>
      tpu.wait_dma2 semaphore(%run_scoped3A_56 : memref<!tpu.dma_semaphore, #tpu.memory_space<semaphore_mem>>) src(%arg9 : memref<128x128xf32, #tpu.memory_space<vmem>>) dst(%dma_wait3A_64 : memref<128x128xf32, #tpu.memory_space<vmem_shared>>)
      tpu.yield
    }) : () -> ()
    %mul3A_32 = arith.constant 640 : i32
    %mul3A_33 = arith.muli %arg1, %mul3A_32 : i32
    %add3A_34 = arith.constant 512 : i32
    %add3A_35 = arith.addi %mul3A_33, %add3A_34 : i32
    "tpu.region"() ({
      %run_scoped3A_56 = tpu.sem_alloc : memref<!tpu.dma_semaphore, #tpu.memory_space<semaphore_mem>>
      %dma_start3A_57 = arith.constant 0 : i32
      %dma_start3A_58 = tpu.memref_slice %arg11[%add3A_35, %dma_start3A_57] : memref<10240x128xf32, #tpu.memory_space<vmem_shared>> -> memref<128x128xf32, #tpu.memory_space<vmem_shared>>
      %dma_start3A_59 = arith.constant 0 : i32
      %dma_start3A_60 = tpu.memref_slice %arg11[%add3A_35, %dma_start3A_59] : memref<10240x128xf32, #tpu.memory_space<vmem_shared>> -> memref<128x128xf32, #tpu.memory_space<vmem_shared>>
      tpu.enqueue_dma source(%arg9 : memref<128x128xf32, #tpu.memory_space<vmem>>) target(%dma_start3A_60 : memref<128x128xf32, #tpu.memory_space<vmem_shared>>) target_semaphore(%run_scoped3A_56 : memref<!tpu.dma_semaphore, #tpu.memory_space<semaphore_mem>>)
      %dma_wait3A_61 = arith.constant 0 : i32
      %dma_wait3A_62 = tpu.memref_slice %arg11[%add3A_35, %dma_wait3A_61] : memref<10240x128xf32, #tpu.memory_space<vmem_shared>> -> memref<128x128xf32, #tpu.memory_space<vmem_shared>>
      %dma_wait3A_63 = arith.constant 0 : i32
      %dma_wait3A_64 = tpu.memref_slice %arg11[%add3A_35, %dma_wait3A_63] : memref<10240x128xf32, #tpu.memory_space<vmem_shared>> -> memref<128x128xf32, #tpu.memory_space<vmem_shared>>
      tpu.wait_dma2 semaphore(%run_scoped3A_56 : memref<!tpu.dma_semaphore, #tpu.memory_space<semaphore_mem>>) src(%arg9 : memref<128x128xf32, #tpu.memory_space<vmem>>) dst(%dma_wait3A_64 : memref<128x128xf32, #tpu.memory_space<vmem_shared>>)
      tpu.yield
    }) : () -> ()
    %barrier3A = arith.constant 0 : index
    tpu.barrier barrier_id(%barrier3A)
    %scan3A_36 = arith.constant 0 : i32
    %scan3A_37 = arith.constant 0 : i32
    %scan3A_38 = arith.constant 40 : i32
    %scan3A_39 = arith.addi %scan3A_37, %scan3A_38 : i32
    %scan3A_40 = arith.constant 1 : i32
    scf.for %scan3A_56 = %scan3A_37 to %scan3A_39 step %scan3A_40  : i32 {
      %mul3A_57 = arith.constant 2 : i32
      %mul3A_58 = arith.muli %scan3A_56, %mul3A_57 : i32
      %add3A_59 = arith.constant 0 : i32
      %add3A_60 = arith.addi %mul3A_58, %add3A_59 : i32
      %add3A_61 = arith.constant 2 : i32
      %add3A_62 = arith.addi %add3A_60, %add3A_61 : i32
      %sub3A = arith.constant 1 : i32
      %sub3A_63 = arith.subi %add3A_62, %sub3A : i32
      %min3A = arith.constant 79 : i32
      %min3A_64 = arith.minsi %sub3A_63, %min3A : i32
      %add3A_65 = arith.constant 2 : i32
      %add3A_66 = arith.addi %add3A_60, %add3A_65 : i32
      %min3A_67 = arith.constant 79 : i32
      %min3A_68 = arith.minsi %add3A_66, %min3A_67 : i32
      %dma_wait3A_69 = arith.constant 0 : i32
      %dma_wait3A_70 = tpu.memref_slice %arg3[%add3A, %min3A_64, %dma_wait3A_69] : memref<32x80x128xi32, #tpu.memory_space<hbm>> -> memref<1x1x128xi32, #tpu.memory_space<hbm>>
      %dma_wait3A_71 = tpu.memref_squeeze %dma_wait3A_70 : memref<1x1x128xi32, #tpu.memory_space<hbm>> -> memref<128xi32, #tpu.memory_space<hbm>>
      %dma_wait3A_72 = arith.constant 0 : i32
      %dma_wait3A_73 = tpu.memref_slice %arg3[%add3A, %min3A_64, %dma_wait3A_72] : memref<32x80x128xi32, #tpu.memory_space<hbm>> -> memref<1x1x128xi32, #tpu.memory_space<hbm>>
      %dma_wait3A_74 = tpu.memref_squeeze %dma_wait3A_73 : memref<1x1x128xi32, #tpu.memory_space<hbm>> -> memref<128xi32, #tpu.memory_space<hbm>>
      tpu.wait_dma2 semaphore(%arg15 : memref<!tpu.dma_semaphore, #tpu.memory_space<semaphore_mem>>) src(%dma_wait3A_74 : memref<128xi32, #tpu.memory_space<hbm>>) dst(%arg7 : memref<128xi32, #tpu.memory_space<vmem>>)
      %dma_start3A_75 = arith.constant 0 : i32
      %dma_start3A_76 = arith.constant 0 : i32
      %dma_start3A_77 = tpu.memref_slice %arg2[%dma_start3A_75, %dma_start3A_76] : memref<10240x128xf32, #tpu.memory_space<hbm>> -> memref<10240x128xf32, #tpu.memory_space<hbm>>
      tpu.enqueue_indirect_dma source(%dma_start3A_77 : memref<10240x128xf32, #tpu.memory_space<hbm>>) target(%arg9 : memref<128x128xf32, #tpu.memory_space<vmem>>) offsets(%arg7 : memref<128xi32, #tpu.memory_space<vmem>>) semaphore(%arg13 : memref<!tpu.dma_semaphore, #tpu.memory_space<semaphore_mem>>)
      %dma_wait3A_78 = arith.constant 0 : i32
      %dma_wait3A_79 = arith.constant 0 : i32
      %dma_wait3A_80 = tpu.memref_slice %arg2[%dma_wait3A_78, %dma_wait3A_79] : memref<10240x128xf32, #tpu.memory_space<hbm>> -> memref<10240x128xf32, #tpu.memory_space<hbm>>
      tpu.wait_indirect_dma semaphore(%arg12 : memref<!tpu.dma_semaphore, #tpu.memory_space<semaphore_mem>>) src(%dma_wait3A_80 : memref<10240x128xf32, #tpu.memory_space<hbm>>) dst(%arg8 : memref<128x128xf32, #tpu.memory_space<vmem>>)
      %dma_start3A_81 = arith.constant 0 : i32
      %dma_start3A_82 = tpu.memref_slice %arg3[%add3A, %min3A_68, %dma_start3A_81] : memref<32x80x128xi32, #tpu.memory_space<hbm>> -> memref<1x1x128xi32, #tpu.memory_space<hbm>>
      %dma_start3A_83 = tpu.memref_squeeze %dma_start3A_82 : memref<1x1x128xi32, #tpu.memory_space<hbm>> -> memref<128xi32, #tpu.memory_space<hbm>>
      %dma_start3A_84 = arith.constant 0 : i32
      %dma_start3A_85 = tpu.memref_slice %arg3[%add3A, %min3A_68, %dma_start3A_84] : memref<32x80x128xi32, #tpu.memory_space<hbm>> -> memref<1x1x128xi32, #tpu.memory_space<hbm>>
      %dma_start3A_86 = tpu.memref_squeeze %dma_start3A_85 : memref<1x1x128xi32, #tpu.memory_space<hbm>> -> memref<128xi32, #tpu.memory_space<hbm>>
      tpu.enqueue_dma source(%dma_start3A_86 : memref<128xi32, #tpu.memory_space<hbm>>) target(%arg6 : memref<128xi32, #tpu.memory_space<vmem>>) target_semaphore(%arg14 : memref<!tpu.dma_semaphore, #tpu.memory_space<semaphore_mem>>)
      "tpu.region"() ({
        %run_scoped3A_119 = tpu.sem_alloc : memref<!tpu.dma_semaphore, #tpu.memory_space<semaphore_mem>>
        %dma_start3A_120 = arith.constant 0 : i32
        %dma_start3A_121 = tpu.memref_slice %arg10[%add3A_60, %dma_start3A_120] : memref<80x128xi32, #tpu.memory_space<vmem>> -> memref<1x128xi32, #tpu.memory_space<vmem>>
        %dma_start3A_122 = tpu.memref_squeeze %dma_start3A_121 : memref<1x128xi32, #tpu.memory_space<vmem>> -> memref<128xi32, #tpu.memory_space<vmem>>
        %dma_start3A_123 = arith.constant 0 : i32
        %dma_start3A_124 = arith.constant 0 : i32
        %dma_start3A_125 = tpu.memref_slice %arg11[%dma_start3A_123, %dma_start3A_124] : memref<10240x128xf32, #tpu.memory_space<vmem_shared>> -> memref<10240x128xf32, #tpu.memory_space<vmem_shared>>
        tpu.enqueue_indirect_dma source(%arg8 : memref<128x128xf32, #tpu.memory_space<vmem>>) target(%dma_start3A_125 : memref<10240x128xf32, #tpu.memory_space<vmem_shared>>) offsets(%dma_start3A_122 : memref<128xi32, #tpu.memory_space<vmem>>) semaphore(%run_scoped3A_119 : memref<!tpu.dma_semaphore, #tpu.memory_space<semaphore_mem>>) {add = true}
        %dma_wait3A_126 = arith.constant 0 : i32
        %dma_wait3A_127 = tpu.memref_slice %arg10[%add3A_60, %dma_wait3A_126] : memref<80x128xi32, #tpu.memory_space<vmem>> -> memref<1x128xi32, #tpu.memory_space<vmem>>
        %dma_wait3A_128 = tpu.memref_squeeze %dma_wait3A_127 : memref<1x128xi32, #tpu.memory_space<vmem>> -> memref<128xi32, #tpu.memory_space<vmem>>
        %dma_wait3A_129 = arith.constant 0 : i32
        %dma_wait3A_130 = arith.constant 0 : i32
        %dma_wait3A_131 = tpu.memref_slice %arg11[%dma_wait3A_129, %dma_wait3A_130] : memref<10240x128xf32, #tpu.memory_space<vmem_shared>> -> memref<10240x128xf32, #tpu.memory_space<vmem_shared>>
        tpu.wait_indirect_dma semaphore(%run_scoped3A_119 : memref<!tpu.dma_semaphore, #tpu.memory_space<semaphore_mem>>) src(%arg8 : memref<128x128xf32, #tpu.memory_space<vmem>>) dst(%dma_wait3A_131 : memref<10240x128xf32, #tpu.memory_space<vmem_shared>>)
        tpu.yield
      }) : () -> ()
      %mul3A_87 = arith.constant 2 : i32
      %mul3A_88 = arith.muli %scan3A_56, %mul3A_87 : i32
      %add3A_89 = arith.constant 1 : i32
      %add3A_90 = arith.addi %mul3A_88, %add3A_89 : i32
      %add3A_91 = arith.constant 2 : i32
      %add3A_92 = arith.addi %add3A_90, %add3A_91 : i32
      %sub3A_93 = arith.constant 1 : i32
      %sub3A_94 = arith.subi %add3A_92, %sub3A_93 : i32
      %min3A_95 = arith.constant 79 : i32
      %min3A_96 = arith.minsi %sub3A_94, %min3A_95 : i32
      %add3A_97 = arith.constant 2 : i32
      %add3A_98 = arith.addi %add3A_90, %add3A_97 : i32
      %min3A_99 = arith.constant 79 : i32
      %min3A_100 = arith.minsi %add3A_98, %min3A_99 : i32
      %dma_wait3A_101 = arith.constant 0 : i32
      %dma_wait3A_102 = tpu.memref_slice %arg3[%add3A, %min3A_96, %dma_wait3A_101] : memref<32x80x128xi32, #tpu.memory_space<hbm>> -> memref<1x1x128xi32, #tpu.memory_space<hbm>>
      %dma_wait3A_103 = tpu.memref_squeeze %dma_wait3A_102 : memref<1x1x128xi32, #tpu.memory_space<hbm>> -> memref<128xi32, #tpu.memory_space<hbm>>
      %dma_wait3A_104 = arith.constant 0 : i32
      %dma_wait3A_105 = tpu.memref_slice %arg3[%add3A, %min3A_96, %dma_wait3A_104] : memref<32x80x128xi32, #tpu.memory_space<hbm>> -> memref<1x1x128xi32, #tpu.memory_space<hbm>>
      %dma_wait3A_106 = tpu.memref_squeeze %dma_wait3A_105 : memref<1x1x128xi32, #tpu.memory_space<hbm>> -> memref<128xi32, #tpu.memory_space<hbm>>
      tpu.wait_dma2 semaphore(%arg14 : memref<!tpu.dma_semaphore, #tpu.memory_space<semaphore_mem>>) src(%dma_wait3A_106 : memref<128xi32, #tpu.memory_space<hbm>>) dst(%arg6 : memref<128xi32, #tpu.memory_space<vmem>>)
      %dma_start3A_107 = arith.constant 0 : i32
      %dma_start3A_108 = arith.constant 0 : i32
      %dma_start3A_109 = tpu.memref_slice %arg2[%dma_start3A_107, %dma_start3A_108] : memref<10240x128xf32, #tpu.memory_space<hbm>> -> memref<10240x128xf32, #tpu.memory_space<hbm>>
      tpu.enqueue_indirect_dma source(%dma_start3A_109 : memref<10240x128xf32, #tpu.memory_space<hbm>>) target(%arg8 : memref<128x128xf32, #tpu.memory_space<vmem>>) offsets(%arg6 : memref<128xi32, #tpu.memory_space<vmem>>) semaphore(%arg12 : memref<!tpu.dma_semaphore, #tpu.memory_space<semaphore_mem>>)
      %dma_wait3A_110 = arith.constant 0 : i32
      %dma_wait3A_111 = arith.constant 0 : i32
      %dma_wait3A_112 = tpu.memref_slice %arg2[%dma_wait3A_110, %dma_wait3A_111] : memref<10240x128xf32, #tpu.memory_space<hbm>> -> memref<10240x128xf32, #tpu.memory_space<hbm>>
      tpu.wait_indirect_dma semaphore(%arg13 : memref<!tpu.dma_semaphore, #tpu.memory_space<semaphore_mem>>) src(%dma_wait3A_112 : memref<10240x128xf32, #tpu.memory_space<hbm>>) dst(%arg9 : memref<128x128xf32, #tpu.memory_space<vmem>>)
      %dma_start3A_113 = arith.constant 0 : i32
      %dma_start3A_114 = tpu.memref_slice %arg3[%add3A, %min3A_100, %dma_start3A_113] : memref<32x80x128xi32, #tpu.memory_space<hbm>> -> memref<1x1x128xi32, #tpu.memory_space<hbm>>
      %dma_start3A_115 = tpu.memref_squeeze %dma_start3A_114 : memref<1x1x128xi32, #tpu.memory_space<hbm>> -> memref<128xi32, #tpu.memory_space<hbm>>
      %dma_start3A_116 = arith.constant 0 : i32
      %dma_start3A_117 = tpu.memref_slice %arg3[%add3A, %min3A_100, %dma_start3A_116] : memref<32x80x128xi32, #tpu.memory_space<hbm>> -> memref<1x1x128xi32, #tpu.memory_space<hbm>>
      %dma_start3A_118 = tpu.memref_squeeze %dma_start3A_117 : memref<1x1x128xi32, #tpu.memory_space<hbm>> -> memref<128xi32, #tpu.memory_space<hbm>>
      tpu.enqueue_dma source(%dma_start3A_118 : memref<128xi32, #tpu.memory_space<hbm>>) target(%arg7 : memref<128xi32, #tpu.memory_space<vmem>>) target_semaphore(%arg15 : memref<!tpu.dma_semaphore, #tpu.memory_space<semaphore_mem>>)
      "tpu.region"() ({
        %run_scoped3A_119 = tpu.sem_alloc : memref<!tpu.dma_semaphore, #tpu.memory_space<semaphore_mem>>
        %dma_start3A_120 = arith.constant 0 : i32
        %dma_start3A_121 = tpu.memref_slice %arg10[%add3A_90, %dma_start3A_120] : memref<80x128xi32, #tpu.memory_space<vmem>> -> memref<1x128xi32, #tpu.memory_space<vmem>>
        %dma_start3A_122 = tpu.memref_squeeze %dma_start3A_121 : memref<1x128xi32, #tpu.memory_space<vmem>> -> memref<128xi32, #tpu.memory_space<vmem>>
        %dma_start3A_123 = arith.constant 0 : i32
        %dma_start3A_124 = arith.constant 0 : i32
        %dma_start3A_125 = tpu.memref_slice %arg11[%dma_start3A_123, %dma_start3A_124] : memref<10240x128xf32, #tpu.memory_space<vmem_shared>> -> memref<10240x128xf32, #tpu.memory_space<vmem_shared>>
        tpu.enqueue_indirect_dma source(%arg9 : memref<128x128xf32, #tpu.memory_space<vmem>>) target(%dma_start3A_125 : memref<10240x128xf32, #tpu.memory_space<vmem_shared>>) offsets(%dma_start3A_122 : memref<128xi32, #tpu.memory_space<vmem>>) semaphore(%run_scoped3A_119 : memref<!tpu.dma_semaphore, #tpu.memory_space<semaphore_mem>>) {add = true}
        %dma_wait3A_126 = arith.constant 0 : i32
        %dma_wait3A_127 = tpu.memref_slice %arg10[%add3A_90, %dma_wait3A_126] : memref<80x128xi32, #tpu.memory_space<vmem>> -> memref<1x128xi32, #tpu.memory_space<vmem>>
        %dma_wait3A_128 = tpu.memref_squeeze %dma_wait3A_127 : memref<1x128xi32, #tpu.memory_space<vmem>> -> memref<128xi32, #tpu.memory_space<vmem>>
        %dma_wait3A_129 = arith.constant 0 : i32
        %dma_wait3A_130 = arith.constant 0 : i32
        %dma_wait3A_131 = tpu.memref_slice %arg11[%dma_wait3A_129, %dma_wait3A_130] : memref<10240x128xf32, #tpu.memory_space<vmem_shared>> -> memref<10240x128xf32, #tpu.memory_space<vmem_shared>>
        tpu.wait_indirect_dma semaphore(%run_scoped3A_119 : memref<!tpu.dma_semaphore, #tpu.memory_space<semaphore_mem>>) src(%arg9 : memref<128x128xf32, #tpu.memory_space<vmem>>) dst(%dma_wait3A_131 : memref<10240x128xf32, #tpu.memory_space<vmem_shared>>)
        tpu.yield
      }) : () -> ()
    }
    %scan3A_41 = arith.constant 40 : i32
    %dma_wait3A = arith.constant 0 : i32
    %dma_wait3A_42 = arith.constant 0 : i32
    %dma_wait3A_43 = tpu.memref_slice %arg2[%dma_wait3A, %dma_wait3A_42] : memref<10240x128xf32, #tpu.memory_space<hbm>> -> memref<10240x128xf32, #tpu.memory_space<hbm>>
    tpu.wait_indirect_dma semaphore(%arg12 : memref<!tpu.dma_semaphore, #tpu.memory_space<semaphore_mem>>) src(%dma_wait3A_43 : memref<10240x128xf32, #tpu.memory_space<hbm>>) dst(%arg8 : memref<128x128xf32, #tpu.memory_space<vmem>>)
    %dma_wait3A_44 = arith.constant 0 : i32
    %dma_wait3A_45 = arith.constant 0 : i32
    %dma_wait3A_46 = tpu.memref_slice %arg3[%add3A, %dma_wait3A_44, %dma_wait3A_45] : memref<32x80x128xi32, #tpu.memory_space<hbm>> -> memref<1x1x128xi32, #tpu.memory_space<hbm>>
    %dma_wait3A_47 = tpu.memref_squeeze %dma_wait3A_46 : memref<1x1x128xi32, #tpu.memory_space<hbm>> -> memref<128xi32, #tpu.memory_space<hbm>>
    %dma_wait3A_48 = arith.constant 0 : i32
    %dma_wait3A_49 = tpu.memref_slice %arg3[%add3A, %dma_wait3A_44, %dma_wait3A_48] : memref<32x80x128xi32, #tpu.memory_space<hbm>> -> memref<1x1x128xi32, #tpu.memory_space<hbm>>
    %dma_wait3A_50 = tpu.memref_squeeze %dma_wait3A_49 : memref<1x1x128xi32, #tpu.memory_space<hbm>> -> memref<128xi32, #tpu.memory_space<hbm>>
    tpu.wait_dma2 semaphore(%arg15 : memref<!tpu.dma_semaphore, #tpu.memory_space<semaphore_mem>>) src(%dma_wait3A_50 : memref<128xi32, #tpu.memory_space<hbm>>) dst(%arg7 : memref<128xi32, #tpu.memory_space<vmem>>)
    %barrier3A_51 = arith.constant 0 : index
    tpu.barrier barrier_id(%barrier3A_51)
    %mul3A_52 = arith.constant 640 : i32
    %mul3A_53 = arith.muli %arg1, %mul3A_52 : i32
    %mul3A_54 = arith.constant 640 : i32
    %mul3A_55 = arith.muli %arg1, %mul3A_54 : i32
    "tpu.region"() ({
      %run_scoped3A_56 = tpu.sem_alloc : memref<!tpu.dma_semaphore, #tpu.memory_space<semaphore_mem>>
      %dma_start3A_57 = arith.constant 0 : i32
      %dma_start3A_58 = tpu.memref_slice %arg5[%arg0, %mul3A_55, %dma_start3A_57] : memref<2x10240x128xf32, #tpu.memory_space<hbm>> -> memref<1x640x128xf32, #tpu.memory_space<hbm>>
      %dma_start3A_59 = tpu.memref_squeeze %dma_start3A_58 : memref<1x640x128xf32, #tpu.memory_space<hbm>> -> memref<640x128xf32, #tpu.memory_space<hbm>>
      %dma_start3A_60 = arith.constant 0 : i32
      %dma_start3A_61 = tpu.memref_slice %arg11[%mul3A_53, %dma_start3A_60] : memref<10240x128xf32, #tpu.memory_space<vmem_shared>> -> memref<640x128xf32, #tpu.memory_space<vmem_shared>>
      tpu.enqueue_dma source(%dma_start3A_61 : memref<640x128xf32, #tpu.memory_space<vmem_shared>>) target(%dma_start3A_59 : memref<640x128xf32, #tpu.memory_space<hbm>>) target_semaphore(%run_scoped3A_56 : memref<!tpu.dma_semaphore, #tpu.memory_space<semaphore_mem>>)
      %dma_wait3A_62 = arith.constant 0 : i32
      %dma_wait3A_63 = tpu.memref_slice %arg5[%arg0, %mul3A_55, %dma_wait3A_62] : memref<2x10240x128xf32, #tpu.memory_space<hbm>> -> memref<1x640x128xf32, #tpu.memory_space<hbm>>
      %dma_wait3A_64 = tpu.memref_squeeze %dma_wait3A_63 : memref<1x640x128xf32, #tpu.memory_space<hbm>> -> memref<640x128xf32, #tpu.memory_space<hbm>>
      %dma_wait3A_65 = arith.constant 0 : i32
      %dma_wait3A_66 = tpu.memref_slice %arg11[%mul3A_53, %dma_wait3A_65] : memref<10240x128xf32, #tpu.memory_space<vmem_shared>> -> memref<640x128xf32, #tpu.memory_space<vmem_shared>>
      tpu.wait_dma2 semaphore(%run_scoped3A_56 : memref<!tpu.dma_semaphore, #tpu.memory_space<semaphore_mem>>) src(%dma_wait3A_66 : memref<640x128xf32, #tpu.memory_space<vmem_shared>>) dst(%dma_wait3A_64 : memref<640x128xf32, #tpu.memory_space<hbm>>)
      tpu.yield
    }) : () -> ()
    return
  }
}

#map = affine_map<(d0, d1) -> (0, 0)>
#map1 = affine_map<(d0, d1) -> (0, 0, 0)>
module attributes {stable_mosaic.version = 14 : i64} {
  func.func @_sc_agg(%arg0: i32, %arg1: i32, %arg2: memref<10240x128xf32, #tpu.memory_space<hbm>>, %arg3: memref<32x80x128xi32, #tpu.memory_space<hbm>>, %arg4: memref<32x80x128xi32, #tpu.memory_space<hbm>>, %arg5: memref<2x10240x128xf32, #tpu.memory_space<hbm>>, %arg6: memref<128xi32, #tpu.memory_space<vmem>>, %arg7: memref<128xi32, #tpu.memory_space<vmem>>, %arg8: memref<128x128xf32, #tpu.memory_space<vmem>>, %arg9: memref<128x128xf32, #tpu.memory_space<vmem>>, %arg10: memref<80x128xi32, #tpu.memory_space<vmem>>, %arg11: memref<10240x128xf32, #tpu.memory_space<vmem_shared>>, %arg12: memref<!tpu.dma_semaphore, #tpu.memory_space<semaphore_mem>>, %arg13: memref<!tpu.dma_semaphore, #tpu.memory_space<semaphore_mem>>, %arg14: memref<!tpu.dma_semaphore, #tpu.memory_space<semaphore_mem>>, %arg15: memref<!tpu.dma_semaphore, #tpu.memory_space<semaphore_mem>>) attributes {dimension_semantics = [#tpu.dimension_semantics<core_parallel>, #tpu.dimension_semantics<subcore_parallel>], iteration_bounds = array<i64: 2, 16>, scalar_prefetch = 0 : i64, scratch_operands = 10 : i64, tpu.core_type = #tpu.core_type<sc_vector_subcore>, window_params = [{transform_indices = #map}, {transform_indices = #map1}, {transform_indices = #map1}, {transform_indices = #map1}]} {
    %mul3A = arith.constant 16 : i32
    %mul3A_0 = arith.muli %arg0, %mul3A : i32
    %add3A = arith.addi %mul3A_0, %arg1 : i32
    "tpu.region"() ({
      %run_scoped3A_56 = tpu.sem_alloc : memref<!tpu.dma_semaphore, #tpu.memory_space<semaphore_mem>>
      %dma_start3A_57 = arith.constant 0 : i32
      %dma_start3A_58 = arith.constant 0 : i32
      %dma_start3A_59 = tpu.memref_slice %arg4[%add3A, %dma_start3A_57, %dma_start3A_58] : memref<32x80x128xi32, #tpu.memory_space<hbm>> -> memref<1x80x128xi32, #tpu.memory_space<hbm>>
      %dma_start3A_60 = tpu.memref_squeeze %dma_start3A_59 : memref<1x80x128xi32, #tpu.memory_space<hbm>> -> memref<80x128xi32, #tpu.memory_space<hbm>>
      %dma_start3A_61 = arith.constant 0 : i32
      %dma_start3A_62 = arith.constant 0 : i32
      %dma_start3A_63 = tpu.memref_slice %arg4[%add3A, %dma_start3A_61, %dma_start3A_62] : memref<32x80x128xi32, #tpu.memory_space<hbm>> -> memref<1x80x128xi32, #tpu.memory_space<hbm>>
      %dma_start3A_64 = tpu.memref_squeeze %dma_start3A_63 : memref<1x80x128xi32, #tpu.memory_space<hbm>> -> memref<80x128xi32, #tpu.memory_space<hbm>>
      tpu.enqueue_dma source(%dma_start3A_64 : memref<80x128xi32, #tpu.memory_space<hbm>>) target(%arg10 : memref<80x128xi32, #tpu.memory_space<vmem>>) target_semaphore(%run_scoped3A_56 : memref<!tpu.dma_semaphore, #tpu.memory_space<semaphore_mem>>)
      %dma_wait3A_65 = arith.constant 0 : i32
      %dma_wait3A_66 = arith.constant 0 : i32
      %dma_wait3A_67 = tpu.memref_slice %arg4[%add3A, %dma_wait3A_65, %dma_wait3A_66] : memref<32x80x128xi32, #tpu.memory_space<hbm>> -> memref<1x80x128xi32, #tpu.memory_space<hbm>>
      %dma_wait3A_68 = tpu.memref_squeeze %dma_wait3A_67 : memref<1x80x128xi32, #tpu.memory_space<hbm>> -> memref<80x128xi32, #tpu.memory_space<hbm>>
      %dma_wait3A_69 = arith.constant 0 : i32
      %dma_wait3A_70 = arith.constant 0 : i32
      %dma_wait3A_71 = tpu.memref_slice %arg4[%add3A, %dma_wait3A_69, %dma_wait3A_70] : memref<32x80x128xi32, #tpu.memory_space<hbm>> -> memref<1x80x128xi32, #tpu.memory_space<hbm>>
      %dma_wait3A_72 = tpu.memref_squeeze %dma_wait3A_71 : memref<1x80x128xi32, #tpu.memory_space<hbm>> -> memref<80x128xi32, #tpu.memory_space<hbm>>
      tpu.wait_dma2 semaphore(%run_scoped3A_56 : memref<!tpu.dma_semaphore, #tpu.memory_space<semaphore_mem>>) src(%dma_wait3A_72 : memref<80x128xi32, #tpu.memory_space<hbm>>) dst(%arg10 : memref<80x128xi32, #tpu.memory_space<vmem>>)
      tpu.yield
    }) : () -> ()
    %run_scoped3A = arith.constant 0 : i32
    "tpu.region"() ({
      %run_scoped3A_56 = tpu.sem_alloc : memref<!tpu.dma_semaphore, #tpu.memory_space<semaphore_mem>>
      %dma_start3A_57 = arith.constant 0 : i32
      %dma_start3A_58 = tpu.memref_slice %arg3[%add3A, %run_scoped3A, %dma_start3A_57] : memref<32x80x128xi32, #tpu.memory_space<hbm>> -> memref<1x1x128xi32, #tpu.memory_space<hbm>>
      %dma_start3A_59 = tpu.memref_squeeze %dma_start3A_58 : memref<1x1x128xi32, #tpu.memory_space<hbm>> -> memref<128xi32, #tpu.memory_space<hbm>>
      %dma_start3A_60 = arith.constant 0 : i32
      %dma_start3A_61 = tpu.memref_slice %arg3[%add3A, %run_scoped3A, %dma_start3A_60] : memref<32x80x128xi32, #tpu.memory_space<hbm>> -> memref<1x1x128xi32, #tpu.memory_space<hbm>>
      %dma_start3A_62 = tpu.memref_squeeze %dma_start3A_61 : memref<1x1x128xi32, #tpu.memory_space<hbm>> -> memref<128xi32, #tpu.memory_space<hbm>>
      tpu.enqueue_dma source(%dma_start3A_62 : memref<128xi32, #tpu.memory_space<hbm>>) target(%arg6 : memref<128xi32, #tpu.memory_space<vmem>>) target_semaphore(%run_scoped3A_56 : memref<!tpu.dma_semaphore, #tpu.memory_space<semaphore_mem>>)
      %dma_wait3A_63 = arith.constant 0 : i32
      %dma_wait3A_64 = tpu.memref_slice %arg3[%add3A, %run_scoped3A, %dma_wait3A_63] : memref<32x80x128xi32, #tpu.memory_space<hbm>> -> memref<1x1x128xi32, #tpu.memory_space<hbm>>
      %dma_wait3A_65 = tpu.memref_squeeze %dma_wait3A_64 : memref<1x1x128xi32, #tpu.memory_space<hbm>> -> memref<128xi32, #tpu.memory_space<hbm>>
      %dma_wait3A_66 = arith.constant 0 : i32
      %dma_wait3A_67 = tpu.memref_slice %arg3[%add3A, %run_scoped3A, %dma_wait3A_66] : memref<32x80x128xi32, #tpu.memory_space<hbm>> -> memref<1x1x128xi32, #tpu.memory_space<hbm>>
      %dma_wait3A_68 = tpu.memref_squeeze %dma_wait3A_67 : memref<1x1x128xi32, #tpu.memory_space<hbm>> -> memref<128xi32, #tpu.memory_space<hbm>>
      tpu.wait_dma2 semaphore(%run_scoped3A_56 : memref<!tpu.dma_semaphore, #tpu.memory_space<semaphore_mem>>) src(%dma_wait3A_68 : memref<128xi32, #tpu.memory_space<hbm>>) dst(%arg6 : memref<128xi32, #tpu.memory_space<vmem>>)
      tpu.yield
    }) : () -> ()
    %dma_start3A = arith.constant 0 : i32
    %dma_start3A_1 = arith.constant 0 : i32
    %dma_start3A_2 = tpu.memref_slice %arg2[%dma_start3A, %dma_start3A_1] : memref<10240x128xf32, #tpu.memory_space<hbm>> -> memref<10240x128xf32, #tpu.memory_space<hbm>>
    tpu.enqueue_indirect_dma source(%dma_start3A_2 : memref<10240x128xf32, #tpu.memory_space<hbm>>) target(%arg8 : memref<128x128xf32, #tpu.memory_space<vmem>>) offsets(%arg6 : memref<128xi32, #tpu.memory_space<vmem>>) semaphore(%arg12 : memref<!tpu.dma_semaphore, #tpu.memory_space<semaphore_mem>>)
    %dma_start3A_3 = arith.constant 1 : i32
    %dma_start3A_4 = arith.constant 0 : i32
    %dma_start3A_5 = tpu.memref_slice %arg3[%add3A, %dma_start3A_3, %dma_start3A_4] : memref<32x80x128xi32, #tpu.memory_space<hbm>> -> memref<1x1x128xi32, #tpu.memory_space<hbm>>
    %dma_start3A_6 = tpu.memref_squeeze %dma_start3A_5 : memref<1x1x128xi32, #tpu.memory_space<hbm>> -> memref<128xi32, #tpu.memory_space<hbm>>
    %dma_start3A_7 = arith.constant 0 : i32
    %dma_start3A_8 = tpu.memref_slice %arg3[%add3A, %dma_start3A_3, %dma_start3A_7] : memref<32x80x128xi32, #tpu.memory_space<hbm>> -> memref<1x1x128xi32, #tpu.memory_space<hbm>>
    %dma_start3A_9 = tpu.memref_squeeze %dma_start3A_8 : memref<1x1x128xi32, #tpu.memory_space<hbm>> -> memref<128xi32, #tpu.memory_space<hbm>>
    tpu.enqueue_dma source(%dma_start3A_9 : memref<128xi32, #tpu.memory_space<hbm>>) target(%arg7 : memref<128xi32, #tpu.memory_space<vmem>>) target_semaphore(%arg15 : memref<!tpu.dma_semaphore, #tpu.memory_space<semaphore_mem>>)
    %broadcast_in_dim3A = arith.constant 0.000000e+00 : f32
    %broadcast_in_dim3A_10 = vector.broadcast %broadcast_in_dim3A : f32 to vector<16xf32>
    %scan3A = arith.constant 0 : i32
    %scan3A_11 = arith.constant 0 : i32
    %scan3A_12 = arith.constant 128 : i32
    %scan3A_13 = arith.addi %scan3A_11, %scan3A_12 : i32
    %scan3A_14 = arith.constant 1 : i32
    scf.for %scan3A_56 = %scan3A_11 to %scan3A_13 step %scan3A_14  : i32 {
      %swap3A = arith.index_cast %scan3A_56 : i32 to index
      %swap3A_57 = arith.constant 0 : index
      %swap3A_58 = tpu.vector_load %arg9[%swap3A, %swap3A_57] {strides = array<i32>} : memref<128x128xf32, #tpu.memory_space<vmem>>, vector<1x16xf32>,
      %swap3A_59 = vector.shape_cast %swap3A_58 : vector<1x16xf32> to vector<16xf32>
      %swap3A_60 = vector.shape_cast %broadcast_in_dim3A_10 : vector<16xf32> to vector<1x16xf32>
      tpu.vector_store %arg9[%swap3A, %swap3A_57], %swap3A_60 {strides = array<i32>} : memref<128x128xf32, #tpu.memory_space<vmem>>, vector<1x16xf32>,
      %swap3A_61 = arith.index_cast %scan3A_56 : i32 to index
      %swap3A_62 = arith.constant 16 : index
      %swap3A_63 = tpu.vector_load %arg9[%swap3A_61, %swap3A_62] {strides = array<i32>} : memref<128x128xf32, #tpu.memory_space<vmem>>, vector<1x16xf32>,
      %swap3A_64 = vector.shape_cast %swap3A_63 : vector<1x16xf32> to vector<16xf32>
      %swap3A_65 = vector.shape_cast %broadcast_in_dim3A_10 : vector<16xf32> to vector<1x16xf32>
      tpu.vector_store %arg9[%swap3A_61, %swap3A_62], %swap3A_65 {strides = array<i32>} : memref<128x128xf32, #tpu.memory_space<vmem>>, vector<1x16xf32>,
      %swap3A_66 = arith.index_cast %scan3A_56 : i32 to index
      %swap3A_67 = arith.constant 32 : index
      %swap3A_68 = tpu.vector_load %arg9[%swap3A_66, %swap3A_67] {strides = array<i32>} : memref<128x128xf32, #tpu.memory_space<vmem>>, vector<1x16xf32>,
      %swap3A_69 = vector.shape_cast %swap3A_68 : vector<1x16xf32> to vector<16xf32>
      %swap3A_70 = vector.shape_cast %broadcast_in_dim3A_10 : vector<16xf32> to vector<1x16xf32>
      tpu.vector_store %arg9[%swap3A_66, %swap3A_67], %swap3A_70 {strides = array<i32>} : memref<128x128xf32, #tpu.memory_space<vmem>>, vector<1x16xf32>,
      %swap3A_71 = arith.index_cast %scan3A_56 : i32 to index
      %swap3A_72 = arith.constant 48 : index
      %swap3A_73 = tpu.vector_load %arg9[%swap3A_71, %swap3A_72] {strides = array<i32>} : memref<128x128xf32, #tpu.memory_space<vmem>>, vector<1x16xf32>,
      %swap3A_74 = vector.shape_cast %swap3A_73 : vector<1x16xf32> to vector<16xf32>
      %swap3A_75 = vector.shape_cast %broadcast_in_dim3A_10 : vector<16xf32> to vector<1x16xf32>
      tpu.vector_store %arg9[%swap3A_71, %swap3A_72], %swap3A_75 {strides = array<i32>} : memref<128x128xf32, #tpu.memory_space<vmem>>, vector<1x16xf32>,
      %swap3A_76 = arith.index_cast %scan3A_56 : i32 to index
      %swap3A_77 = arith.constant 64 : index
      %swap3A_78 = tpu.vector_load %arg9[%swap3A_76, %swap3A_77] {strides = array<i32>} : memref<128x128xf32, #tpu.memory_space<vmem>>, vector<1x16xf32>,
      %swap3A_79 = vector.shape_cast %swap3A_78 : vector<1x16xf32> to vector<16xf32>
      %swap3A_80 = vector.shape_cast %broadcast_in_dim3A_10 : vector<16xf32> to vector<1x16xf32>
      tpu.vector_store %arg9[%swap3A_76, %swap3A_77], %swap3A_80 {strides = array<i32>} : memref<128x128xf32, #tpu.memory_space<vmem>>, vector<1x16xf32>,
      %swap3A_81 = arith.index_cast %scan3A_56 : i32 to index
      %swap3A_82 = arith.constant 80 : index
      %swap3A_83 = tpu.vector_load %arg9[%swap3A_81, %swap3A_82] {strides = array<i32>} : memref<128x128xf32, #tpu.memory_space<vmem>>, vector<1x16xf32>,
      %swap3A_84 = vector.shape_cast %swap3A_83 : vector<1x16xf32> to vector<16xf32>
      %swap3A_85 = vector.shape_cast %broadcast_in_dim3A_10 : vector<16xf32> to vector<1x16xf32>
      tpu.vector_store %arg9[%swap3A_81, %swap3A_82], %swap3A_85 {strides = array<i32>} : memref<128x128xf32, #tpu.memory_space<vmem>>, vector<1x16xf32>,
      %swap3A_86 = arith.index_cast %scan3A_56 : i32 to index
      %swap3A_87 = arith.constant 96 : index
      %swap3A_88 = tpu.vector_load %arg9[%swap3A_86, %swap3A_87] {strides = array<i32>} : memref<128x128xf32, #tpu.memory_space<vmem>>, vector<1x16xf32>,
      %swap3A_89 = vector.shape_cast %swap3A_88 : vector<1x16xf32> to vector<16xf32>
      %swap3A_90 = vector.shape_cast %broadcast_in_dim3A_10 : vector<16xf32> to vector<1x16xf32>
      tpu.vector_store %arg9[%swap3A_86, %swap3A_87], %swap3A_90 {strides = array<i32>} : memref<128x128xf32, #tpu.memory_space<vmem>>, vector<1x16xf32>,
      %swap3A_91 = arith.index_cast %scan3A_56 : i32 to index
      %swap3A_92 = arith.constant 112 : index
      %swap3A_93 = tpu.vector_load %arg9[%swap3A_91, %swap3A_92] {strides = array<i32>} : memref<128x128xf32, #tpu.memory_space<vmem>>, vector<1x16xf32>,
      %swap3A_94 = vector.shape_cast %swap3A_93 : vector<1x16xf32> to vector<16xf32>
      %swap3A_95 = vector.shape_cast %broadcast_in_dim3A_10 : vector<16xf32> to vector<1x16xf32>
      tpu.vector_store %arg9[%swap3A_91, %swap3A_92], %swap3A_95 {strides = array<i32>} : memref<128x128xf32, #tpu.memory_space<vmem>>, vector<1x16xf32>,
    }
    %scan3A_15 = arith.constant 128 : i32
    %mul3A_16 = arith.constant 640 : i32
    %mul3A_17 = arith.muli %arg1, %mul3A_16 : i32
    %add3A_18 = arith.constant 0 : i32
    %add3A_19 = arith.addi %mul3A_17, %add3A_18 : i32
    "tpu.region"() ({
      %run_scoped3A_56 = tpu.sem_alloc : memref<!tpu.dma_semaphore, #tpu.memory_space<semaphore_mem>>
      %dma_start3A_57 = arith.constant 0 : i32
      %dma_start3A_58 = tpu.memref_slice %arg11[%add3A_19, %dma_start3A_57] : memref<10240x128xf32, #tpu.memory_space<vmem_shared>> -> memref<128x128xf32, #tpu.memory_space<vmem_shared>>
      %dma_start3A_59 = arith.constant 0 : i32
      %dma_start3A_60 = tpu.memref_slice %arg11[%add3A_19, %dma_start3A_59] : memref<10240x128xf32, #tpu.memory_space<vmem_shared>> -> memref<128x128xf32, #tpu.memory_space<vmem_shared>>
      tpu.enqueue_dma source(%arg9 : memref<128x128xf32, #tpu.memory_space<vmem>>) target(%dma_start3A_60 : memref<128x128xf32, #tpu.memory_space<vmem_shared>>) target_semaphore(%run_scoped3A_56 : memref<!tpu.dma_semaphore, #tpu.memory_space<semaphore_mem>>)
      %dma_wait3A_61 = arith.constant 0 : i32
      %dma_wait3A_62 = tpu.memref_slice %arg11[%add3A_19, %dma_wait3A_61] : memref<10240x128xf32, #tpu.memory_space<vmem_shared>> -> memref<128x128xf32, #tpu.memory_space<vmem_shared>>
      %dma_wait3A_63 = arith.constant 0 : i32
      %dma_wait3A_64 = tpu.memref_slice %arg11[%add3A_19, %dma_wait3A_63] : memref<10240x128xf32, #tpu.memory_space<vmem_shared>> -> memref<128x128xf32, #tpu.memory_space<vmem_shared>>
      tpu.wait_dma2 semaphore(%run_scoped3A_56 : memref<!tpu.dma_semaphore, #tpu.memory_space<semaphore_mem>>) src(%arg9 : memref<128x128xf32, #tpu.memory_space<vmem>>) dst(%dma_wait3A_64 : memref<128x128xf32, #tpu.memory_space<vmem_shared>>)
      tpu.yield
    }) : () -> ()
    %mul3A_20 = arith.constant 640 : i32
    %mul3A_21 = arith.muli %arg1, %mul3A_20 : i32
    %add3A_22 = arith.constant 128 : i32
    %add3A_23 = arith.addi %mul3A_21, %add3A_22 : i32
    "tpu.region"() ({
      %run_scoped3A_56 = tpu.sem_alloc : memref<!tpu.dma_semaphore, #tpu.memory_space<semaphore_mem>>
      %dma_start3A_57 = arith.constant 0 : i32
      %dma_start3A_58 = tpu.memref_slice %arg11[%add3A_23, %dma_start3A_57] : memref<10240x128xf32, #tpu.memory_space<vmem_shared>> -> memref<128x128xf32, #tpu.memory_space<vmem_shared>>
      %dma_start3A_59 = arith.constant 0 : i32
      %dma_start3A_60 = tpu.memref_slice %arg11[%add3A_23, %dma_start3A_59] : memref<10240x128xf32, #tpu.memory_space<vmem_shared>> -> memref<128x128xf32, #tpu.memory_space<vmem_shared>>
      tpu.enqueue_dma source(%arg9 : memref<128x128xf32, #tpu.memory_space<vmem>>) target(%dma_start3A_60 : memref<128x128xf32, #tpu.memory_space<vmem_shared>>) target_semaphore(%run_scoped3A_56 : memref<!tpu.dma_semaphore, #tpu.memory_space<semaphore_mem>>)
      %dma_wait3A_61 = arith.constant 0 : i32
      %dma_wait3A_62 = tpu.memref_slice %arg11[%add3A_23, %dma_wait3A_61] : memref<10240x128xf32, #tpu.memory_space<vmem_shared>> -> memref<128x128xf32, #tpu.memory_space<vmem_shared>>
      %dma_wait3A_63 = arith.constant 0 : i32
      %dma_wait3A_64 = tpu.memref_slice %arg11[%add3A_23, %dma_wait3A_63] : memref<10240x128xf32, #tpu.memory_space<vmem_shared>> -> memref<128x128xf32, #tpu.memory_space<vmem_shared>>
      tpu.wait_dma2 semaphore(%run_scoped3A_56 : memref<!tpu.dma_semaphore, #tpu.memory_space<semaphore_mem>>) src(%arg9 : memref<128x128xf32, #tpu.memory_space<vmem>>) dst(%dma_wait3A_64 : memref<128x128xf32, #tpu.memory_space<vmem_shared>>)
      tpu.yield
    }) : () -> ()
    %mul3A_24 = arith.constant 640 : i32
    %mul3A_25 = arith.muli %arg1, %mul3A_24 : i32
    %add3A_26 = arith.constant 256 : i32
    %add3A_27 = arith.addi %mul3A_25, %add3A_26 : i32
    "tpu.region"() ({
      %run_scoped3A_56 = tpu.sem_alloc : memref<!tpu.dma_semaphore, #tpu.memory_space<semaphore_mem>>
      %dma_start3A_57 = arith.constant 0 : i32
      %dma_start3A_58 = tpu.memref_slice %arg11[%add3A_27, %dma_start3A_57] : memref<10240x128xf32, #tpu.memory_space<vmem_shared>> -> memref<128x128xf32, #tpu.memory_space<vmem_shared>>
      %dma_start3A_59 = arith.constant 0 : i32
      %dma_start3A_60 = tpu.memref_slice %arg11[%add3A_27, %dma_start3A_59] : memref<10240x128xf32, #tpu.memory_space<vmem_shared>> -> memref<128x128xf32, #tpu.memory_space<vmem_shared>>
      tpu.enqueue_dma source(%arg9 : memref<128x128xf32, #tpu.memory_space<vmem>>) target(%dma_start3A_60 : memref<128x128xf32, #tpu.memory_space<vmem_shared>>) target_semaphore(%run_scoped3A_56 : memref<!tpu.dma_semaphore, #tpu.memory_space<semaphore_mem>>)
      %dma_wait3A_61 = arith.constant 0 : i32
      %dma_wait3A_62 = tpu.memref_slice %arg11[%add3A_27, %dma_wait3A_61] : memref<10240x128xf32, #tpu.memory_space<vmem_shared>> -> memref<128x128xf32, #tpu.memory_space<vmem_shared>>
      %dma_wait3A_63 = arith.constant 0 : i32
      %dma_wait3A_64 = tpu.memref_slice %arg11[%add3A_27, %dma_wait3A_63] : memref<10240x128xf32, #tpu.memory_space<vmem_shared>> -> memref<128x128xf32, #tpu.memory_space<vmem_shared>>
      tpu.wait_dma2 semaphore(%run_scoped3A_56 : memref<!tpu.dma_semaphore, #tpu.memory_space<semaphore_mem>>) src(%arg9 : memref<128x128xf32, #tpu.memory_space<vmem>>) dst(%dma_wait3A_64 : memref<128x128xf32, #tpu.memory_space<vmem_shared>>)
      tpu.yield
    }) : () -> ()
    %mul3A_28 = arith.constant 640 : i32
    %mul3A_29 = arith.muli %arg1, %mul3A_28 : i32
    %add3A_30 = arith.constant 384 : i32
    %add3A_31 = arith.addi %mul3A_29, %add3A_30 : i32
    "tpu.region"() ({
      %run_scoped3A_56 = tpu.sem_alloc : memref<!tpu.dma_semaphore, #tpu.memory_space<semaphore_mem>>
      %dma_start3A_57 = arith.constant 0 : i32
      %dma_start3A_58 = tpu.memref_slice %arg11[%add3A_31, %dma_start3A_57] : memref<10240x128xf32, #tpu.memory_space<vmem_shared>> -> memref<128x128xf32, #tpu.memory_space<vmem_shared>>
      %dma_start3A_59 = arith.constant 0 : i32
      %dma_start3A_60 = tpu.memref_slice %arg11[%add3A_31, %dma_start3A_59] : memref<10240x128xf32, #tpu.memory_space<vmem_shared>> -> memref<128x128xf32, #tpu.memory_space<vmem_shared>>
      tpu.enqueue_dma source(%arg9 : memref<128x128xf32, #tpu.memory_space<vmem>>) target(%dma_start3A_60 : memref<128x128xf32, #tpu.memory_space<vmem_shared>>) target_semaphore(%run_scoped3A_56 : memref<!tpu.dma_semaphore, #tpu.memory_space<semaphore_mem>>)
      %dma_wait3A_61 = arith.constant 0 : i32
      %dma_wait3A_62 = tpu.memref_slice %arg11[%add3A_31, %dma_wait3A_61] : memref<10240x128xf32, #tpu.memory_space<vmem_shared>> -> memref<128x128xf32, #tpu.memory_space<vmem_shared>>
      %dma_wait3A_63 = arith.constant 0 : i32
      %dma_wait3A_64 = tpu.memref_slice %arg11[%add3A_31, %dma_wait3A_63] : memref<10240x128xf32, #tpu.memory_space<vmem_shared>> -> memref<128x128xf32, #tpu.memory_space<vmem_shared>>
      tpu.wait_dma2 semaphore(%run_scoped3A_56 : memref<!tpu.dma_semaphore, #tpu.memory_space<semaphore_mem>>) src(%arg9 : memref<128x128xf32, #tpu.memory_space<vmem>>) dst(%dma_wait3A_64 : memref<128x128xf32, #tpu.memory_space<vmem_shared>>)
      tpu.yield
    }) : () -> ()
    %mul3A_32 = arith.constant 640 : i32
    %mul3A_33 = arith.muli %arg1, %mul3A_32 : i32
    %add3A_34 = arith.constant 512 : i32
    %add3A_35 = arith.addi %mul3A_33, %add3A_34 : i32
    "tpu.region"() ({
      %run_scoped3A_56 = tpu.sem_alloc : memref<!tpu.dma_semaphore, #tpu.memory_space<semaphore_mem>>
      %dma_start3A_57 = arith.constant 0 : i32
      %dma_start3A_58 = tpu.memref_slice %arg11[%add3A_35, %dma_start3A_57] : memref<10240x128xf32, #tpu.memory_space<vmem_shared>> -> memref<128x128xf32, #tpu.memory_space<vmem_shared>>
      %dma_start3A_59 = arith.constant 0 : i32
      %dma_start3A_60 = tpu.memref_slice %arg11[%add3A_35, %dma_start3A_59] : memref<10240x128xf32, #tpu.memory_space<vmem_shared>> -> memref<128x128xf32, #tpu.memory_space<vmem_shared>>
      tpu.enqueue_dma source(%arg9 : memref<128x128xf32, #tpu.memory_space<vmem>>) target(%dma_start3A_60 : memref<128x128xf32, #tpu.memory_space<vmem_shared>>) target_semaphore(%run_scoped3A_56 : memref<!tpu.dma_semaphore, #tpu.memory_space<semaphore_mem>>)
      %dma_wait3A_61 = arith.constant 0 : i32
      %dma_wait3A_62 = tpu.memref_slice %arg11[%add3A_35, %dma_wait3A_61] : memref<10240x128xf32, #tpu.memory_space<vmem_shared>> -> memref<128x128xf32, #tpu.memory_space<vmem_shared>>
      %dma_wait3A_63 = arith.constant 0 : i32
      %dma_wait3A_64 = tpu.memref_slice %arg11[%add3A_35, %dma_wait3A_63] : memref<10240x128xf32, #tpu.memory_space<vmem_shared>> -> memref<128x128xf32, #tpu.memory_space<vmem_shared>>
      tpu.wait_dma2 semaphore(%run_scoped3A_56 : memref<!tpu.dma_semaphore, #tpu.memory_space<semaphore_mem>>) src(%arg9 : memref<128x128xf32, #tpu.memory_space<vmem>>) dst(%dma_wait3A_64 : memref<128x128xf32, #tpu.memory_space<vmem_shared>>)
      tpu.yield
    }) : () -> ()
    %barrier3A = arith.constant 0 : index
    tpu.barrier barrier_id(%barrier3A)
    %scan3A_36 = arith.constant 0 : i32
    %scan3A_37 = arith.constant 0 : i32
    %scan3A_38 = arith.constant 40 : i32
    %scan3A_39 = arith.addi %scan3A_37, %scan3A_38 : i32
    %scan3A_40 = arith.constant 1 : i32
    scf.for %scan3A_56 = %scan3A_37 to %scan3A_39 step %scan3A_40  : i32 {
      %mul3A_57 = arith.constant 2 : i32
      %mul3A_58 = arith.muli %scan3A_56, %mul3A_57 : i32
      %add3A_59 = arith.constant 0 : i32
      %add3A_60 = arith.addi %mul3A_58, %add3A_59 : i32
      %add3A_61 = arith.constant 2 : i32
      %add3A_62 = arith.addi %add3A_60, %add3A_61 : i32
      %sub3A = arith.constant 1 : i32
      %sub3A_63 = arith.subi %add3A_62, %sub3A : i32
      %min3A = arith.constant 79 : i32
      %min3A_64 = arith.minsi %sub3A_63, %min3A : i32
      %add3A_65 = arith.constant 2 : i32
      %add3A_66 = arith.addi %add3A_60, %add3A_65 : i32
      %min3A_67 = arith.constant 79 : i32
      %min3A_68 = arith.minsi %add3A_66, %min3A_67 : i32
      %dma_wait3A_69 = arith.constant 0 : i32
      %dma_wait3A_70 = tpu.memref_slice %arg3[%add3A, %min3A_64, %dma_wait3A_69] : memref<32x80x128xi32, #tpu.memory_space<hbm>> -> memref<1x1x128xi32, #tpu.memory_space<hbm>>
      %dma_wait3A_71 = tpu.memref_squeeze %dma_wait3A_70 : memref<1x1x128xi32, #tpu.memory_space<hbm>> -> memref<128xi32, #tpu.memory_space<hbm>>
      %dma_wait3A_72 = arith.constant 0 : i32
      %dma_wait3A_73 = tpu.memref_slice %arg3[%add3A, %min3A_64, %dma_wait3A_72] : memref<32x80x128xi32, #tpu.memory_space<hbm>> -> memref<1x1x128xi32, #tpu.memory_space<hbm>>
      %dma_wait3A_74 = tpu.memref_squeeze %dma_wait3A_73 : memref<1x1x128xi32, #tpu.memory_space<hbm>> -> memref<128xi32, #tpu.memory_space<hbm>>
      tpu.wait_dma2 semaphore(%arg15 : memref<!tpu.dma_semaphore, #tpu.memory_space<semaphore_mem>>) src(%dma_wait3A_74 : memref<128xi32, #tpu.memory_space<hbm>>) dst(%arg7 : memref<128xi32, #tpu.memory_space<vmem>>)
      %dma_start3A_75 = arith.constant 0 : i32
      %dma_start3A_76 = arith.constant 0 : i32
      %dma_start3A_77 = tpu.memref_slice %arg2[%dma_start3A_75, %dma_start3A_76] : memref<10240x128xf32, #tpu.memory_space<hbm>> -> memref<10240x128xf32, #tpu.memory_space<hbm>>
      tpu.enqueue_indirect_dma source(%dma_start3A_77 : memref<10240x128xf32, #tpu.memory_space<hbm>>) target(%arg9 : memref<128x128xf32, #tpu.memory_space<vmem>>) offsets(%arg7 : memref<128xi32, #tpu.memory_space<vmem>>) semaphore(%arg13 : memref<!tpu.dma_semaphore, #tpu.memory_space<semaphore_mem>>)
      %dma_wait3A_78 = arith.constant 0 : i32
      %dma_wait3A_79 = arith.constant 0 : i32
      %dma_wait3A_80 = tpu.memref_slice %arg2[%dma_wait3A_78, %dma_wait3A_79] : memref<10240x128xf32, #tpu.memory_space<hbm>> -> memref<10240x128xf32, #tpu.memory_space<hbm>>
      tpu.wait_indirect_dma semaphore(%arg12 : memref<!tpu.dma_semaphore, #tpu.memory_space<semaphore_mem>>) src(%dma_wait3A_80 : memref<10240x128xf32, #tpu.memory_space<hbm>>) dst(%arg8 : memref<128x128xf32, #tpu.memory_space<vmem>>)
      %dma_start3A_81 = arith.constant 0 : i32
      %dma_start3A_82 = tpu.memref_slice %arg3[%add3A, %min3A_68, %dma_start3A_81] : memref<32x80x128xi32, #tpu.memory_space<hbm>> -> memref<1x1x128xi32, #tpu.memory_space<hbm>>
      %dma_start3A_83 = tpu.memref_squeeze %dma_start3A_82 : memref<1x1x128xi32, #tpu.memory_space<hbm>> -> memref<128xi32, #tpu.memory_space<hbm>>
      %dma_start3A_84 = arith.constant 0 : i32
      %dma_start3A_85 = tpu.memref_slice %arg3[%add3A, %min3A_68, %dma_start3A_84] : memref<32x80x128xi32, #tpu.memory_space<hbm>> -> memref<1x1x128xi32, #tpu.memory_space<hbm>>
      %dma_start3A_86 = tpu.memref_squeeze %dma_start3A_85 : memref<1x1x128xi32, #tpu.memory_space<hbm>> -> memref<128xi32, #tpu.memory_space<hbm>>
      tpu.enqueue_dma source(%dma_start3A_86 : memref<128xi32, #tpu.memory_space<hbm>>) target(%arg6 : memref<128xi32, #tpu.memory_space<vmem>>) target_semaphore(%arg14 : memref<!tpu.dma_semaphore, #tpu.memory_space<semaphore_mem>>)
      "tpu.region"() ({
        %run_scoped3A_119 = tpu.sem_alloc : memref<!tpu.dma_semaphore, #tpu.memory_space<semaphore_mem>>
        %dma_start3A_120 = arith.constant 0 : i32
        %dma_start3A_121 = tpu.memref_slice %arg10[%add3A_60, %dma_start3A_120] : memref<80x128xi32, #tpu.memory_space<vmem>> -> memref<1x128xi32, #tpu.memory_space<vmem>>
        %dma_start3A_122 = tpu.memref_squeeze %dma_start3A_121 : memref<1x128xi32, #tpu.memory_space<vmem>> -> memref<128xi32, #tpu.memory_space<vmem>>
        %dma_start3A_123 = arith.constant 0 : i32
        %dma_start3A_124 = arith.constant 0 : i32
        %dma_start3A_125 = tpu.memref_slice %arg11[%dma_start3A_123, %dma_start3A_124] : memref<10240x128xf32, #tpu.memory_space<vmem_shared>> -> memref<10240x128xf32, #tpu.memory_space<vmem_shared>>
        tpu.enqueue_indirect_dma source(%arg8 : memref<128x128xf32, #tpu.memory_space<vmem>>) target(%dma_start3A_125 : memref<10240x128xf32, #tpu.memory_space<vmem_shared>>) offsets(%dma_start3A_122 : memref<128xi32, #tpu.memory_space<vmem>>) semaphore(%run_scoped3A_119 : memref<!tpu.dma_semaphore, #tpu.memory_space<semaphore_mem>>) {add = true}
        %dma_wait3A_126 = arith.constant 0 : i32
        %dma_wait3A_127 = tpu.memref_slice %arg10[%add3A_60, %dma_wait3A_126] : memref<80x128xi32, #tpu.memory_space<vmem>> -> memref<1x128xi32, #tpu.memory_space<vmem>>
        %dma_wait3A_128 = tpu.memref_squeeze %dma_wait3A_127 : memref<1x128xi32, #tpu.memory_space<vmem>> -> memref<128xi32, #tpu.memory_space<vmem>>
        %dma_wait3A_129 = arith.constant 0 : i32
        %dma_wait3A_130 = arith.constant 0 : i32
        %dma_wait3A_131 = tpu.memref_slice %arg11[%dma_wait3A_129, %dma_wait3A_130] : memref<10240x128xf32, #tpu.memory_space<vmem_shared>> -> memref<10240x128xf32, #tpu.memory_space<vmem_shared>>
        tpu.wait_indirect_dma semaphore(%run_scoped3A_119 : memref<!tpu.dma_semaphore, #tpu.memory_space<semaphore_mem>>) src(%arg8 : memref<128x128xf32, #tpu.memory_space<vmem>>) dst(%dma_wait3A_131 : memref<10240x128xf32, #tpu.memory_space<vmem_shared>>)
        tpu.yield
      }) : () -> ()
      %mul3A_87 = arith.constant 2 : i32
      %mul3A_88 = arith.muli %scan3A_56, %mul3A_87 : i32
      %add3A_89 = arith.constant 1 : i32
      %add3A_90 = arith.addi %mul3A_88, %add3A_89 : i32
      %add3A_91 = arith.constant 2 : i32
      %add3A_92 = arith.addi %add3A_90, %add3A_91 : i32
      %sub3A_93 = arith.constant 1 : i32
      %sub3A_94 = arith.subi %add3A_92, %sub3A_93 : i32
      %min3A_95 = arith.constant 79 : i32
      %min3A_96 = arith.minsi %sub3A_94, %min3A_95 : i32
      %add3A_97 = arith.constant 2 : i32
      %add3A_98 = arith.addi %add3A_90, %add3A_97 : i32
      %min3A_99 = arith.constant 79 : i32
      %min3A_100 = arith.minsi %add3A_98, %min3A_99 : i32
      %dma_wait3A_101 = arith.constant 0 : i32
      %dma_wait3A_102 = tpu.memref_slice %arg3[%add3A, %min3A_96, %dma_wait3A_101] : memref<32x80x128xi32, #tpu.memory_space<hbm>> -> memref<1x1x128xi32, #tpu.memory_space<hbm>>
      %dma_wait3A_103 = tpu.memref_squeeze %dma_wait3A_102 : memref<1x1x128xi32, #tpu.memory_space<hbm>> -> memref<128xi32, #tpu.memory_space<hbm>>
      %dma_wait3A_104 = arith.constant 0 : i32
      %dma_wait3A_105 = tpu.memref_slice %arg3[%add3A, %min3A_96, %dma_wait3A_104] : memref<32x80x128xi32, #tpu.memory_space<hbm>> -> memref<1x1x128xi32, #tpu.memory_space<hbm>>
      %dma_wait3A_106 = tpu.memref_squeeze %dma_wait3A_105 : memref<1x1x128xi32, #tpu.memory_space<hbm>> -> memref<128xi32, #tpu.memory_space<hbm>>
      tpu.wait_dma2 semaphore(%arg14 : memref<!tpu.dma_semaphore, #tpu.memory_space<semaphore_mem>>) src(%dma_wait3A_106 : memref<128xi32, #tpu.memory_space<hbm>>) dst(%arg6 : memref<128xi32, #tpu.memory_space<vmem>>)
      %dma_start3A_107 = arith.constant 0 : i32
      %dma_start3A_108 = arith.constant 0 : i32
      %dma_start3A_109 = tpu.memref_slice %arg2[%dma_start3A_107, %dma_start3A_108] : memref<10240x128xf32, #tpu.memory_space<hbm>> -> memref<10240x128xf32, #tpu.memory_space<hbm>>
      tpu.enqueue_indirect_dma source(%dma_start3A_109 : memref<10240x128xf32, #tpu.memory_space<hbm>>) target(%arg8 : memref<128x128xf32, #tpu.memory_space<vmem>>) offsets(%arg6 : memref<128xi32, #tpu.memory_space<vmem>>) semaphore(%arg12 : memref<!tpu.dma_semaphore, #tpu.memory_space<semaphore_mem>>)
      %dma_wait3A_110 = arith.constant 0 : i32
      %dma_wait3A_111 = arith.constant 0 : i32
      %dma_wait3A_112 = tpu.memref_slice %arg2[%dma_wait3A_110, %dma_wait3A_111] : memref<10240x128xf32, #tpu.memory_space<hbm>> -> memref<10240x128xf32, #tpu.memory_space<hbm>>
      tpu.wait_indirect_dma semaphore(%arg13 : memref<!tpu.dma_semaphore, #tpu.memory_space<semaphore_mem>>) src(%dma_wait3A_112 : memref<10240x128xf32, #tpu.memory_space<hbm>>) dst(%arg9 : memref<128x128xf32, #tpu.memory_space<vmem>>)
      %dma_start3A_113 = arith.constant 0 : i32
      %dma_start3A_114 = tpu.memref_slice %arg3[%add3A, %min3A_100, %dma_start3A_113] : memref<32x80x128xi32, #tpu.memory_space<hbm>> -> memref<1x1x128xi32, #tpu.memory_space<hbm>>
      %dma_start3A_115 = tpu.memref_squeeze %dma_start3A_114 : memref<1x1x128xi32, #tpu.memory_space<hbm>> -> memref<128xi32, #tpu.memory_space<hbm>>
      %dma_start3A_116 = arith.constant 0 : i32
      %dma_start3A_117 = tpu.memref_slice %arg3[%add3A, %min3A_100, %dma_start3A_116] : memref<32x80x128xi32, #tpu.memory_space<hbm>> -> memref<1x1x128xi32, #tpu.memory_space<hbm>>
      %dma_start3A_118 = tpu.memref_squeeze %dma_start3A_117 : memref<1x1x128xi32, #tpu.memory_space<hbm>> -> memref<128xi32, #tpu.memory_space<hbm>>
      tpu.enqueue_dma source(%dma_start3A_118 : memref<128xi32, #tpu.memory_space<hbm>>) target(%arg7 : memref<128xi32, #tpu.memory_space<vmem>>) target_semaphore(%arg15 : memref<!tpu.dma_semaphore, #tpu.memory_space<semaphore_mem>>)
      "tpu.region"() ({
        %run_scoped3A_119 = tpu.sem_alloc : memref<!tpu.dma_semaphore, #tpu.memory_space<semaphore_mem>>
        %dma_start3A_120 = arith.constant 0 : i32
        %dma_start3A_121 = tpu.memref_slice %arg10[%add3A_90, %dma_start3A_120] : memref<80x128xi32, #tpu.memory_space<vmem>> -> memref<1x128xi32, #tpu.memory_space<vmem>>
        %dma_start3A_122 = tpu.memref_squeeze %dma_start3A_121 : memref<1x128xi32, #tpu.memory_space<vmem>> -> memref<128xi32, #tpu.memory_space<vmem>>
        %dma_start3A_123 = arith.constant 0 : i32
        %dma_start3A_124 = arith.constant 0 : i32
        %dma_start3A_125 = tpu.memref_slice %arg11[%dma_start3A_123, %dma_start3A_124] : memref<10240x128xf32, #tpu.memory_space<vmem_shared>> -> memref<10240x128xf32, #tpu.memory_space<vmem_shared>>
        tpu.enqueue_indirect_dma source(%arg9 : memref<128x128xf32, #tpu.memory_space<vmem>>) target(%dma_start3A_125 : memref<10240x128xf32, #tpu.memory_space<vmem_shared>>) offsets(%dma_start3A_122 : memref<128xi32, #tpu.memory_space<vmem>>) semaphore(%run_scoped3A_119 : memref<!tpu.dma_semaphore, #tpu.memory_space<semaphore_mem>>) {add = true}
        %dma_wait3A_126 = arith.constant 0 : i32
        %dma_wait3A_127 = tpu.memref_slice %arg10[%add3A_90, %dma_wait3A_126] : memref<80x128xi32, #tpu.memory_space<vmem>> -> memref<1x128xi32, #tpu.memory_space<vmem>>
        %dma_wait3A_128 = tpu.memref_squeeze %dma_wait3A_127 : memref<1x128xi32, #tpu.memory_space<vmem>> -> memref<128xi32, #tpu.memory_space<vmem>>
        %dma_wait3A_129 = arith.constant 0 : i32
        %dma_wait3A_130 = arith.constant 0 : i32
        %dma_wait3A_131 = tpu.memref_slice %arg11[%dma_wait3A_129, %dma_wait3A_130] : memref<10240x128xf32, #tpu.memory_space<vmem_shared>> -> memref<10240x128xf32, #tpu.memory_space<vmem_shared>>
        tpu.wait_indirect_dma semaphore(%run_scoped3A_119 : memref<!tpu.dma_semaphore, #tpu.memory_space<semaphore_mem>>) src(%arg9 : memref<128x128xf32, #tpu.memory_space<vmem>>) dst(%dma_wait3A_131 : memref<10240x128xf32, #tpu.memory_space<vmem_shared>>)
        tpu.yield
      }) : () -> ()
    }
    %scan3A_41 = arith.constant 40 : i32
    %dma_wait3A = arith.constant 0 : i32
    %dma_wait3A_42 = arith.constant 0 : i32
    %dma_wait3A_43 = tpu.memref_slice %arg2[%dma_wait3A, %dma_wait3A_42] : memref<10240x128xf32, #tpu.memory_space<hbm>> -> memref<10240x128xf32, #tpu.memory_space<hbm>>
    tpu.wait_indirect_dma semaphore(%arg12 : memref<!tpu.dma_semaphore, #tpu.memory_space<semaphore_mem>>) src(%dma_wait3A_43 : memref<10240x128xf32, #tpu.memory_space<hbm>>) dst(%arg8 : memref<128x128xf32, #tpu.memory_space<vmem>>)
    %dma_wait3A_44 = arith.constant 0 : i32
    %dma_wait3A_45 = arith.constant 0 : i32
    %dma_wait3A_46 = tpu.memref_slice %arg3[%add3A, %dma_wait3A_44, %dma_wait3A_45] : memref<32x80x128xi32, #tpu.memory_space<hbm>> -> memref<1x1x128xi32, #tpu.memory_space<hbm>>
    %dma_wait3A_47 = tpu.memref_squeeze %dma_wait3A_46 : memref<1x1x128xi32, #tpu.memory_space<hbm>> -> memref<128xi32, #tpu.memory_space<hbm>>
    %dma_wait3A_48 = arith.constant 0 : i32
    %dma_wait3A_49 = tpu.memref_slice %arg3[%add3A, %dma_wait3A_44, %dma_wait3A_48] : memref<32x80x128xi32, #tpu.memory_space<hbm>> -> memref<1x1x128xi32, #tpu.memory_space<hbm>>
    %dma_wait3A_50 = tpu.memref_squeeze %dma_wait3A_49 : memref<1x1x128xi32, #tpu.memory_space<hbm>> -> memref<128xi32, #tpu.memory_space<hbm>>
    tpu.wait_dma2 semaphore(%arg15 : memref<!tpu.dma_semaphore, #tpu.memory_space<semaphore_mem>>) src(%dma_wait3A_50 : memref<128xi32, #tpu.memory_space<hbm>>) dst(%arg7 : memref<128xi32, #tpu.memory_space<vmem>>)
    %barrier3A_51 = arith.constant 0 : index
    tpu.barrier barrier_id(%barrier3A_51)
    %mul3A_52 = arith.constant 640 : i32
    %mul3A_53 = arith.muli %arg1, %mul3A_52 : i32
    %mul3A_54 = arith.constant 640 : i32
    %mul3A_55 = arith.muli %arg1, %mul3A_54 : i32
    "tpu.region"() ({
      %run_scoped3A_56 = tpu.sem_alloc : memref<!tpu.dma_semaphore, #tpu.memory_space<semaphore_mem>>
      %dma_start3A_57 = arith.constant 0 : i32
      %dma_start3A_58 = tpu.memref_slice %arg5[%arg0, %mul3A_55, %dma_start3A_57] : memref<2x10240x128xf32, #tpu.memory_space<hbm>> -> memref<1x640x128xf32, #tpu.memory_space<hbm>>
      %dma_start3A_59 = tpu.memref_squeeze %dma_start3A_58 : memref<1x640x128xf32, #tpu.memory_space<hbm>> -> memref<640x128xf32, #tpu.memory_space<hbm>>
      %dma_start3A_60 = arith.constant 0 : i32
      %dma_start3A_61 = tpu.memref_slice %arg11[%mul3A_53, %dma_start3A_60] : memref<10240x128xf32, #tpu.memory_space<vmem_shared>> -> memref<640x128xf32, #tpu.memory_space<vmem_shared>>
      tpu.enqueue_dma source(%dma_start3A_61 : memref<640x128xf32, #tpu.memory_space<vmem_shared>>) target(%dma_start3A_59 : memref<640x128xf32, #tpu.memory_space<hbm>>) target_semaphore(%run_scoped3A_56 : memref<!tpu.dma_semaphore, #tpu.memory_space<semaphore_mem>>)
      %dma_wait3A_62 = arith.constant 0 : i32
      %dma_wait3A_63 = tpu.memref_slice %arg5[%arg0, %mul3A_55, %dma_wait3A_62] : memref<2x10240x128xf32, #tpu.memory_space<hbm>> -> memref<1x640x128xf32, #tpu.memory_space<hbm>>
      %dma_wait3A_64 = tpu.memref_squeeze %dma_wait3A_63 : memref<1x640x128xf32, #tpu.memory_space<hbm>> -> memref<640x128xf32, #tpu.memory_space<hbm>>
      %dma_wait3A_65 = arith.constant 0 : i32
      %dma_wait3A_66 = tpu.memref_slice %arg11[%mul3A_53, %dma_wait3A_65] : memref<10240x128xf32, #tpu.memory_space<vmem_shared>> -> memref<640x128xf32, #tpu.memory_space<vmem_shared>>
      tpu.wait_dma2 semaphore(%run_scoped3A_56 : memref<!tpu.dma_semaphore, #tpu.memory_space<semaphore_mem>>) src(%dma_wait3A_66 : memref<640x128xf32, #tpu.memory_space<vmem_shared>>) dst(%dma_wait3A_64 : memref<640x128xf32, #tpu.memory_space<hbm>>)
      tpu.yield
    }) : () -> ()
    return
  }
}

module attributes {stable_mosaic.version = 14 : i64} {
  func.func @body(%arg0: memref<10000x128xf32, #tpu.memory_space<vmem>>, %arg1: memref<128x128xf32, #tpu.memory_space<vmem>>, %arg2: memref<2x10240xf32, #tpu.memory_space<vmem>>, %arg3: memref<10240x128xf32, #tpu.memory_space<vmem>>, %arg4: memref<10240x1xf32, #tpu.memory_space<vmem>>) attributes {dimension_semantics = [], scalar_prefetch = 0 : i64, scratch_operands = 0 : i64, tpu.core_type = #tpu.core_type<tc>} {
    %get3A = arith.constant 0 : index
    %get3A_0 = arith.constant 0 : index
    %get3A_1 = vector.load %arg2[%get3A, %get3A_0] : memref<2x10240xf32, #tpu.memory_space<vmem>>, vector<2x10240xf32>
    %broadcast_in_dim3A = arith.constant 1.000000e+00 : f32
    %broadcast_in_dim3A_2 = vector.broadcast %broadcast_in_dim3A : f32 to vector<2x1xf32>
    %dot_general3A = arith.constant dense<0.000000e+00> : vector<10240x1xf32>
    %dot_general3A_3 = tpu.matmul %get3A_1, %broadcast_in_dim3A_2, %dot_general3A {dimension_numbers = #tpu.dot_dimension_numbers<[0], [0], [1], [1], [0, 1, 1, 1], [], []>, transpose_lhs_hint = false} : vector<2x10240xf32>, vector<2x1xf32>, vector<10240x1xf32> -> vector<10240x1xf32>
    %add3A = arith.constant 1.000000e+00 : f32
    %add3A_4 = vector.broadcast %add3A : f32 to vector<10240x1xf32>
    %add3A_5 = arith.addf %dot_general3A_3, %add3A_4 : vector<10240x1xf32>
    %iota3A = tpu.iota {dimensions = array<i32: 0>} : vector<10240x1xi32>
    %lt3A = arith.constant 10000 : i32
    %lt3A_6 = vector.broadcast %lt3A : i32 to vector<10240x1xi32>
    %lt3A_7 = arith.cmpi slt, %iota3A, %lt3A_6 : vector<10240x1xi32>
    %rsqrt3A = math.rsqrt %add3A_5 : vector<10240x1xf32>
    %jit3A = arith.constant 0.000000e+00 : f32
    %broadcast_in_dim3A_8 = vector.broadcast %jit3A : f32 to vector<10240x1xf32>
    %select_n3A = arith.select %lt3A_7, %rsqrt3A, %broadcast_in_dim3A_8 : vector<10240x1xi1>, vector<10240x1xf32>
    %swap3A = arith.constant 0 : index
    %swap3A_9 = arith.constant 0 : index
    %swap3A_10 = vector.load %arg4[%swap3A, %swap3A_9] : memref<10240x1xf32, #tpu.memory_space<vmem>>, vector<10240x1xf32>
    tpu.vector_store %arg4[%swap3A, %swap3A_9], %select_n3A {strides = array<i32>} : memref<10240x1xf32, #tpu.memory_space<vmem>>, vector<10240x1xf32>,
    %get3A_11 = arith.constant 0 : index
    %get3A_12 = arith.constant 0 : index
    %get3A_13 = vector.load %arg0[%get3A_11, %get3A_12] : memref<10000x128xf32, #tpu.memory_space<vmem>>, vector<10000x128xf32>
    %get3A_14 = arith.constant 0 : index
    %get3A_15 = arith.constant 0 : index
    %get3A_16 = vector.load %arg1[%get3A_14, %get3A_15] : memref<128x128xf32, #tpu.memory_space<vmem>>, vector<128x128xf32>
    %dot_general3A_17 = arith.constant dense<0.000000e+00> : vector<10000x128xf32>
    %dot_general3A_18 = tpu.matmul %get3A_13, %get3A_16, %dot_general3A_17 {dimension_numbers = #tpu.dot_dimension_numbers<[1], [0], [0], [1], [0, 0, 1, 1], [], []>, transpose_lhs_hint = false} : vector<10000x128xf32>, vector<128x128xf32>, vector<10000x128xf32> -> vector<10000x128xf32>
    %slice3A = vector.extract_strided_slice %select_n3A {offsets = [0, 0], sizes = [10000, 1], strides = [1, 1]} : vector<10240x1xf32> to vector<10000x1xf32>
    %mul3A = vector.broadcast %slice3A : vector<10000x1xf32> to vector<10000x128xf32>
    %mul3A_19 = arith.mulf %dot_general3A_18, %mul3A : vector<10000x128xf32>
    %swap3A_20 = arith.constant 0 : index
    %swap3A_21 = arith.constant 0 : index
    %swap3A_22 = vector.load %arg3[%swap3A_20, %swap3A_21] : memref<10240x128xf32, #tpu.memory_space<vmem>>, vector<10000x128xf32>
    tpu.vector_store %arg3[%swap3A_20, %swap3A_21], %mul3A_19 {strides = array<i32>} : memref<10240x128xf32, #tpu.memory_space<vmem>>, vector<10000x128xf32>,
    %broadcast_in_dim3A_23 = arith.constant 0.000000e+00 : f32
    %broadcast_in_dim3A_24 = vector.broadcast %broadcast_in_dim3A_23 : f32 to vector<240x128xf32>
    %swap3A_25 = arith.constant 10000 : index
    %swap3A_26 = arith.constant 0 : index
    %swap3A_27 = vector.load %arg3[%swap3A_25, %swap3A_26] : memref<10240x128xf32, #tpu.memory_space<vmem>>, vector<240x128xf32>
    tpu.vector_store %arg3[%swap3A_25, %swap3A_26], %broadcast_in_dim3A_24 {strides = array<i32>} : memref<10240x128xf32, #tpu.memory_space<vmem>>, vector<240x128xf32>,
    return
  }
}

module attributes {stable_mosaic.version = 14 : i64} {
  func.func @body(%arg0: memref<10240x128xf32, #tpu.memory_space<vmem>>, %arg1: memref<10240x128xf32, #tpu.memory_space<vmem>>, %arg2: memref<10240x128xf32, #tpu.memory_space<vmem>>, %arg3: memref<10240x1xf32, #tpu.memory_space<vmem>>, %arg4: memref<1x128xf32, #tpu.memory_space<vmem>>, %arg5: memref<1x128xf32, #tpu.memory_space<vmem>>, %arg6: memref<1x128xf32, #tpu.memory_space<vmem>>, %arg7: memref<128x128xf32, #tpu.memory_space<vmem>>, %arg8: memref<10240x128xf32, #tpu.memory_space<vmem>>) attributes {dimension_semantics = [], scalar_prefetch = 0 : i64, scratch_operands = 0 : i64, tpu.core_type = #tpu.core_type<tc>} {
    %get3A = arith.constant 0 : index
    %get3A_0 = arith.constant 0 : index
    %get3A_1 = vector.load %arg0[%get3A, %get3A_0] : memref<10240x128xf32, #tpu.memory_space<vmem>>, vector<10240x128xf32>
    %get3A_2 = arith.constant 0 : index
    %get3A_3 = arith.constant 0 : index
    %get3A_4 = vector.load %arg1[%get3A_2, %get3A_3] : memref<10240x128xf32, #tpu.memory_space<vmem>>, vector<10240x128xf32>
    %add3A = arith.addf %get3A_1, %get3A_4 : vector<10240x128xf32>
    %get3A_5 = arith.constant 0 : index
    %get3A_6 = arith.constant 0 : index
    %get3A_7 = vector.load %arg2[%get3A_5, %get3A_6] : memref<10240x128xf32, #tpu.memory_space<vmem>>, vector<10240x128xf32>
    %add3A_8 = arith.addf %add3A, %get3A_7 : vector<10240x128xf32>
    %get3A_9 = arith.constant 0 : index
    %get3A_10 = arith.constant 0 : index
    %get3A_11 = vector.load %arg3[%get3A_9, %get3A_10] : memref<10240x1xf32, #tpu.memory_space<vmem>>, vector<10240x1xf32>
    %mul3A = vector.broadcast %get3A_11 : vector<10240x1xf32> to vector<10240x128xf32>
    %mul3A_12 = arith.mulf %add3A_8, %mul3A : vector<10240x128xf32>
    %get3A_13 = arith.constant 0 : index
    %get3A_14 = arith.constant 0 : index
    %get3A_15 = vector.load %arg4[%get3A_13, %get3A_14] : memref<1x128xf32, #tpu.memory_space<vmem>>, vector<1x128xf32>
    %add3A_16 = vector.broadcast %get3A_15 : vector<1x128xf32> to vector<10240x128xf32>
    %add3A_17 = arith.addf %mul3A_12, %add3A_16 : vector<10240x128xf32>
    %iota3A = tpu.iota {dimensions = array<i32: 0>} : vector<10240x1xi32>
    %lt3A = arith.constant 10000 : i32
    %lt3A_18 = vector.broadcast %lt3A : i32 to vector<10240x1xi32>
    %lt3A_19 = arith.cmpi slt, %iota3A, %lt3A_18 : vector<10240x1xi32>
    %jit3A = arith.constant 1.000000e+00 : f32
    %jit3A_20 = arith.constant 0.000000e+00 : f32
    %broadcast_in_dim3A = vector.broadcast %jit3A : f32 to vector<10240x1xf32>
    %broadcast_in_dim3A_21 = vector.broadcast %jit3A_20 : f32 to vector<10240x1xf32>
    %select_n3A = arith.select %lt3A_19, %broadcast_in_dim3A, %broadcast_in_dim3A_21 : vector<10240x1xi1>, vector<10240x1xf32>
    %mul3A_22 = vector.broadcast %select_n3A : vector<10240x1xf32> to vector<10240x128xf32>
    %mul3A_23 = arith.mulf %add3A_17, %mul3A_22 : vector<10240x128xf32>
    %reduce_sum3A = arith.constant dense<0.000000e+00> : vector<128xf32>
    %reduce_sum3A_24 = vector.multi_reduction <add>, %mul3A_23, %reduce_sum3A [0] : vector<10240x128xf32> to vector<128xf32>
    %broadcast_in_dim3A_25 = vector.shape_cast %reduce_sum3A_24 : vector<128xf32> to vector<1x128xf32>
    %mul3A_26 = arith.constant 9.99999974E-5 : f32
    %mul3A_27 = vector.broadcast %mul3A_26 : f32 to vector<1x128xf32>
    %mul3A_28 = arith.mulf %broadcast_in_dim3A_25, %mul3A_27 : vector<1x128xf32>
    %sub3A = vector.broadcast %mul3A_28 : vector<1x128xf32> to vector<10240x128xf32>
    %sub3A_29 = arith.subf %add3A_17, %sub3A : vector<10240x128xf32>
    %mul3A_30 = vector.broadcast %select_n3A : vector<10240x1xf32> to vector<10240x128xf32>
    %mul3A_31 = arith.mulf %sub3A_29, %mul3A_30 : vector<10240x128xf32>
    %mul3A_32 = arith.mulf %mul3A_31, %mul3A_31 : vector<10240x128xf32>
    %reduce_sum3A_33 = arith.constant dense<0.000000e+00> : vector<128xf32>
    %reduce_sum3A_34 = vector.multi_reduction <add>, %mul3A_32, %reduce_sum3A_33 [0] : vector<10240x128xf32> to vector<128xf32>
    %broadcast_in_dim3A_35 = vector.shape_cast %reduce_sum3A_34 : vector<128xf32> to vector<1x128xf32>
    %mul3A_36 = arith.constant 9.99999974E-5 : f32
    %mul3A_37 = vector.broadcast %mul3A_36 : f32 to vector<1x128xf32>
    %mul3A_38 = arith.mulf %broadcast_in_dim3A_35, %mul3A_37 : vector<1x128xf32>
    %get3A_39 = arith.constant 0 : index
    %get3A_40 = arith.constant 0 : index
    %get3A_41 = vector.load %arg5[%get3A_39, %get3A_40] : memref<1x128xf32, #tpu.memory_space<vmem>>, vector<1x128xf32>
    %mul3A_42 = vector.broadcast %get3A_41 : vector<1x128xf32> to vector<10240x128xf32>
    %mul3A_43 = arith.mulf %mul3A_42, %mul3A_31 : vector<10240x128xf32>
    %add3A_44 = arith.constant 9.99999974E-6 : f32
    %add3A_45 = vector.broadcast %add3A_44 : f32 to vector<1x128xf32>
    %add3A_46 = arith.addf %mul3A_38, %add3A_45 : vector<1x128xf32>
    %rsqrt3A = math.rsqrt %add3A_46 : vector<1x128xf32>
    %mul3A_47 = vector.broadcast %rsqrt3A : vector<1x128xf32> to vector<10240x128xf32>
    %mul3A_48 = arith.mulf %mul3A_43, %mul3A_47 : vector<10240x128xf32>
    %get3A_49 = arith.constant 0 : index
    %get3A_50 = arith.constant 0 : index
    %get3A_51 = vector.load %arg6[%get3A_49, %get3A_50] : memref<1x128xf32, #tpu.memory_space<vmem>>, vector<1x128xf32>
    %add3A_52 = vector.broadcast %get3A_51 : vector<1x128xf32> to vector<10240x128xf32>
    %add3A_53 = arith.addf %mul3A_48, %add3A_52 : vector<10240x128xf32>
    %max3A = arith.constant 0.000000e+00 : f32
    %max3A_54 = vector.broadcast %max3A : f32 to vector<10240x128xf32>
    %max3A_55 = arith.maximumf %add3A_53, %max3A_54 : vector<10240x128xf32>
    %get3A_56 = arith.constant 0 : index
    %get3A_57 = arith.constant 0 : index
    %get3A_58 = vector.load %arg7[%get3A_56, %get3A_57] : memref<128x128xf32, #tpu.memory_space<vmem>>, vector<128x128xf32>
    %dot_general3A = arith.constant dense<0.000000e+00> : vector<10240x128xf32>
    %dot_general3A_59 = tpu.matmul %max3A_55, %get3A_58, %dot_general3A {dimension_numbers = #tpu.dot_dimension_numbers<[1], [0], [0], [1], [0, 0, 1, 1], [], []>, transpose_lhs_hint = false} : vector<10240x128xf32>, vector<128x128xf32>, vector<10240x128xf32> -> vector<10240x128xf32>
    %get3A_60 = arith.constant 0 : index
    %get3A_61 = arith.constant 0 : index
    %get3A_62 = vector.load %arg3[%get3A_60, %get3A_61] : memref<10240x1xf32, #tpu.memory_space<vmem>>, vector<10240x1xf32>
    %mul3A_63 = vector.broadcast %get3A_62 : vector<10240x1xf32> to vector<10240x128xf32>
    %mul3A_64 = arith.mulf %dot_general3A_59, %mul3A_63 : vector<10240x128xf32>
    %swap3A = arith.constant 0 : index
    %swap3A_65 = arith.constant 0 : index
    %swap3A_66 = vector.load %arg8[%swap3A, %swap3A_65] : memref<10240x128xf32, #tpu.memory_space<vmem>>, vector<10240x128xf32>
    tpu.vector_store %arg8[%swap3A, %swap3A_65], %mul3A_64 {strides = array<i32>} : memref<10240x128xf32, #tpu.memory_space<vmem>>, vector<10240x128xf32>,
    return
  }
}

module attributes {stable_mosaic.version = 14 : i64} {
  func.func @body(%arg0: memref<10240x128xf32, #tpu.memory_space<vmem>>, %arg1: memref<10240x128xf32, #tpu.memory_space<vmem>>, %arg2: memref<10240x128xf32, #tpu.memory_space<vmem>>, %arg3: memref<10240x1xf32, #tpu.memory_space<vmem>>, %arg4: memref<1x128xf32, #tpu.memory_space<vmem>>, %arg5: memref<10000x128xf32, #tpu.memory_space<vmem>>) attributes {dimension_semantics = [], scalar_prefetch = 0 : i64, scratch_operands = 0 : i64, tpu.core_type = #tpu.core_type<tc>} {
    %get3A = arith.constant 0 : index
    %get3A_0 = arith.constant 0 : index
    %get3A_1 = vector.load %arg0[%get3A, %get3A_0] : memref<10240x128xf32, #tpu.memory_space<vmem>>, vector<10240x128xf32>
    %get3A_2 = arith.constant 0 : index
    %get3A_3 = arith.constant 0 : index
    %get3A_4 = vector.load %arg1[%get3A_2, %get3A_3] : memref<10240x128xf32, #tpu.memory_space<vmem>>, vector<10240x128xf32>
    %add3A = arith.addf %get3A_1, %get3A_4 : vector<10240x128xf32>
    %get3A_5 = arith.constant 0 : index
    %get3A_6 = arith.constant 0 : index
    %get3A_7 = vector.load %arg2[%get3A_5, %get3A_6] : memref<10240x128xf32, #tpu.memory_space<vmem>>, vector<10240x128xf32>
    %add3A_8 = arith.addf %add3A, %get3A_7 : vector<10240x128xf32>
    %get3A_9 = arith.constant 0 : index
    %get3A_10 = arith.constant 0 : index
    %get3A_11 = vector.load %arg3[%get3A_9, %get3A_10] : memref<10240x1xf32, #tpu.memory_space<vmem>>, vector<10240x1xf32>
    %mul3A = vector.broadcast %get3A_11 : vector<10240x1xf32> to vector<10240x128xf32>
    %mul3A_12 = arith.mulf %add3A_8, %mul3A : vector<10240x128xf32>
    %get3A_13 = arith.constant 0 : index
    %get3A_14 = arith.constant 0 : index
    %get3A_15 = vector.load %arg4[%get3A_13, %get3A_14] : memref<1x128xf32, #tpu.memory_space<vmem>>, vector<1x128xf32>
    %add3A_16 = vector.broadcast %get3A_15 : vector<1x128xf32> to vector<10240x128xf32>
    %add3A_17 = arith.addf %mul3A_12, %add3A_16 : vector<10240x128xf32>
    %slice3A = vector.extract_strided_slice %add3A_17 {offsets = [0, 0], sizes = [10000, 128], strides = [1, 1]} : vector<10240x128xf32> to vector<10000x128xf32>
    %swap3A = arith.constant 0 : index
    %swap3A_18 = arith.constant 0 : index
    %swap3A_19 = vector.load %arg5[%swap3A, %swap3A_18] : memref<10000x128xf32, #tpu.memory_space<vmem>>, vector<10000x128xf32>
    tpu.vector_store %arg5[%swap3A, %swap3A_18], %slice3A {strides = array<i32>} : memref<10000x128xf32, #tpu.memory_space<vmem>>, vector<10000x128xf32>,
    return
  }
}

</mosaic_0001>

<sc_bundles>
// kernel: kernel.10.cloned.1.call-start
scs
__scs_entry_jumppad:
0x0: {  	(pc) =	sbr.rel $0x88, $3  }
0x1: {  	(tag) =	ssettag $0x0;
	lr =	simm.s32 $0x1  }
0x2: {  	[smem:$0x3F95] =	sst lr;
	_ =	strace $0xD0000000  }
0x3: {  	_ = 	snop  }
0x4: {  	_ = 	snop  }
0x5: {  	_ = 	snop  }
0x6: {  	_ = 	snop  }
0x7: {  	_ = 	snop  }
__scs_overlays_trampoline_lowered:
0x8: {  	[smem:$0x3FA4] =	sst s0  }
0x9: {  	[smem:$0x3FA5] =	sst s1  }
0xa: {  	[smem:$0x3FA6] =	sst s2  }
0xb: {  	[smem:$0x3FA7] =	sst s3  }
0xc: {  	[smem:$0x3FA8] =	sst s4  }
0xd: {  	[smem:$0x3FA9] =	sst s5  }
0xe: {  	[smem:$0x3FAA] =	sst s6  }
0xf: {  	[smem:$0x3FAB] =	sst s7  }
0x10: {  	[smem:$0x3FAC] =	sst s8  }
0x11: {  	[smem:$0x3FAD] =	sst s9;
	s0 =	simm.s32 @!p0 $0x0  }
0x12: {  	s1 =	sld [smem:$0x3F93];
	s0 =	simm.s32 @p0 $0x1  }
0x13: {  	[smem:$0x3FAE] =	sst s0;
	s0 =	simm.s32 @!p1 $0x0  }
0x14: {  	s2 =	sld [smem:$0x3F92];
	s0 =	simm.s32 @p1 $0x1  }
0x15: {  	[smem:$0x3FAF] =	sst s0;
	s0 =	simm.s32 @!p2 $0x0  }
0x16: {  	s3 =	sld [smem:$0x3FDB];
	s0 =	simm.s32 @p2 $0x1  }
0x17: {  	s4 =	simm.s32 $0x1BF5;
	[smem:$0x3FB1] =	sst s0  }
0x18: {  	s0 =	sld [smem:$0x3F94];
	_ =	swait.ge [sflag:s4], $0x0  }
0x19: {  	s7 =	sld [smem:$0x3F95]  }
0x1a: {  	s8 =	sadd.s32 $0xFFFFE003, lr  }
0x1b: {  	s9 =	sadd.s32 $0xFFFFFEF7, lr;
	s5 =	simm.s32 $0xFFFFFFFF;
	p2 =	slt.u32 s8, $0xFFFFF086  }
0x1c: {  	p1 =	slt.u32 s9, $0xF7A;
	s5 =	simm.s32 @!p2 $0x0  }
0x1d: {  	s5 =	simm.s32 @p1 $0x1;
	p0 =	seq.s32 s7, s2  }
0x1e: {  	s7 =	smul.u32 @!p0 $0xF7A, s2;
	p2 =	seq.s32 @!p0 s5, $0x0  }
0x1f: {  	s9 =	smul.u32 $0xF7A, s1;
	s8 =	simm.s32 @!p0 $0x1BF5;
	p2 =	por !p2, p0  }
0x20: {  	[sflag:s8] =	ssyncset.s32 @!p0 $0xFFFFF086;
	s6 =	sadd.s32 @!p0 s3, s7;
	s7 =	simm.s32 @!p0 $0x108  }
0x21: {  	s3 =	sadd.s32 s3, s9;
	s6 =	sadd.s32 @!p0 $0x88, s6;
	s7 =	simm.s32 @p2 $0x1082  }
0x22: {  	[simem:s7], [sflag:s8] =	dma.local @!p0 [hbm:s6], $0xF7A  }
0x23: {  	s9 =	sor.u32 $0xD0000000, s2;
	s6 =	simm.s32 $0x108;
	_ =	swait.ge @!p0 [sflag:s8], $0x0  }
0x24: {  	s3 =	sadd.s32 $0x88, s3;
	s6 =	simm.s32 @!p1 $0x1082;
	[sflag:s4] =	ssyncset.s32 $0xFFFFF086  }
0x25: {  	[simem:s6], [sflag:s4] =	dma.local [hbm:s3], $0xF7A  }
0x26: {  	[smem:$0x3F95] =	sst s1;
	(tag) =	ssettag s2;
	_ =	strace s9  }
0x27: {  	s1 =	sld [smem:$0x3FA5]  }
0x28: {  	s2 =	sld [smem:$0x3FA6]  }
0x29: {  	s4 =	sld [smem:$0x3FA8]  }
0x2a: {  	p0 =	seq.s32 s5, $0x0;
	s5 =	sld [smem:$0x3FA9]  }
0x2b: {  	s6 =	sld [smem:$0x3FAA]  }
0x2c: {  	s7 =	sld [smem:$0x3FAB]  }
0x2d: {  	s3 =	simm.s32 $0x108;
	s8 =	sld [smem:$0x3FAC]  }
0x2e: {  	s3 =	simm.s32 @!p0 $0x1082;
	s9 =	sld [smem:$0x3FAD]  }
0x2f: {  	lr =	sadd.s32 s0, s3;
	s0 =	sld [smem:$0x3FA4]  }
0x30: {  	s3 =	sld [smem:$0x3FA7]  }
0x31: {  	[smem:$0x3FB0] =	sst s10  }
0x32: {  	s10 =	sld [smem:$0x3FAE];
	_ =	sdelay $0x3  }
0x33: {  	p0 =	seq.s32 s10, $0x1;
	s10 =	sld [smem:$0x3FB0];
	_ =	sdelay $0x3  }
0x34: {  	[smem:$0x3FB0] =	sst s10  }
0x35: {  	s10 =	sld [smem:$0x3FAF];
	_ =	sdelay $0x3  }
0x36: {  	p1 =	seq.s32 s10, $0x1;
	s10 =	sld [smem:$0x3FB0];
	_ =	sdelay $0x3  }
0x37: {  	[smem:$0x3FB0] =	sst s10  }
0x38: {  	s10 =	sld [smem:$0x3FB1]  }
0x39: {  	_ = 	snop;
	(pc) =	sbr.ind lr, $3  }
0x3a: {  	_ = 	snop  }
0x3b: {  	_ = 	snop  }
0x3c: {  	p2 =	seq.s32 s10, $0x1;
	s10 =	sld [smem:$0x3FB0]  }
0x3d: {  	_ =	shalt  }
0x3e: {  	_ =	shalt  }
0x3f: {  	_ =	shalt  }
0x40: {  	_ =	shalt  }
0x41: {  	_ =	shalt  }
0x42: {  	_ =	shalt  }
0x43: {  	_ =	shalt  }
0x44: {  	_ =	shalt  }
0x45: {  	_ =	shalt  }
0x46: {  	_ =	shalt  }
0x47: {  	_ =	shalt  }
0x48: {  	_ =	shalt  }
0x49: {  	_ =	shalt  }
0x4a: {  	_ =	shalt  }
0x4b: {  	_ =	shalt  }
0x4c: {  	_ =	shalt  }
0x4d: {  	_ =	shalt  }
0x4e: {  	_ =	shalt  }
0x4f: {  	_ =	shalt  }
0x50: {  	_ =	shalt  }
0x51: {  	_ =	shalt  }
0x52: {  	_ =	shalt  }
0x53: {  	_ =	shalt  }
0x54: {  	_ =	shalt  }
0x55: {  	_ =	shalt  }
0x56: {  	_ =	shalt  }
0x57: {  	_ =	shalt  }
0x58: {  	_ =	shalt  }
0x59: {  	_ =	shalt  }
0x5a: {  	_ =	shalt  }
0x5b: {  	_ =	shalt  }
0x5c: {  	_ =	shalt  }
0x5d: {  	_ =	shalt  }
0x5e: {  	_ =	shalt  }
0x5f: {  	_ =	shalt  }
0x60: {  	_ =	shalt  }
0x61: {  	_ =	shalt  }
0x62: {  	_ =	shalt  }
0x63: {  	_ =	shalt  }
0x64: {  	_ =	shalt  }
0x65: {  	_ =	shalt  }
0x66: {  	_ =	shalt  }
0x67: {  	_ =	shalt  }
0x68: {  	_ =	shalt  }
0x69: {  	_ =	shalt  }
0x6a: {  	_ =	shalt  }
0x6b: {  	_ =	shalt  }
0x6c: {  	_ =	shalt  }
0x6d: {  	_ =	shalt  }
0x6e: {  	_ =	shalt  }
0x6f: {  	_ =	shalt  }
0x70: {  	_ =	shalt  }
0x71: {  	_ =	shalt  }
0x72: {  	_ =	shalt  }
0x73: {  	_ =	shalt  }
0x74: {  	_ =	shalt  }
0x75: {  	_ =	shalt  }
0x76: {  	_ =	shalt  }
0x77: {  	_ =	shalt  }
0x78: {  	_ =	shalt  }
0x79: {  	_ =	shalt  }
0x7a: {  	_ =	shalt  }
0x7b: {  	_ =	shalt  }
0x7c: {  	_ =	shalt  }
0x7d: {  	_ =	shalt  }
0x7e: {  	_ =	shalt  }
0x7f: {  	_ =	shalt  }
0x80: {  	_ =	shalt  }
0x81: {  	_ =	shalt  }
0x82: {  	_ =	shalt  }
0x83: {  	_ =	shalt  }
0x84: {  	_ =	shalt  }
0x85: {  	_ =	shalt  }
0x86: {  	_ =	shalt  }
0x87: {  	_ =	shalt  }
.Lfunc_end0:
.L_simem_size_0:
called_computation_lowered:
.L_overlay_start_0:
0x88: {  	s2 =	sld [smem:$0x3FD9]  }
0x89: {  	s3 =	sld [smem:$0x3FFE];
	_ =	sdelay $0x1  }
0x8a: {  	s1 =	srdreg.scid  }
0x8b: {  	s0 =	sand.u32 $0x1, s1  }
0x8c: {  	s17 =	sshll.u32 s0, $0xA;
	s2 =	sadd.s32 s3, s2  }
0x8d: {  	s2 =	sadd.s32 s2, s17  }
0x8e: {  	[smem:$0x3FBC] =	sst s2  }
0x8f: {  	_ = 	snop  }
0x90: {  	s2 =	sld [smem:$0x3FD0];
	(tm) =	ssettm $0x1  }
0x91: {  	s18 =	sld [smem:$0x3FFB];
	_ =	sdelay $0x3  }
0x92: {  	_ =	strace s18  }
0x93: {  	s3 =	sld [smem:$0x3FFC];
	_ =	sdelay $0x3  }
0x94: {  	_ =	strace s3  }
0x95: {  	s3 =	sld [smem:$0x3FFD];
	_ =	sdelay $0x3  }
0x96: {  	_ =	strace s3  }
0x97: {  	_ =	strace $0x8FFFFFFF  }
0x98: {  	s19 =	sld [smem:$0x3FDB];
	_ =	sdelay $0x1  }
0x99: {  	s4 =	simm.s32 $_scs_section_size  }
0x9a: {  	s5 =	simm.s32 $_size__tile_overlayer_lowered;
	s6 =	simm.s32 $_tile_overlayer_lowered  }
0x9b: {  	s22 =	simm.s32 $0x1BFF;
	s21 =	sshll.u32 s6, $0x1;
	s3 =	sadd.s32 s4, s19  }
0x9c: {  	s7 =	simm.s32 $0x0;
	s20 =	sshll.u32 s5, $0x1;
	s5 =	sadd.s32 s21, s3  }
0x9d: {  	[timem:s7], [sflag:s22] =	dma.local [hbm:s5], s20  }
0x9e: {  	_ =	swait.ge [sflag:s22], s20  }
0x9f: {  	s4 =	ssub.s32 $0x0, s20;
	[sflag:s22] =	ssyncset.done $0x0  }
0xa0: {  	[sflag:s22] =	ssyncadd.s32 s4;
	_ =	sdelay $0x1  }
0xa1: {  	s23 =	simm.s32 $0x1B8B  }
0xa2: {  	_ =	swait.ge [sflag:s23], $0x1  }
0xa3: {  	[sflag:s23] =	ssyncset.done $0x0  }
0xa4: {  	s25 =	simm.s32 $0x1B8E;
	s24 =	sld [smem:$0x3FFE];
	[sflag:s23] =	ssyncadd.s32 $0xFFFFFFFF  }
0xa5: {  	s26 =	simm.s32 $execute0_lowered;
	[smem:$0x3FD2] =	sst s25  }
0xa6: {  	s5 =	sshll.u32 s26, $0x1;
	_ =	strace $0x80000046;
	[dreg:$0x1] =	wrdreg $0xFFFFFFFF  }
0xa7: {  	s28 =	simm.s32 $_size_execute0_lowered;
	s3 =	sadd.s32 s3, s5;
	[dreg:$0x0] =	wrdreg $0x0  }
0xa8: {  	s5 =	sshll.u32 s28, $0x1;
	[dreg:$0x2] =	wrdreg s3  }
0xa9: {  	[dreg:$0x3] =	wrdreg s5  }
0xaa: {  	[dreg:$0x4] =	wrdreg $0xC0  }
0xab: {  	_ =	task [dreg:s7], $0x5FFFF  }
0xac: {  	[dreg:$0x1] =	wrdreg $0xFFFFFFFF  }
0xad: {  	[dreg:$0x0] =	wrdreg $0x60  }
0xae: {  	[dreg:$0x2] =	wrdreg s2  }
0xaf: {  	[dreg:$0x3] =	wrdreg s24  }
0xb0: {  	[dreg:$0x4] =	wrdreg $0x2B000  }
0xb1: {  	[dreg:$0x5] =	wrdreg $0x9  }
0xb2: {  	_ =	task.clear_ibuf [dreg:s7], $0x6FFFF;
	_ =	strace $0x90000046  }
0xb3: {  	s29 =	simm.s32 $0x9;
	_ =	strace $0x80000048  }
0xb4: {  	_ =	swait.ge [sflag:s29], $0x1  }
0xb5: {  	[sflag:s29] =	ssyncadd.s32 $0xFFFFFFFF  }
0xb6: {  	_ =	strace $0x90000048  }
0xb7: {  	_ =	sfence  }
0xb8: {  	s30 =	sld [smem:$0x0];
	_ =	sdelay $0x2  }
0xb9: {  	s31 =	sshll.u32 s1, $0xD;
	s1 =	sshrl.u32 s1, $0x2  }
0xba: {  	s3 =	sand.u32 $0x4000, s31;
	s1 =	sadd.s32 s1, s30  }
0xbb: {  	s0 =	sor.u32 s3, s0;
	s1 =	sshll.u32 s1, $0x11  }
0xbc: {  	s0 =	sor.u32 s1, s0  }
0xbd: {  	s0 =	sadd.s32 $0x8F2B, s0  }
0xbe: {  	[sflag:s0] =	ssyncadd.remote.s32 $0x1  }
0xbf: {  	_ =	sfence.sel $0xFFFF  }
0xc0: {  	[dreg:$0x0] =	wrdreg $0xFFFFFFFF;
	(pc) =	sbr.abs _section_cstart, $3  }
0xc1: {  	[dreg:$0x1] =	wrdreg $0xFFFFFFFF  }
0xc2: {  	_ =	task.clear_ibuf [dreg:s7], $0x2FFFF;
	_ =	strace $0x9FFFFFFF  }
0xc3: {  	(tm) =	ssettm $0x7FFFFFFF  }
tec
execute0_lowered:
.L_overlay_start_1:
0x0: {  	(tag) =	ssettag $0x1  }
0x1: {  	s4 =	rddreg [dreg:$0x0]  }
0x2: {  	s5 =	rddreg [dreg:$0x1]  }
0x3: {  	s2 =	rddreg [dreg:$0x2]  }
0x4: {  	s0 =	rddreg [dreg:$0x3];
	s6 =	srdreg.scid  }
0x5: {  	s1 =	stileid.u32;
	s3 =	simm.s32 $0x0;
	s11 =	simm.s32 $0x2800  }
0x6: {  	s12 =	simm.s32 $0x100;
	s13 =	simm.s32 $0x180;
	s14 =	simm.s32 $0x200  }
0x7: {  	s15 =	simm.s32 $0x280;
	s16 =	simm.s32 $0x300;
	s17 =	simm.s32 $0x380  }
0x8: {  	s18 =	simm.s32 $0x1;
	s21 =	simm.s32 $0x20;
	s22 =	simm.s32 $0x10  }
0x9: {  	s23 =	simm.s32 $0x0;
	s6 =	sand.u32 $0x1, s6;
	s7 =	smul.u32 $0x500, s1  }
0xa: {  	[smem:$0x7FF] =	sst s3;
	s9 =	smul.u32 $0xA00, s1;
	s19 =	sshll.u32 s1, $0x6  }
0xb: {  	s8 =	sshll.u32 s6, $0x7;
	_ =	strace $0x80000047;
	s30 =	sshll.u32 s6, $0x4  }
0xc: {  	s6 =	ssub.s32 $0x2, s6;
	s19 =	sor.u32 $0x1C02, s19;
	s7 =	sor.u32 s8, s7  }
0xd: {  	s8 =	sor.u32 s1, s30;
	s10 =	sshrl.u32 s6, $0x1;
	s31 =	sshrl.u32 s9, $0x2  }
0xe: {  	s9 =	simm.s32 $0x2880;
	s7 =	sshrl.u32 s7, $0x3;
	s8 =	smul.u32 $0x500, s8  }
0xf: {  	s10 =	ssub.s32 s6, s10;
	s7 =	sadd.s32 s7, s5;
	s5 =	sadd.s32 s31, s2  }
0x10: {  	s4 =	sadd.s32 s4, s8;
	s6 =	sadd.s32 $0x5000, s7;
	s7 =	smax.u32 s10, $0x1  }
0x11: {  	v0 =	vimm.f32 $1.000000000e+00;
	v1 =	vimm.f32 $0.0e+00;
	s8 =	simm.s32 $0x2;
	s10 =	simm.s32 $0x80;
	s20 =	sshrl.u32 s5, $0x3  }
.LBB2_1:
0x12: {  	[tilespmem:s3], [sflag:$0x2] =	stream.linear.gather [hbm4b:s4+s3], $0x2800, $0x38;
	[tilespmem:$0x2D80] =	vst v63  }
0x13: {  	_ =	swait.ge [sflag:s8], $0x2800  }
0x14: {  	[sflag:s8] =	ssyncset.done $0x0  }
0x15: {  	[sflag:s8] =	ssyncadd.s32 $0xFFFFD800  }
0x16: {  	[tilespmem:$0x2800] =	vst v0  }
0x17: {  	[tilespmem:$0x2810] =	vst v0  }
0x18: {  	[tilespmem:$0x2820] =	vst v0  }
0x19: {  	[tilespmem:$0x2830] =	vst v0  }
0x1a: {  	[tilespmem:$0x2840] =	vst v0  }
0x1b: {  	[tilespmem:$0x2850] =	vst v0  }
0x1c: {  	[tilespmem:$0x2860] =	vst v0  }
0x1d: {  	[tilespmem:$0x2870] =	vst v0  }
0x1e: {  	[tilespmem:$0x2880] =	vst v1  }
0x1f: {  	[tilespmem:$0x2890] =	vst v1  }
0x20: {  	[tilespmem:$0x28A0] =	vst v1  }
0x21: {  	[tilespmem:$0x28B0] =	vst v1  }
0x22: {  	[tilespmem:$0x28C0] =	vst v1  }
0x23: {  	[tilespmem:$0x28D0] =	vst v1  }
0x24: {  	[tilespmem:$0x28E0] =	vst v1  }
0x25: {  	[tilespmem:$0x28F0] =	vst v1  }
0x26: {  	[tilespmem:$0x2900] =	vst v1  }
0x27: {  	[tilespmem:$0x2910] =	vst v1  }
0x28: {  	[tilespmem:$0x2920] =	vst v1  }
0x29: {  	[tilespmem:$0x2930] =	vst v1  }
0x2a: {  	[tilespmem:$0x2940] =	vst v1  }
0x2b: {  	[tilespmem:$0x2950] =	vst v1  }
0x2c: {  	[tilespmem:$0x2960] =	vst v1  }
0x2d: {  	[tilespmem:$0x2970] =	vst v1  }
0x2e: {  	[tilespmem:$0x2980] =	vst v1  }
0x2f: {  	[tilespmem:$0x2990] =	vst v1  }
0x30: {  	[tilespmem:$0x29A0] =	vst v1  }
0x31: {  	[tilespmem:$0x29B0] =	vst v1  }
0x32: {  	[tilespmem:$0x29C0] =	vst v1  }
0x33: {  	[tilespmem:$0x29D0] =	vst v1  }
0x34: {  	[tilespmem:$0x29E0] =	vst v1  }
0x35: {  	[tilespmem:$0x29F0] =	vst v1  }
0x36: {  	[tilespmem:$0x2A00] =	vst v1  }
0x37: {  	[tilespmem:$0x2A10] =	vst v1  }
0x38: {  	[tilespmem:$0x2A20] =	vst v1  }
0x39: {  	[tilespmem:$0x2A30] =	vst v1  }
0x3a: {  	[tilespmem:$0x2A40] =	vst v1  }
0x3b: {  	[tilespmem:$0x2A50] =	vst v1  }
0x3c: {  	[tilespmem:$0x2A60] =	vst v1  }
0x3d: {  	[tilespmem:$0x2A70] =	vst v1  }
0x3e: {  	[tilespmem:$0x2A80] =	vst v1  }
0x3f: {  	[tilespmem:$0x2A90] =	vst v1  }
0x40: {  	[tilespmem:$0x2AA0] =	vst v1  }
0x41: {  	[tilespmem:$0x2AB0] =	vst v1  }
0x42: {  	[tilespmem:$0x2AC0] =	vst v1  }
0x43: {  	[tilespmem:$0x2AD0] =	vst v1  }
0x44: {  	[tilespmem:$0x2AE0] =	vst v1  }
0x45: {  	[tilespmem:$0x2AF0] =	vst v1  }
0x46: {  	[spmem:s5] =	stream.linear.scatter [tilespmem:s9], [sflag:$0x2], $0x280, $0x38;
	[tilespmem:$0x2D80] =	vst v63  }
0x47: {  	_ =	swait.ge [sflag:s8], $0x280  }
0x48: {  	[sflag:s8] =	ssyncset.done $0x0  }
0x49: {  	[sflag:s8] =	ssyncadd.s32 $0xFFFFFD80  }
0x4a: {  	[bflag:$0x0] =	sbarrier.arrive $0xFFFF  }
0x4b: {  	[spmem:s2] =	stream.indirect.scatter.add.f32 [tilespmem:s11], [sflag:$0x1], $0x1, s3, s10, $0xb8;
	[tilespmem:$0x2D80] =	vst v63  }
0x4c: {  	_ = 	snop  }
0x4d: {  	[spmem:s2] =	stream.indirect.scatter.add.f32 [tilespmem:s11], [sflag:$0x1], $0x1, s10, s10, $0xb8;
	[tilespmem:$0x2D80] =	vst v63  }
0x4e: {  	_ = 	snop  }
0x4f: {  	[spmem:s2] =	stream.indirect.scatter.add.f32 [tilespmem:s11], [sflag:$0x1], $0x1, s12, s10, $0xb8;
	[tilespmem:$0x2D80] =	vst v63  }
0x50: {  	_ = 	snop  }
0x51: {  	[spmem:s2] =	stream.indirect.scatter.add.f32 [tilespmem:s11], [sflag:$0x1], $0x1, s13, s10, $0xb8;
	[tilespmem:$0x2D80] =	vst v63  }
0x52: {  	_ = 	snop  }
0x53: {  	[spmem:s2] =	stream.indirect.scatter.add.f32 [tilespmem:s11], [sflag:$0x1], $0x1, s14, s10, $0xb8;
	[tilespmem:$0x2D80] =	vst v63  }
0x54: {  	_ = 	snop  }
0x55: {  	[spmem:s2] =	stream.indirect.scatter.add.f32 [tilespmem:s11], [sflag:$0x1], $0x1, s15, s10, $0xb8;
	[tilespmem:$0x2D80] =	vst v63  }
0x56: {  	_ = 	snop  }
0x57: {  	[spmem:s2] =	stream.indirect.scatter.add.f32 [tilespmem:s11], [sflag:$0x1], $0x1, s16, s10, $0xb8;
	[tilespmem:$0x2D80] =	vst v63  }
0x58: {  	_ = 	snop  }
0x59: {  	[spmem:s2] =	stream.indirect.scatter.add.f32 [tilespmem:s11], [sflag:$0x1], $0x1, s17, s10, $0xb8;
	[tilespmem:$0x2D80] =	vst v63  }
0x5a: {  	_ =	swait.ge [sflag:s18], $0x80  }
0x5b: {  	[sflag:s18] =	ssyncset.done $0x0  }
0x5c: {  	s24 =	simm.s32 $0x1200;
	s25 =	simm.s32 $0x400;
	[sflag:s18] =	ssyncadd.s32 $0xFFFFFF80  }
.LBB2_2:
0x5d: {  	[spmem:s2] =	stream.indirect.scatter.add.f32 [tilespmem:s11], [sflag:$0x1], $0x1, s25, s10, $0xb8;
	[tilespmem:$0x2D80] =	vst v63  }
0x5e: {  	s25 =	smov.u32 s24;
	p0 =	sne.s32 s24, $0x9E00  }
.Ltmp0:
0x5f: {  	s24 =	sadd.s32 $0x200, s24;
	(pc) =	sbr.rel @p0 .LBB2_2-.Ltmp0, $4  }
0x60: {  	_ = 	snop  }
0x61: {  	_ =	swait.ge [sflag:s18], $0x80  }
0x62: {  	[sflag:s18] =	ssyncset.done $0x0  }
0x63: {  	s25 =	sshra.s32 s25, $0x2;
	[sflag:s18] =	ssyncadd.s32 $0xFFFFFF80  }
0x64: {  	[spmem:s2] =	stream.indirect.scatter.add.f32 [tilespmem:s11], [sflag:$0x1], $0x1, s25, s10, $0xb8;
	[tilespmem:$0x2D80] =	vst v63  }
0x65: {  	_ =	swait.ge [sflag:s18], $0x80  }
0x66: {  	[sflag:s18] =	ssyncset.done $0x0  }
0x67: {  	[sflag:s18] =	ssyncadd.s32 $0xFFFFFF80  }
0x68: {  	_ =	swait.ge [sflag:s18], $0x80  }
0x69: {  	[sflag:s18] =	ssyncset.done $0x0  }
0x6a: {  	[sflag:s18] =	ssyncadd.s32 $0xFFFFFF80  }
0x6b: {  	_ =	swait.ge [sflag:s18], $0x80  }
0x6c: {  	[sflag:s18] =	ssyncset.done $0x0  }
0x6d: {  	[sflag:s18] =	ssyncadd.s32 $0xFFFFFF80  }
0x6e: {  	_ =	swait.ge [sflag:s18], $0x80  }
0x6f: {  	[sflag:s18] =	ssyncset.done $0x0  }
0x70: {  	[sflag:s18] =	ssyncadd.s32 $0xFFFFFF80  }
0x71: {  	_ =	swait.ge [sflag:s18], $0x80  }
0x72: {  	[sflag:s18] =	ssyncset.done $0x0  }
0x73: {  	[sflag:s18] =	ssyncadd.s32 $0xFFFFFF80  }
0x74: {  	_ =	swait.ge [sflag:s18], $0x80  }
0x75: {  	[sflag:s18] =	ssyncset.done $0x0  }
0x76: {  	[sflag:s18] =	ssyncadd.s32 $0xFFFFFF80  }
0x77: {  	_ =	swait.ge [sflag:s18], $0x80  }
0x78: {  	[sflag:s18] =	ssyncset.done $0x0  }
0x79: {  	[sflag:s18] =	ssyncadd.s32 $0xFFFFFF80  }
0x7a: {  	_ =	swait.ge [sflag:s18], $0x80  }
0x7b: {  	s23 =	sadd.s32 $0x1, s23;
	[sflag:s18] =	ssyncset.done $0x0  }
0x7c: {  	p0 =	sne.s32 s23, s7;
	[sflag:s18] =	ssyncadd.s32 $0xFFFFFF80  }
.Ltmp1:
0x7d: {  	[bflag:$0x0] =	sbarrier.arrive $0xFFFF;
	(pc) =	sbr.rel @p0 .LBB2_1-.Ltmp1, $4  }
0x7e: {  	[hbm:s6@s21], [sflag:s19] =	dma.strided [spmem:s20@s22], $0x50, s18, $0x10   }
0x7f: {  	_ =	swait.ge [sflag:s8], $0x50  }
0x80: {  	[sflag:s8] =	ssyncset.done $0x0  }
0x81: {  	[sflag:s8] =	ssyncadd.s32 $0xFFFFFFB0  }
0x82: {  	_ =	sfence.sel $0x180000  }
0x83: {  	[bflag:$0x0] =	sbarrier.arrive $0xFFFF  }
0x84: {  	p0 =	sne.s32 s1, $0x0;
	_ =	strace $0x90000047  }
0x85: {  	s0 =	sadd.s32 @!p0 $0x100000, s0;
	[bflag:$0x2] =	sbarrier.arrive $0xFFFF  }
0x86: {  	[sflag:s0] =	ssyncadd.tile.s32 @!p0 $0x1;
	_ =	shalt  }
.Lfunc_end2:
_tile_overlayer_lowered:
.L_overlay_start_2:
0x87: {  	(tag) =	ssettag $0x2  }
0x88: {  	s0 =	rddreg [dreg:$0x0];
	s2 =	stileid.u32  }
0x89: {  	s1 =	rddreg [dreg:$0x1];
	p0 =	sne.s32 s2, $0x0  }
0x8a: {  	s3 =	rddreg [dreg:$0x2];
	[bflag:$0x3] =	sbarrier.arrive $0xFFFF;
	s2 =	simm.s32 @!p0 $0x1C02  }
0x8b: {  	[timem:s3], [sflag:s2] =	dma.local @!p0 [hbm:s0], s1  }
0x8c: {  	s0 =	simm.s32 @!p0 $0x2  }
0x8d: {  	_ =	swait.ge @!p0 [sflag:s0], s1  }
0x8e: {  	s1 =	ssub.s32 @!p0 $0x0, s1;
	[sflag:s0] =	ssyncset.done @!p0 $0x0  }
0x8f: {  	[sflag:s0] =	ssyncadd.s32 @!p0 s1  }
0x90: {  	[bflag:$0x3] =	sbarrier.arrive $0xFFFF  }
0x91: {  	_ =	shalt  }

// kernel: kernel.13.cloned.1.call-start
scs
__scs_entry_jumppad:
0x0: {  	(pc) =	sbr.rel $0x88, $3  }
0x1: {  	(tag) =	ssettag $0x0;
	lr =	simm.s32 $0x1  }
0x2: {  	[smem:$0x3F95] =	sst lr;
	_ =	strace $0xD0000000  }
0x3: {  	_ = 	snop  }
0x4: {  	_ = 	snop  }
0x5: {  	_ = 	snop  }
0x6: {  	_ = 	snop  }
0x7: {  	_ = 	snop  }
__scs_overlays_trampoline_lowered:
0x8: {  	[smem:$0x3FA4] =	sst s0  }
0x9: {  	[smem:$0x3FA5] =	sst s1  }
0xa: {  	[smem:$0x3FA6] =	sst s2  }
0xb: {  	[smem:$0x3FA7] =	sst s3  }
0xc: {  	[smem:$0x3FA8] =	sst s4  }
0xd: {  	[smem:$0x3FA9] =	sst s5  }
0xe: {  	[smem:$0x3FAA] =	sst s6  }
0xf: {  	[smem:$0x3FAB] =	sst s7  }
0x10: {  	[smem:$0x3FAC] =	sst s8  }
0x11: {  	[smem:$0x3FAD] =	sst s9;
	s0 =	simm.s32 @!p0 $0x0  }
0x12: {  	s1 =	sld [smem:$0x3F93];
	s0 =	simm.s32 @p0 $0x1  }
0x13: {  	[smem:$0x3FAE] =	sst s0;
	s0 =	simm.s32 @!p1 $0x0  }
0x14: {  	s2 =	sld [smem:$0x3F92];
	s0 =	simm.s32 @p1 $0x1  }
0x15: {  	[smem:$0x3FAF] =	sst s0;
	s0 =	simm.s32 @!p2 $0x0  }
0x16: {  	s3 =	sld [smem:$0x3FDB];
	s0 =	simm.s32 @p2 $0x1  }
0x17: {  	s4 =	simm.s32 $0x1BF5;
	[smem:$0x3FB1] =	sst s0  }
0x18: {  	s0 =	sld [smem:$0x3F94];
	_ =	swait.ge [sflag:s4], $0x0  }
0x19: {  	s7 =	sld [smem:$0x3F95]  }
0x1a: {  	s8 =	sadd.s32 $0xFFFFE003, lr  }
0x1b: {  	s9 =	sadd.s32 $0xFFFFFEF7, lr;
	s5 =	simm.s32 $0xFFFFFFFF;
	p2 =	slt.u32 s8, $0xFFFFF086  }
0x1c: {  	p1 =	slt.u32 s9, $0xF7A;
	s5 =	simm.s32 @!p2 $0x0  }
0x1d: {  	s5 =	simm.s32 @p1 $0x1;
	p0 =	seq.s32 s7, s2  }
0x1e: {  	s7 =	smul.u32 @!p0 $0xF7A, s2;
	p2 =	seq.s32 @!p0 s5, $0x0  }
0x1f: {  	s9 =	smul.u32 $0xF7A, s1;
	s8 =	simm.s32 @!p0 $0x1BF5;
	p2 =	por !p2, p0  }
0x20: {  	[sflag:s8] =	ssyncset.s32 @!p0 $0xFFFFF086;
	s6 =	sadd.s32 @!p0 s3, s7;
	s7 =	simm.s32 @!p0 $0x108  }
0x21: {  	s3 =	sadd.s32 s3, s9;
	s6 =	sadd.s32 @!p0 $0x88, s6;
	s7 =	simm.s32 @p2 $0x1082  }
0x22: {  	[simem:s7], [sflag:s8] =	dma.local @!p0 [hbm:s6], $0xF7A  }
0x23: {  	s9 =	sor.u32 $0xD0000000, s2;
	s6 =	simm.s32 $0x108;
	_ =	swait.ge @!p0 [sflag:s8], $0x0  }
0x24: {  	s3 =	sadd.s32 $0x88, s3;
	s6 =	simm.s32 @!p1 $0x1082;
	[sflag:s4] =	ssyncset.s32 $0xFFFFF086  }
0x25: {  	[simem:s6], [sflag:s4] =	dma.local [hbm:s3], $0xF7A  }
0x26: {  	[smem:$0x3F95] =	sst s1;
	(tag) =	ssettag s2;
	_ =	strace s9  }
0x27: {  	s1 =	sld [smem:$0x3FA5]  }
0x28: {  	s2 =	sld [smem:$0x3FA6]  }
0x29: {  	s4 =	sld [smem:$0x3FA8]  }
0x2a: {  	p0 =	seq.s32 s5, $0x0;
	s5 =	sld [smem:$0x3FA9]  }
0x2b: {  	s6 =	sld [smem:$0x3FAA]  }
0x2c: {  	s7 =	sld [smem:$0x3FAB]  }
0x2d: {  	s3 =	simm.s32 $0x108;
	s8 =	sld [smem:$0x3FAC]  }
0x2e: {  	s3 =	simm.s32 @!p0 $0x1082;
	s9 =	sld [smem:$0x3FAD]  }
0x2f: {  	lr =	sadd.s32 s0, s3;
	s0 =	sld [smem:$0x3FA4]  }
0x30: {  	s3 =	sld [smem:$0x3FA7]  }
0x31: {  	[smem:$0x3FB0] =	sst s10  }
0x32: {  	s10 =	sld [smem:$0x3FAE];
	_ =	sdelay $0x3  }
0x33: {  	p0 =	seq.s32 s10, $0x1;
	s10 =	sld [smem:$0x3FB0];
	_ =	sdelay $0x3  }
0x34: {  	[smem:$0x3FB0] =	sst s10  }
0x35: {  	s10 =	sld [smem:$0x3FAF];
	_ =	sdelay $0x3  }
0x36: {  	p1 =	seq.s32 s10, $0x1;
	s10 =	sld [smem:$0x3FB0];
	_ =	sdelay $0x3  }
0x37: {  	[smem:$0x3FB0] =	sst s10  }
0x38: {  	s10 =	sld [smem:$0x3FB1]  }
0x39: {  	_ = 	snop;
	(pc) =	sbr.ind lr, $3  }
0x3a: {  	_ = 	snop  }
0x3b: {  	_ = 	snop  }
0x3c: {  	p2 =	seq.s32 s10, $0x1;
	s10 =	sld [smem:$0x3FB0]  }
0x3d: {  	_ =	shalt  }
0x3e: {  	_ =	shalt  }
0x3f: {  	_ =	shalt  }
0x40: {  	_ =	shalt  }
0x41: {  	_ =	shalt  }
0x42: {  	_ =	shalt  }
0x43: {  	_ =	shalt  }
0x44: {  	_ =	shalt  }
0x45: {  	_ =	shalt  }
0x46: {  	_ =	shalt  }
0x47: {  	_ =	shalt  }
0x48: {  	_ =	shalt  }
0x49: {  	_ =	shalt  }
0x4a: {  	_ =	shalt  }
0x4b: {  	_ =	shalt  }
0x4c: {  	_ =	shalt  }
0x4d: {  	_ =	shalt  }
0x4e: {  	_ =	shalt  }
0x4f: {  	_ =	shalt  }
0x50: {  	_ =	shalt  }
0x51: {  	_ =	shalt  }
0x52: {  	_ =	shalt  }
0x53: {  	_ =	shalt  }
0x54: {  	_ =	shalt  }
0x55: {  	_ =	shalt  }
0x56: {  	_ =	shalt  }
0x57: {  	_ =	shalt  }
0x58: {  	_ =	shalt  }
0x59: {  	_ =	shalt  }
0x5a: {  	_ =	shalt  }
0x5b: {  	_ =	shalt  }
0x5c: {  	_ =	shalt  }
0x5d: {  	_ =	shalt  }
0x5e: {  	_ =	shalt  }
0x5f: {  	_ =	shalt  }
0x60: {  	_ =	shalt  }
0x61: {  	_ =	shalt  }
0x62: {  	_ =	shalt  }
0x63: {  	_ =	shalt  }
0x64: {  	_ =	shalt  }
0x65: {  	_ =	shalt  }
0x66: {  	_ =	shalt  }
0x67: {  	_ =	shalt  }
0x68: {  	_ =	shalt  }
0x69: {  	_ =	shalt  }
0x6a: {  	_ =	shalt  }
0x6b: {  	_ =	shalt  }
0x6c: {  	_ =	shalt  }
0x6d: {  	_ =	shalt  }
0x6e: {  	_ =	shalt  }
0x6f: {  	_ =	shalt  }
0x70: {  	_ =	shalt  }
0x71: {  	_ =	shalt  }
0x72: {  	_ =	shalt  }
0x73: {  	_ =	shalt  }
0x74: {  	_ =	shalt  }
0x75: {  	_ =	shalt  }
0x76: {  	_ =	shalt  }
0x77: {  	_ =	shalt  }
0x78: {  	_ =	shalt  }
0x79: {  	_ =	shalt  }
0x7a: {  	_ =	shalt  }
0x7b: {  	_ =	shalt  }
0x7c: {  	_ =	shalt  }
0x7d: {  	_ =	shalt  }
0x7e: {  	_ =	shalt  }
0x7f: {  	_ =	shalt  }
0x80: {  	_ =	shalt  }
0x81: {  	_ =	shalt  }
0x82: {  	_ =	shalt  }
0x83: {  	_ =	shalt  }
0x84: {  	_ =	shalt  }
0x85: {  	_ =	shalt  }
0x86: {  	_ =	shalt  }
0x87: {  	_ =	shalt  }
.Lfunc_end0:
.L_simem_size_0:
called_computation.1_lowered:
.L_overlay_start_0:
0x88: {  	s2 =	sld [smem:$0x3FD9]  }
0x89: {  	s3 =	sld [smem:$0x3FFE];
	_ =	sdelay $0x1  }
0x8a: {  	s1 =	srdreg.scid  }
0x8b: {  	s0 =	sand.u32 $0x1, s1  }
0x8c: {  	s17 =	sshll.u32 s0, $0xA;
	s2 =	sadd.s32 s3, s2  }
0x8d: {  	s2 =	sadd.s32 s2, s17  }
0x8e: {  	[smem:$0x3FBC] =	sst s2  }
0x8f: {  	_ = 	snop  }
0x90: {  	s2 =	sld [smem:$0x3FD0];
	(tm) =	ssettm $0x1  }
0x91: {  	s18 =	sld [smem:$0x3FFB];
	_ =	sdelay $0x3  }
0x92: {  	_ =	strace s18  }
0x93: {  	s3 =	sld [smem:$0x3FFC];
	_ =	sdelay $0x3  }
0x94: {  	_ =	strace s3  }
0x95: {  	s3 =	sld [smem:$0x3FFD];
	_ =	sdelay $0x3  }
0x96: {  	_ =	strace s3  }
0x97: {  	_ =	strace $0x8FFFFFFF  }
0x98: {  	s19 =	sld [smem:$0x3FDB];
	_ =	sdelay $0x1  }
0x99: {  	s4 =	simm.s32 $_scs_section_size  }
0x9a: {  	s5 =	simm.s32 $_size__tile_overlayer_lowered;
	s6 =	simm.s32 $_tile_overlayer_lowered  }
0x9b: {  	s22 =	simm.s32 $0x1BFF;
	s21 =	sshll.u32 s6, $0x1;
	s3 =	sadd.s32 s4, s19  }
0x9c: {  	s7 =	simm.s32 $0x0;
	s20 =	sshll.u32 s5, $0x1;
	s5 =	sadd.s32 s21, s3  }
0x9d: {  	[timem:s7], [sflag:s22] =	dma.local [hbm:s5], s20  }
0x9e: {  	_ =	swait.ge [sflag:s22], s20  }
0x9f: {  	s4 =	ssub.s32 $0x0, s20;
	[sflag:s22] =	ssyncset.done $0x0  }
0xa0: {  	[sflag:s22] =	ssyncadd.s32 s4;
	_ =	sdelay $0x1  }
0xa1: {  	s23 =	simm.s32 $0x1B8B  }
0xa2: {  	_ =	swait.ge [sflag:s23], $0x1  }
0xa3: {  	[sflag:s23] =	ssyncset.done $0x0  }
0xa4: {  	s25 =	simm.s32 $0x1B8E;
	s24 =	sld [smem:$0x3FFE];
	[sflag:s23] =	ssyncadd.s32 $0xFFFFFFFF  }
0xa5: {  	s26 =	simm.s32 $execute0_lowered;
	[smem:$0x3FD2] =	sst s25  }
0xa6: {  	s5 =	sshll.u32 s26, $0x1;
	_ =	strace $0x80000049;
	[dreg:$0x1] =	wrdreg $0xFFFFFFFF  }
0xa7: {  	s28 =	simm.s32 $_size_execute0_lowered;
	s3 =	sadd.s32 s3, s5;
	[dreg:$0x0] =	wrdreg $0x0  }
0xa8: {  	s5 =	sshll.u32 s28, $0x1;
	[dreg:$0x2] =	wrdreg s3  }
0xa9: {  	[dreg:$0x3] =	wrdreg s5  }
0xaa: {  	[dreg:$0x4] =	wrdreg $0xC0  }
0xab: {  	_ =	task [dreg:s7], $0x5FFFF  }
0xac: {  	[dreg:$0x1] =	wrdreg $0xFFFFFFFF  }
0xad: {  	[dreg:$0x0] =	wrdreg $0x60  }
0xae: {  	[dreg:$0x2] =	wrdreg s24  }
0xaf: {  	[dreg:$0x3] =	wrdreg s2  }
0xb0: {  	[dreg:$0x4] =	wrdreg $0xA9000  }
0xb1: {  	[dreg:$0x5] =	wrdreg $0x9  }
0xb2: {  	_ =	task.clear_ibuf [dreg:s7], $0x6FFFF;
	_ =	strace $0x90000049  }
0xb3: {  	s29 =	simm.s32 $0x9;
	_ =	strace $0x8000004B  }
0xb4: {  	_ =	swait.ge [sflag:s29], $0x1  }
0xb5: {  	[sflag:s29] =	ssyncadd.s32 $0xFFFFFFFF  }
0xb6: {  	_ =	strace $0x9000004B  }
0xb7: {  	_ =	sfence  }
0xb8: {  	s30 =	sld [smem:$0x0];
	_ =	sdelay $0x2  }
0xb9: {  	s31 =	sshll.u32 s1, $0xD;
	s1 =	sshrl.u32 s1, $0x2  }
0xba: {  	s3 =	sand.u32 $0x4000, s31;
	s1 =	sadd.s32 s1, s30  }
0xbb: {  	s0 =	sor.u32 s3, s0;
	s1 =	sshll.u32 s1, $0x11  }
0xbc: {  	s0 =	sor.u32 s1, s0  }
0xbd: {  	s0 =	sadd.s32 $0x8F2B, s0  }
0xbe: {  	[sflag:s0] =	ssyncadd.remote.s32 $0x1  }
0xbf: {  	_ =	sfence.sel $0xFFFF  }
0xc0: {  	[dreg:$0x0] =	wrdreg $0xFFFFFFFF;
	(pc) =	sbr.abs _section_cstart, $3  }
0xc1: {  	[dreg:$0x1] =	wrdreg $0xFFFFFFFF  }
0xc2: {  	_ =	task.clear_ibuf [dreg:s7], $0x2FFFF;
	_ =	strace $0x9FFFFFFF  }
0xc3: {  	(tm) =	ssettm $0x7FFFFFFF  }
tec
execute0_lowered:
.L_overlay_start_1:
0x0: {  	(tag) =	ssettag $0x1  }
0x1: {  	s0 =	rddreg [dreg:$0x0]  }
0x2: {  	s1 =	rddreg [dreg:$0x1]  }
0x3: {  	s2 =	rddreg [dreg:$0x2];
	s3 =	srdreg.scid  }
0x4: {  	s9 =	stileid.u32;
	s20 =	simm.s32 $0x5;
	s21 =	simm.s32 $0x80  }
0x5: {  	s22 =	simm.s32 $0x100;
	s23 =	simm.s32 $0x4100;
	s24 =	simm.s32 $0x4  }
0x6: {  	s25 =	simm.s32 $0x1;
	s26 =	simm.s32 $0x3;
	s28 =	simm.s32 $0x2  }
0x7: {  	s7 =	sand.u32 $0x1, s3;
	s3 =	simm.s32 $0x0;
	s5 =	smul.u32 $0x14000, s9  }
0x8: {  	s4 =	smul.u32 $0x140000, s7;
	s6 =	sshll.u32 s7, $0x4;
	[smem:$0x7FF] =	sst s3  }
0x9: {  	s7 =	ssub.s32 $0x2, s7;
	s6 =	sor.u32 s9, s6;
	_ =	strace $0x8000004A  }
0xa: {  	s9 =	smul.u32 $0x50000, s9;
	s31 =	sshrl.u32 s7, $0x1;
	s8 =	sadd.s32 s5, s4  }
0xb: {  	s4 =	smul.u32 $0x2800, s6;
	s5 =	sadd.s32 $0xFA00, s0;
	s6 =	sadd.s32 $0x5A00, s0  }
0xc: {  	s16 =	ssub.s32 s7, s31;
	s8 =	sshrl.u32 s8, $0x3;
	s9 =	sshrl.u32 s9, $0x2  }
0xd: {  	s16 =	smax.u32 s16, $0x1;
	s0 =	sadd.s32 s8, s0;
	s10 =	sshrl.u32 s4, $0x3  }
0xe: {  	s8 =	sadd.s32 s9, s2;
	s7 =	sadd.s32 s6, s10;
	s9 =	sadd.s32 s1, s10  }
0xf: {  	s11 =	sadd.s32 $0x4000, s8;
	s12 =	sadd.s32 $0x8000, s8;
	s13 =	sadd.s32 $0xC000, s8  }
0x10: {  	s14 =	sadd.s32 $0x10000, s8;
	s15 =	sadd.s32 $0x5FA00, s0;
	s1 =	simm.s32 $0x0  }
0x11: {  	v0 =	vimm.f32 $0.0e+00;
	s10 =	sadd.s32 $0x10, s7;
	s17 =	sadd.s32 $0x4F0, s7;
	s18 =	sadd.s32 $0x4E0, s7  }
.LBB2_1:
0x12: {  	s0 =	simm.s32 $0x8100  }
0x13: {  	[tilespmem:s0], [sflag:$0x5] =	stream.linear.gather [hbm4b:s9+s3], $0x2800, $0x38;
	[tilespmem:$0x1E900] =	vst v63  }
0x14: {  	_ =	swait.ge [sflag:s20], $0x2800  }
0x15: {  	[sflag:s20] =	ssyncset.done $0x0  }
0x16: {  	[sflag:s20] =	ssyncadd.s32 $0xFFFFD800  }
0x17: {  	[tilespmem:s3], [sflag:$0x5] =	stream.linear.gather [hbm4b:s7+s3], $0x80, $0x38;
	[tilespmem:$0x1E900] =	vst v63  }
0x18: {  	_ =	swait.ge [sflag:s20], $0x80  }
0x19: {  	[sflag:s20] =	ssyncset.done $0x0  }
0x1a: {  	[sflag:s20] =	ssyncadd.s32 $0xFFFFFF80  }
0x1b: {  	[tilespmem:s22], [sflag:$0x1] =	stream.indirect.gather [hbm4b:s5+s21], $0x80, s3, s21, $0xb8;
	[tilespmem:$0x1E900] =	vst v63  }
0x1c: {  	s19 =	simm.s32 $0x0;
	s29 =	simm.s32 $0x200  }
0x1d: {  	[tilespmem:s21], [sflag:$0x4] =	stream.linear.gather [hbm4b:s10+s3], $0x80, $0x38;
	[tilespmem:$0x1E900] =	vst v63  }
.LBB2_2:
0x1e: {  	p0 =	sne.s32 s29, $0xFE00;
	[tilespmem:s19+$0x4170] =	vst v0  }
0x1f: {  	[tilespmem:s19+$0x4100] =	vst v0  }
0x20: {  	[tilespmem:s19+$0x4110] =	vst v0  }
.Ltmp0:
0x21: {  	[tilespmem:s19+$0x4120] =	vst v0;
	(pc) =	sbr.rel @p0 .LBB2_2-.Ltmp0, $4  }
0x22: {  	[tilespmem:s19+$0x4130] =	vst v0  }
0x23: {  	[tilespmem:s19+$0x4140] =	vst v0  }
0x24: {  	[tilespmem:s19+$0x4150] =	vst v0  }
0x25: {  	[tilespmem:s19+$0x4160] =	vst v0;
	s19 =	sshra.s32 s29, $0x2;
	s29 =	sadd.s32 $0x200, s29  }
0x26: {  	[tilespmem:s19+$0x4170] =	vst v0  }
0x27: {  	[tilespmem:s19+$0x4100] =	vst v0  }
0x28: {  	[tilespmem:s19+$0x4110] =	vst v0  }
0x29: {  	[tilespmem:s19+$0x4120] =	vst v0  }
0x2a: {  	[tilespmem:s19+$0x4130] =	vst v0  }
0x2b: {  	[tilespmem:s19+$0x4140] =	vst v0  }
0x2c: {  	[tilespmem:s19+$0x4150] =	vst v0  }
0x2d: {  	[tilespmem:s19+$0x4160] =	vst v0  }
0x2e: {  	[spmem:s8] =	stream.linear.scatter [tilespmem:s23], [sflag:$0x5], $0x4000, $0x38;
	[tilespmem:$0x1E900] =	vst v63  }
0x2f: {  	_ =	swait.ge [sflag:s20], $0x4000  }
0x30: {  	[sflag:s20] =	ssyncset.done $0x0  }
0x31: {  	[sflag:s20] =	ssyncadd.s32 $0xFFFFC000  }
0x32: {  	[spmem:s11] =	stream.linear.scatter [tilespmem:s23], [sflag:$0x5], $0x4000, $0x38;
	[tilespmem:$0x1E900] =	vst v63  }
0x33: {  	_ =	swait.ge [sflag:s20], $0x4000  }
0x34: {  	[sflag:s20] =	ssyncset.done $0x0  }
0x35: {  	[sflag:s20] =	ssyncadd.s32 $0xFFFFC000  }
0x36: {  	[spmem:s12] =	stream.linear.scatter [tilespmem:s23], [sflag:$0x5], $0x4000, $0x38;
	[tilespmem:$0x1E900] =	vst v63  }
0x37: {  	_ =	swait.ge [sflag:s20], $0x4000  }
0x38: {  	[sflag:s20] =	ssyncset.done $0x0  }
0x39: {  	[sflag:s20] =	ssyncadd.s32 $0xFFFFC000  }
0x3a: {  	[spmem:s13] =	stream.linear.scatter [tilespmem:s23], [sflag:$0x5], $0x4000, $0x38;
	[tilespmem:$0x1E900] =	vst v63  }
0x3b: {  	_ =	swait.ge [sflag:s20], $0x4000  }
0x3c: {  	[sflag:s20] =	ssyncset.done $0x0  }
0x3d: {  	[sflag:s20] =	ssyncadd.s32 $0xFFFFC000  }
0x3e: {  	[spmem:s14] =	stream.linear.scatter [tilespmem:s23], [sflag:$0x5], $0x4000, $0x38;
	[tilespmem:$0x1E900] =	vst v63  }
0x3f: {  	_ =	swait.ge [sflag:s20], $0x4000  }
0x40: {  	[sflag:s20] =	ssyncset.done $0x0  }
0x41: {  	[sflag:s20] =	ssyncadd.s32 $0xFFFFC000  }
0x42: {  	[bflag:$0x0] =	sbarrier.arrive $0xFFFF  }
0x43: {  	s0 =	simm.s32 $0x100;
	_ =	swait.ge [sflag:s24], $0x80  }
0x44: {  	s29 =	sand.u32 $0x7C00, s0;
	[sflag:s24] =	ssyncset.done $0x0  }
0x45: {  	s19 =	sand.u32 $0x300, s0;
	s29 =	sadd.s32 s4, s29;
	[sflag:s24] =	ssyncadd.s32 $0xFFFFFF80  }
0x46: {  	[tilespmem:s23], [sflag:$0x2] =	stream.indirect.gather [hbm4b:s5+s21], $0x80, s21, s21, $0xb8;
	[tilespmem:$0x1E900] =	vst v63  }
0x47: {  	s19 =	sor.u32 s19, s29;
	_ =	swait.ge [sflag:s25], $0x4000  }
0x48: {  	s19 =	sshrl.u32 s19, $0x3;
	[sflag:s25] =	ssyncset.done $0x0  }
0x49: {  	s19 =	sadd.s32 s6, s19;
	[sflag:s25] =	ssyncadd.s32 $0xFFFFC000  }
0x4a: {  	[tilespmem:s3], [sflag:$0x3] =	stream.linear.gather [hbm4b:s19+s3], $0x80, $0x38;
	[tilespmem:$0x1E900] =	vst v63  }
0x4b: {  	s30 =	simm.s32 $0x8100  }
0x4c: {  	[spmem:s2] =	stream.indirect.scatter.add.f32 [tilespmem:s22], [sflag:$0x5], $0x80, s30, s21, $0xb8;
	[tilespmem:$0x1E900] =	vst v63  }
0x4d: {  	_ =	swait.ge [sflag:s20], $0x4000  }
0x4e: {  	[sflag:s20] =	ssyncset.done $0x0  }
0x4f: {  	[sflag:s20] =	ssyncadd.s32 $0xFFFFC000  }
0x50: {  	s31 =	simm.s32 $0x180;
	_ =	swait.ge [sflag:s26], $0x80  }
0x51: {  	s29 =	sand.u32 $0x7C00, s31;
	[sflag:s26] =	ssyncset.done $0x0  }
0x52: {  	s29 =	sadd.s32 s4, s29;
	s19 =	sand.u32 $0x380, s31;
	[sflag:s26] =	ssyncadd.s32 $0xFFFFFF80  }
0x53: {  	[tilespmem:s22], [sflag:$0x1] =	stream.indirect.gather [hbm4b:s5+s21], $0x80, s3, s21, $0xb8;
	[tilespmem:$0x1E900] =	vst v63  }
0x54: {  	s19 =	sor.u32 s19, s29;
	_ =	swait.ge [sflag:s28], $0x4000  }
0x55: {  	s19 =	sshrl.u32 s19, $0x3;
	[sflag:s28] =	ssyncset.done $0x0  }
0x56: {  	s19 =	sadd.s32 s6, s19;
	[sflag:s28] =	ssyncadd.s32 $0xFFFFC000  }
0x57: {  	[tilespmem:s21], [sflag:$0x4] =	stream.linear.gather [hbm4b:s19+s3], $0x80, $0x38;
	[tilespmem:$0x1E900] =	vst v63  }
0x58: {  	s19 =	simm.s32 $0x8180  }
0x59: {  	[spmem:s2] =	stream.indirect.scatter.add.f32 [tilespmem:s23], [sflag:$0x5], $0x80, s19, s21, $0xb8;
	[tilespmem:$0x1E900] =	vst v63  }
0x5a: {  	s29 =	simm.s32 $0x280;
	_ =	swait.ge [sflag:s20], $0x4000  }
.LBB2_4:
0x5b: {  	p0 =	sne.s32 s29, $0x2680;
	[sflag:s20] =	ssyncset.done $0x0;
	s19 =	sadd.s32 $0x100, s19  }
0x5c: {  	s30 =	smov.u32 s29;
	s29 =	sadd.s32 $0x100, s29;
	[sflag:s20] =	ssyncadd.s32 $0xFFFFC000  }
0x5d: {  	_ =	swait.ge [sflag:s24], $0x80  }
0x5e: {  	s31 =	sadd.s32 $0xFFFFFF80, s30;
	[sflag:s24] =	ssyncset.done $0x0  }
0x5f: {  	s0 =	sand.u32 $0x7C00, s31;
	s31 =	sand.u32 $0x300, s31;
	[sflag:s24] =	ssyncadd.s32 $0xFFFFFF80  }
0x60: {  	[tilespmem:s23], [sflag:$0x2] =	stream.indirect.gather [hbm4b:s5+s21], $0x80, s21, s21, $0xb8;
	[tilespmem:$0x1E900] =	vst v63  }
0x61: {  	s0 =	sadd.s32 s4, s0;
	_ =	swait.ge [sflag:s25], $0x4000  }
0x62: {  	s0 =	sor.u32 s31, s0;
	[sflag:s25] =	ssyncset.done $0x0  }
0x63: {  	s0 =	sshrl.u32 s0, $0x3;
	[sflag:s25] =	ssyncadd.s32 $0xFFFFC000  }
0x64: {  	s31 =	sadd.s32 $0xFFFFFF80, s19;
	s0 =	sadd.s32 s6, s0  }
0x65: {  	[tilespmem:s3], [sflag:$0x3] =	stream.linear.gather [hbm4b:s0+s3], $0x80, $0x38;
	[tilespmem:$0x1E900] =	vst v63  }
0x66: {  	_ = 	snop  }
0x67: {  	[spmem:s2] =	stream.indirect.scatter.add.f32 [tilespmem:s22], [sflag:$0x5], $0x80, s31, s21, $0xb8;
	[tilespmem:$0x1E900] =	vst v63  }
0x68: {  	_ =	swait.ge [sflag:s20], $0x4000  }
0x69: {  	[sflag:s20] =	ssyncset.done $0x0  }
0x6a: {  	[sflag:s20] =	ssyncadd.s32 $0xFFFFC000  }
0x6b: {  	_ =	swait.ge [sflag:s26], $0x80  }
0x6c: {  	s0 =	sand.u32 $0x7C00, s30;
	[sflag:s26] =	ssyncset.done $0x0  }
0x6d: {  	s30 =	sand.u32 $0x380, s30;
	s0 =	sadd.s32 s4, s0;
	[sflag:s26] =	ssyncadd.s32 $0xFFFFFF80  }
0x6e: {  	[tilespmem:s22], [sflag:$0x1] =	stream.indirect.gather [hbm4b:s5+s21], $0x80, s3, s21, $0xb8;
	[tilespmem:$0x1E900] =	vst v63  }
0x6f: {  	s0 =	sor.u32 s30, s0;
	_ =	swait.ge [sflag:s28], $0x4000  }
0x70: {  	s0 =	sshrl.u32 s0, $0x3;
	[sflag:s28] =	ssyncset.done $0x0  }
.Ltmp1:
0x71: {  	s0 =	sadd.s32 s6, s0;
	[sflag:s28] =	ssyncadd.s32 $0xFFFFC000;
	(pc) =	sbr.rel @p0 .LBB2_4-.Ltmp1, $4  }
0x72: {  	[tilespmem:s21], [sflag:$0x4] =	stream.linear.gather [hbm4b:s0+s3], $0x80, $0x38;
	[tilespmem:$0x1E900] =	vst v63  }
0x73: {  	_ = 	snop  }
0x74: {  	[spmem:s2] =	stream.indirect.scatter.add.f32 [tilespmem:s23], [sflag:$0x5], $0x80, s19, s21, $0xb8;
	[tilespmem:$0x1E900] =	vst v63  }
0x75: {  	_ =	swait.ge [sflag:s20], $0x4000  }
0x76: {  	[sflag:s20] =	ssyncset.done $0x0  }
0x77: {  	[sflag:s20] =	ssyncadd.s32 $0xFFFFC000  }
0x78: {  	_ =	swait.ge [sflag:s24], $0x80  }
0x79: {  	[sflag:s24] =	ssyncset.done $0x0  }
0x7a: {  	[sflag:s24] =	ssyncadd.s32 $0xFFFFFF80  }
0x7b: {  	[tilespmem:s23], [sflag:$0x2] =	stream.indirect.gather [hbm4b:s5+s21], $0x80, s21, s21, $0xb8;
	[tilespmem:$0x1E900] =	vst v63  }
0x7c: {  	_ =	swait.ge [sflag:s25], $0x4000  }
0x7d: {  	[sflag:s25] =	ssyncset.done $0x0  }
0x7e: {  	[sflag:s25] =	ssyncadd.s32 $0xFFFFC000  }
0x7f: {  	[tilespmem:s3], [sflag:$0x3] =	stream.linear.gather [hbm4b:s18+s3], $0x80, $0x38;
	[tilespmem:$0x1E900] =	vst v63  }
0x80: {  	s0 =	simm.s32 $0xA700  }
0x81: {  	[spmem:s2] =	stream.indirect.scatter.add.f32 [tilespmem:s22], [sflag:$0x5], $0x80, s0, s21, $0xb8;
	[tilespmem:$0x1E900] =	vst v63  }
0x82: {  	_ =	swait.ge [sflag:s20], $0x4000  }
0x83: {  	[sflag:s20] =	ssyncset.done $0x0  }
0x84: {  	[sflag:s20] =	ssyncadd.s32 $0xFFFFC000  }
0x85: {  	_ =	swait.ge [sflag:s26], $0x80  }
0x86: {  	[sflag:s26] =	ssyncset.done $0x0  }
0x87: {  	[sflag:s26] =	ssyncadd.s32 $0xFFFFFF80  }
0x88: {  	[tilespmem:s22], [sflag:$0x1] =	stream.indirect.gather [hbm4b:s5+s21], $0x80, s3, s21, $0xb8;
	[tilespmem:$0x1E900] =	vst v63  }
0x89: {  	_ =	swait.ge [sflag:s28], $0x4000  }
0x8a: {  	[sflag:s28] =	ssyncset.done $0x0  }
0x8b: {  	[sflag:s28] =	ssyncadd.s32 $0xFFFFC000  }
0x8c: {  	[tilespmem:s21], [sflag:$0x4] =	stream.linear.gather [hbm4b:s17+s3], $0x80, $0x38;
	[tilespmem:$0x1E900] =	vst v63  }
0x8d: {  	s19 =	simm.s32 $0xA780  }
0x8e: {  	[spmem:s2] =	stream.indirect.scatter.add.f32 [tilespmem:s23], [sflag:$0x5], $0x80, s19, s21, $0xb8;
	[tilespmem:$0x1E900] =	vst v63  }
0x8f: {  	_ =	swait.ge [sflag:s20], $0x4000  }
0x90: {  	[sflag:s20] =	ssyncset.done $0x0  }
0x91: {  	[sflag:s20] =	ssyncadd.s32 $0xFFFFC000  }
0x92: {  	_ =	swait.ge [sflag:s24], $0x80  }
0x93: {  	[sflag:s24] =	ssyncset.done $0x0  }
0x94: {  	[sflag:s24] =	ssyncadd.s32 $0xFFFFFF80  }
0x95: {  	[tilespmem:s23], [sflag:$0x2] =	stream.indirect.gather [hbm4b:s5+s21], $0x80, s21, s21, $0xb8;
	[tilespmem:$0x1E900] =	vst v63  }
0x96: {  	_ =	swait.ge [sflag:s25], $0x4000  }
0x97: {  	[sflag:s25] =	ssyncset.done $0x0  }
0x98: {  	[sflag:s25] =	ssyncadd.s32 $0xFFFFC000  }
0x99: {  	[tilespmem:s3], [sflag:$0x3] =	stream.linear.gather [hbm4b:s17+s3], $0x80, $0x38;
	[tilespmem:$0x1E900] =	vst v63  }
0x9a: {  	s29 =	simm.s32 $0xA800  }
0x9b: {  	[spmem:s2] =	stream.indirect.scatter.add.f32 [tilespmem:s22], [sflag:$0x5], $0x80, s29, s21, $0xb8;
	[tilespmem:$0x1E900] =	vst v63  }
0x9c: {  	_ =	swait.ge [sflag:s20], $0x4000  }
0x9d: {  	[sflag:s20] =	ssyncset.done $0x0  }
0x9e: {  	[sflag:s20] =	ssyncadd.s32 $0xFFFFC000  }
0x9f: {  	_ =	swait.ge [sflag:s26], $0x80  }
0xa0: {  	[sflag:s26] =	ssyncset.done $0x0  }
0xa1: {  	[sflag:s26] =	ssyncadd.s32 $0xFFFFFF80  }
0xa2: {  	[tilespmem:s22], [sflag:$0x1] =	stream.indirect.gather [hbm4b:s5+s21], $0x80, s3, s21, $0xb8;
	[tilespmem:$0x1E900] =	vst v63  }
0xa3: {  	_ =	swait.ge [sflag:s28], $0x4000  }
0xa4: {  	[sflag:s28] =	ssyncset.done $0x0  }
0xa5: {  	[sflag:s28] =	ssyncadd.s32 $0xFFFFC000  }
0xa6: {  	[tilespmem:s21], [sflag:$0x4] =	stream.linear.gather [hbm4b:s17+s3], $0x80, $0x38;
	[tilespmem:$0x1E900] =	vst v63  }
0xa7: {  	s30 =	simm.s32 $0xA880  }
0xa8: {  	[spmem:s2] =	stream.indirect.scatter.add.f32 [tilespmem:s23], [sflag:$0x5], $0x80, s30, s21, $0xb8;
	[tilespmem:$0x1E900] =	vst v63  }
0xa9: {  	_ =	swait.ge [sflag:s20], $0x4000  }
0xaa: {  	[sflag:s20] =	ssyncset.done $0x0  }
0xab: {  	[sflag:s20] =	ssyncadd.s32 $0xFFFFC000  }
0xac: {  	_ =	swait.ge [sflag:s25], $0x4000  }
0xad: {  	[sflag:s25] =	ssyncset.done $0x0  }
0xae: {  	[sflag:s25] =	ssyncadd.s32 $0xFFFFC000  }
0xaf: {  	s31 =	stileid.u32;
	_ =	swait.ge [sflag:s24], $0x80  }
0xb0: {  	s1 =	sadd.s32 $0x1, s1;
	s0 =	sshll.u32 s31, $0x6;
	[sflag:s24] =	ssyncset.done $0x0  }
0xb1: {  	p0 =	sne.s32 s1, s16;
	s0 =	sor.u32 $0x1C05, s0;
	[sflag:s24] =	ssyncadd.s32 $0xFFFFFF80  }
.Ltmp2:
0xb2: {  	s19 =	sshrl.u32 s8, $0x3;
	[bflag:$0x0] =	sbarrier.arrive $0xFFFF;
	(pc) =	sbr.rel @p0 .LBB2_1-.Ltmp2, $4  }
0xb3: {  	[hbm:s15], [sflag:s0] =	dma.local [spmem:s19], $0x2800  }
0xb4: {  	_ =	swait.ge [sflag:s20], $0x2800  }
0xb5: {  	[sflag:s20] =	ssyncset.done $0x0  }
0xb6: {  	[sflag:s20] =	ssyncadd.s32 $0xFFFFD800  }
0xb7: {  	_ =	sfence.sel $0x180000  }
0xb8: {  	[bflag:$0x0] =	sbarrier.arrive $0xFFFF  }
0xb9: {  	_ =	strace $0x9000004A  }
0xba: {  	s0 =	stileid.u32;
	[bflag:$0x2] =	sbarrier.arrive $0xFFFF  }
0xbb: {  	p0 =	sne.s32 s0, $0x0;
	s0 =	rddreg [dreg:$0x3]  }
0xbc: {  	s0 =	sadd.s32 @!p0 $0x100000, s0  }
0xbd: {  	[sflag:s0] =	ssyncadd.tile.s32 @!p0 $0x1;
	_ =	shalt  }
.Lfunc_end2:
_tile_overlayer_lowered:
.L_overlay_start_2:
0xbe: {  	(tag) =	ssettag $0x2  }
0xbf: {  	s0 =	rddreg [dreg:$0x0];
	s2 =	stileid.u32  }
0xc0: {  	s1 =	rddreg [dreg:$0x1];
	p0 =	sne.s32 s2, $0x0  }
0xc1: {  	s3 =	rddreg [dreg:$0x2];
	[bflag:$0x3] =	sbarrier.arrive $0xFFFF;
	s2 =	simm.s32 @!p0 $0x1C05  }
0xc2: {  	[timem:s3], [sflag:s2] =	dma.local @!p0 [hbm:s0], s1  }
0xc3: {  	s0 =	simm.s32 @!p0 $0x5  }
0xc4: {  	_ =	swait.ge @!p0 [sflag:s0], s1  }
0xc5: {  	s1 =	ssub.s32 @!p0 $0x0, s1;
	[sflag:s0] =	ssyncset.done @!p0 $0x0  }
0xc6: {  	[sflag:s0] =	ssyncadd.s32 @!p0 s1  }
0xc7: {  	[bflag:$0x3] =	sbarrier.arrive $0xFFFF  }
0xc8: {  	_ =	shalt  }

// kernel: kernel.16.cloned.1.call-start
scs
__scs_entry_jumppad:
0x0: {  	(pc) =	sbr.rel $0x88, $3  }
0x1: {  	(tag) =	ssettag $0x0;
	lr =	simm.s32 $0x1  }
0x2: {  	[smem:$0x3F95] =	sst lr;
	_ =	strace $0xD0000000  }
0x3: {  	_ = 	snop  }
0x4: {  	_ = 	snop  }
0x5: {  	_ = 	snop  }
0x6: {  	_ = 	snop  }
0x7: {  	_ = 	snop  }
__scs_overlays_trampoline_lowered:
0x8: {  	[smem:$0x3FA4] =	sst s0  }
0x9: {  	[smem:$0x3FA5] =	sst s1  }
0xa: {  	[smem:$0x3FA6] =	sst s2  }
0xb: {  	[smem:$0x3FA7] =	sst s3  }
0xc: {  	[smem:$0x3FA8] =	sst s4  }
0xd: {  	[smem:$0x3FA9] =	sst s5  }
0xe: {  	[smem:$0x3FAA] =	sst s6  }
0xf: {  	[smem:$0x3FAB] =	sst s7  }
0x10: {  	[smem:$0x3FAC] =	sst s8  }
0x11: {  	[smem:$0x3FAD] =	sst s9;
	s0 =	simm.s32 @!p0 $0x0  }
0x12: {  	s1 =	sld [smem:$0x3F93];
	s0 =	simm.s32 @p0 $0x1  }
0x13: {  	[smem:$0x3FAE] =	sst s0;
	s0 =	simm.s32 @!p1 $0x0  }
0x14: {  	s2 =	sld [smem:$0x3F92];
	s0 =	simm.s32 @p1 $0x1  }
0x15: {  	[smem:$0x3FAF] =	sst s0;
	s0 =	simm.s32 @!p2 $0x0  }
0x16: {  	s3 =	sld [smem:$0x3FDB];
	s0 =	simm.s32 @p2 $0x1  }
0x17: {  	s4 =	simm.s32 $0x1BF5;
	[smem:$0x3FB1] =	sst s0  }
0x18: {  	s0 =	sld [smem:$0x3F94];
	_ =	swait.ge [sflag:s4], $0x0  }
0x19: {  	s7 =	sld [smem:$0x3F95]  }
0x1a: {  	s8 =	sadd.s32 $0xFFFFE003, lr  }
0x1b: {  	s9 =	sadd.s32 $0xFFFFFEF7, lr;
	s5 =	simm.s32 $0xFFFFFFFF;
	p2 =	slt.u32 s8, $0xFFFFF086  }
0x1c: {  	p1 =	slt.u32 s9, $0xF7A;
	s5 =	simm.s32 @!p2 $0x0  }
0x1d: {  	s5 =	simm.s32 @p1 $0x1;
	p0 =	seq.s32 s7, s2  }
0x1e: {  	s7 =	smul.u32 @!p0 $0xF7A, s2;
	p2 =	seq.s32 @!p0 s5, $0x0  }
0x1f: {  	s9 =	smul.u32 $0xF7A, s1;
	s8 =	simm.s32 @!p0 $0x1BF5;
	p2 =	por !p2, p0  }
0x20: {  	[sflag:s8] =	ssyncset.s32 @!p0 $0xFFFFF086;
	s6 =	sadd.s32 @!p0 s3, s7;
	s7 =	simm.s32 @!p0 $0x108  }
0x21: {  	s3 =	sadd.s32 s3, s9;
	s6 =	sadd.s32 @!p0 $0x88, s6;
	s7 =	simm.s32 @p2 $0x1082  }
0x22: {  	[simem:s7], [sflag:s8] =	dma.local @!p0 [hbm:s6], $0xF7A  }
0x23: {  	s9 =	sor.u32 $0xD0000000, s2;
	s6 =	simm.s32 $0x108;
	_ =	swait.ge @!p0 [sflag:s8], $0x0  }
0x24: {  	s3 =	sadd.s32 $0x88, s3;
	s6 =	simm.s32 @!p1 $0x1082;
	[sflag:s4] =	ssyncset.s32 $0xFFFFF086  }
0x25: {  	[simem:s6], [sflag:s4] =	dma.local [hbm:s3], $0xF7A  }
0x26: {  	[smem:$0x3F95] =	sst s1;
	(tag) =	ssettag s2;
	_ =	strace s9  }
0x27: {  	s1 =	sld [smem:$0x3FA5]  }
0x28: {  	s2 =	sld [smem:$0x3FA6]  }
0x29: {  	s4 =	sld [smem:$0x3FA8]  }
0x2a: {  	p0 =	seq.s32 s5, $0x0;
	s5 =	sld [smem:$0x3FA9]  }
0x2b: {  	s6 =	sld [smem:$0x3FAA]  }
0x2c: {  	s7 =	sld [smem:$0x3FAB]  }
0x2d: {  	s3 =	simm.s32 $0x108;
	s8 =	sld [smem:$0x3FAC]  }
0x2e: {  	s3 =	simm.s32 @!p0 $0x1082;
	s9 =	sld [smem:$0x3FAD]  }
0x2f: {  	lr =	sadd.s32 s0, s3;
	s0 =	sld [smem:$0x3FA4]  }
0x30: {  	s3 =	sld [smem:$0x3FA7]  }
0x31: {  	[smem:$0x3FB0] =	sst s10  }
0x32: {  	s10 =	sld [smem:$0x3FAE];
	_ =	sdelay $0x3  }
0x33: {  	p0 =	seq.s32 s10, $0x1;
	s10 =	sld [smem:$0x3FB0];
	_ =	sdelay $0x3  }
0x34: {  	[smem:$0x3FB0] =	sst s10  }
0x35: {  	s10 =	sld [smem:$0x3FAF];
	_ =	sdelay $0x3  }
0x36: {  	p1 =	seq.s32 s10, $0x1;
	s10 =	sld [smem:$0x3FB0];
	_ =	sdelay $0x3  }
0x37: {  	[smem:$0x3FB0] =	sst s10  }
0x38: {  	s10 =	sld [smem:$0x3FB1]  }
0x39: {  	_ = 	snop;
	(pc) =	sbr.ind lr, $3  }
0x3a: {  	_ = 	snop  }
0x3b: {  	_ = 	snop  }
0x3c: {  	p2 =	seq.s32 s10, $0x1;
	s10 =	sld [smem:$0x3FB0]  }
0x3d: {  	_ =	shalt  }
0x3e: {  	_ =	shalt  }
0x3f: {  	_ =	shalt  }
0x40: {  	_ =	shalt  }
0x41: {  	_ =	shalt  }
0x42: {  	_ =	shalt  }
0x43: {  	_ =	shalt  }
0x44: {  	_ =	shalt  }
0x45: {  	_ =	shalt  }
0x46: {  	_ =	shalt  }
0x47: {  	_ =	shalt  }
0x48: {  	_ =	shalt  }
0x49: {  	_ =	shalt  }
0x4a: {  	_ =	shalt  }
0x4b: {  	_ =	shalt  }
0x4c: {  	_ =	shalt  }
0x4d: {  	_ =	shalt  }
0x4e: {  	_ =	shalt  }
0x4f: {  	_ =	shalt  }
0x50: {  	_ =	shalt  }
0x51: {  	_ =	shalt  }
0x52: {  	_ =	shalt  }
0x53: {  	_ =	shalt  }
0x54: {  	_ =	shalt  }
0x55: {  	_ =	shalt  }
0x56: {  	_ =	shalt  }
0x57: {  	_ =	shalt  }
0x58: {  	_ =	shalt  }
0x59: {  	_ =	shalt  }
0x5a: {  	_ =	shalt  }
0x5b: {  	_ =	shalt  }
0x5c: {  	_ =	shalt  }
0x5d: {  	_ =	shalt  }
0x5e: {  	_ =	shalt  }
0x5f: {  	_ =	shalt  }
0x60: {  	_ =	shalt  }
0x61: {  	_ =	shalt  }
0x62: {  	_ =	shalt  }
0x63: {  	_ =	shalt  }
0x64: {  	_ =	shalt  }
0x65: {  	_ =	shalt  }
0x66: {  	_ =	shalt  }
0x67: {  	_ =	shalt  }
0x68: {  	_ =	shalt  }
0x69: {  	_ =	shalt  }
0x6a: {  	_ =	shalt  }
0x6b: {  	_ =	shalt  }
0x6c: {  	_ =	shalt  }
0x6d: {  	_ =	shalt  }
0x6e: {  	_ =	shalt  }
0x6f: {  	_ =	shalt  }
0x70: {  	_ =	shalt  }
0x71: {  	_ =	shalt  }
0x72: {  	_ =	shalt  }
0x73: {  	_ =	shalt  }
0x74: {  	_ =	shalt  }
0x75: {  	_ =	shalt  }
0x76: {  	_ =	shalt  }
0x77: {  	_ =	shalt  }
0x78: {  	_ =	shalt  }
0x79: {  	_ =	shalt  }
0x7a: {  	_ =	shalt  }
0x7b: {  	_ =	shalt  }
0x7c: {  	_ =	shalt  }
0x7d: {  	_ =	shalt  }
0x7e: {  	_ =	shalt  }
0x7f: {  	_ =	shalt  }
0x80: {  	_ =	shalt  }
0x81: {  	_ =	shalt  }
0x82: {  	_ =	shalt  }
0x83: {  	_ =	shalt  }
0x84: {  	_ =	shalt  }
0x85: {  	_ =	shalt  }
0x86: {  	_ =	shalt  }
0x87: {  	_ =	shalt  }
.Lfunc_end0:
.L_simem_size_0:
called_computation.2_lowered:
.L_overlay_start_0:
0x88: {  	s2 =	sld [smem:$0x3FD9]  }
0x89: {  	s3 =	sld [smem:$0x3FFE];
	_ =	sdelay $0x1  }
0x8a: {  	s1 =	srdreg.scid  }
0x8b: {  	s0 =	sand.u32 $0x1, s1  }
0x8c: {  	s17 =	sshll.u32 s0, $0xA;
	s2 =	sadd.s32 s3, s2  }
0x8d: {  	s2 =	sadd.s32 s2, s17  }
0x8e: {  	[smem:$0x3FBC] =	sst s2  }
0x8f: {  	_ = 	snop  }
0x90: {  	s2 =	sld [smem:$0x3FD0];
	(tm) =	ssettm $0x1  }
0x91: {  	s18 =	sld [smem:$0x3FFB];
	_ =	sdelay $0x3  }
0x92: {  	_ =	strace s18  }
0x93: {  	s3 =	sld [smem:$0x3FFC];
	_ =	sdelay $0x3  }
0x94: {  	_ =	strace s3  }
0x95: {  	s3 =	sld [smem:$0x3FFD];
	_ =	sdelay $0x3  }
0x96: {  	_ =	strace s3  }
0x97: {  	_ =	strace $0x8FFFFFFF  }
0x98: {  	s19 =	sld [smem:$0x3FDB];
	_ =	sdelay $0x1  }
0x99: {  	s4 =	simm.s32 $_scs_section_size  }
0x9a: {  	s5 =	simm.s32 $_size__tile_overlayer_lowered;
	s6 =	simm.s32 $_tile_overlayer_lowered  }
0x9b: {  	s22 =	simm.s32 $0x1BFF;
	s21 =	sshll.u32 s6, $0x1;
	s3 =	sadd.s32 s4, s19  }
0x9c: {  	s7 =	simm.s32 $0x0;
	s20 =	sshll.u32 s5, $0x1;
	s5 =	sadd.s32 s21, s3  }
0x9d: {  	[timem:s7], [sflag:s22] =	dma.local [hbm:s5], s20  }
0x9e: {  	_ =	swait.ge [sflag:s22], s20  }
0x9f: {  	s4 =	ssub.s32 $0x0, s20;
	[sflag:s22] =	ssyncset.done $0x0  }
0xa0: {  	[sflag:s22] =	ssyncadd.s32 s4;
	_ =	sdelay $0x1  }
0xa1: {  	s23 =	simm.s32 $0x1B8B  }
0xa2: {  	_ =	swait.ge [sflag:s23], $0x1  }
0xa3: {  	[sflag:s23] =	ssyncset.done $0x0  }
0xa4: {  	s25 =	simm.s32 $0x1B8E;
	s24 =	sld [smem:$0x3FFE];
	[sflag:s23] =	ssyncadd.s32 $0xFFFFFFFF  }
0xa5: {  	s26 =	simm.s32 $execute0_lowered;
	[smem:$0x3FD2] =	sst s25  }
0xa6: {  	s5 =	sshll.u32 s26, $0x1;
	_ =	strace $0x8000004C;
	[dreg:$0x1] =	wrdreg $0xFFFFFFFF  }
0xa7: {  	s28 =	simm.s32 $_size_execute0_lowered;
	s3 =	sadd.s32 s3, s5;
	[dreg:$0x0] =	wrdreg $0x0  }
0xa8: {  	s5 =	sshll.u32 s28, $0x1;
	[dreg:$0x2] =	wrdreg s3  }
0xa9: {  	[dreg:$0x3] =	wrdreg s5  }
0xaa: {  	[dreg:$0x4] =	wrdreg $0xC0  }
0xab: {  	_ =	task [dreg:s7], $0x5FFFF  }
0xac: {  	[dreg:$0x1] =	wrdreg $0xFFFFFFFF  }
0xad: {  	[dreg:$0x0] =	wrdreg $0x60  }
0xae: {  	[dreg:$0x2] =	wrdreg s24  }
0xaf: {  	[dreg:$0x3] =	wrdreg s2  }
0xb0: {  	[dreg:$0x4] =	wrdreg $0xA9000  }
0xb1: {  	[dreg:$0x5] =	wrdreg $0x9  }
0xb2: {  	_ =	task.clear_ibuf [dreg:s7], $0x6FFFF;
	_ =	strace $0x9000004C  }
0xb3: {  	s29 =	simm.s32 $0x9;
	_ =	strace $0x8000004E  }
0xb4: {  	_ =	swait.ge [sflag:s29], $0x1  }
0xb5: {  	[sflag:s29] =	ssyncadd.s32 $0xFFFFFFFF  }
0xb6: {  	_ =	strace $0x9000004E  }
0xb7: {  	_ =	sfence  }
0xb8: {  	s30 =	sld [smem:$0x0];
	_ =	sdelay $0x2  }
0xb9: {  	s31 =	sshll.u32 s1, $0xD;
	s1 =	sshrl.u32 s1, $0x2  }
0xba: {  	s3 =	sand.u32 $0x4000, s31;
	s1 =	sadd.s32 s1, s30  }
0xbb: {  	s0 =	sor.u32 s3, s0;
	s1 =	sshll.u32 s1, $0x11  }
0xbc: {  	s0 =	sor.u32 s1, s0  }
0xbd: {  	s0 =	sadd.s32 $0x8F2B, s0  }
0xbe: {  	[sflag:s0] =	ssyncadd.remote.s32 $0x1  }
0xbf: {  	_ =	sfence.sel $0xFFFF  }
0xc0: {  	[dreg:$0x0] =	wrdreg $0xFFFFFFFF;
	(pc) =	sbr.abs _section_cstart, $3  }
0xc1: {  	[dreg:$0x1] =	wrdreg $0xFFFFFFFF  }
0xc2: {  	_ =	task.clear_ibuf [dreg:s7], $0x2FFFF;
	_ =	strace $0x9FFFFFFF  }
0xc3: {  	(tm) =	ssettm $0x7FFFFFFF  }
tec
execute0_lowered:
.L_overlay_start_1:
0x0: {  	(tag) =	ssettag $0x1  }
0x1: {  	s0 =	rddreg [dreg:$0x0]  }
0x2: {  	s1 =	rddreg [dreg:$0x1]  }
0x3: {  	s2 =	rddreg [dreg:$0x2];
	s3 =	srdreg.scid  }
0x4: {  	s9 =	stileid.u32;
	s20 =	simm.s32 $0x5;
	s21 =	simm.s32 $0x80  }
0x5: {  	s22 =	simm.s32 $0x100;
	s23 =	simm.s32 $0x4100;
	s24 =	simm.s32 $0x4  }
0x6: {  	s25 =	simm.s32 $0x1;
	s26 =	simm.s32 $0x3;
	s28 =	simm.s32 $0x2  }
0x7: {  	s7 =	sand.u32 $0x1, s3;
	s3 =	simm.s32 $0x0;
	s5 =	smul.u32 $0x14000, s9  }
0x8: {  	s4 =	smul.u32 $0x140000, s7;
	s6 =	sshll.u32 s7, $0x4;
	[smem:$0x7FF] =	sst s3  }
0x9: {  	s7 =	ssub.s32 $0x2, s7;
	s6 =	sor.u32 s9, s6;
	_ =	strace $0x8000004D  }
0xa: {  	s9 =	smul.u32 $0x50000, s9;
	s31 =	sshrl.u32 s7, $0x1;
	s8 =	sadd.s32 s5, s4  }
0xb: {  	s4 =	smul.u32 $0x2800, s6;
	s5 =	sadd.s32 $0xFA00, s0;
	s6 =	sadd.s32 $0x5A00, s0  }
0xc: {  	s16 =	ssub.s32 s7, s31;
	s8 =	sshrl.u32 s8, $0x3;
	s9 =	sshrl.u32 s9, $0x2  }
0xd: {  	s16 =	smax.u32 s16, $0x1;
	s0 =	sadd.s32 s8, s0;
	s10 =	sshrl.u32 s4, $0x3  }
0xe: {  	s8 =	sadd.s32 s9, s2;
	s7 =	sadd.s32 s6, s10;
	s9 =	sadd.s32 s1, s10  }
0xf: {  	s11 =	sadd.s32 $0x4000, s8;
	s12 =	sadd.s32 $0x8000, s8;
	s13 =	sadd.s32 $0xC000, s8  }
0x10: {  	s14 =	sadd.s32 $0x10000, s8;
	s15 =	sadd.s32 $0x5FA00, s0;
	s1 =	simm.s32 $0x0  }
0x11: {  	v0 =	vimm.f32 $0.0e+00;
	s10 =	sadd.s32 $0x10, s7;
	s17 =	sadd.s32 $0x4F0, s7;
	s18 =	sadd.s32 $0x4E0, s7  }
.LBB2_1:
0x12: {  	s0 =	simm.s32 $0x8100  }
0x13: {  	[tilespmem:s0], [sflag:$0x5] =	stream.linear.gather [hbm4b:s9+s3], $0x2800, $0x38;
	[tilespmem:$0x1E900] =	vst v63  }
0x14: {  	_ =	swait.ge [sflag:s20], $0x2800  }
0x15: {  	[sflag:s20] =	ssyncset.done $0x0  }
0x16: {  	[sflag:s20] =	ssyncadd.s32 $0xFFFFD800  }
0x17: {  	[tilespmem:s3], [sflag:$0x5] =	stream.linear.gather [hbm4b:s7+s3], $0x80, $0x38;
	[tilespmem:$0x1E900] =	vst v63  }
0x18: {  	_ =	swait.ge [sflag:s20], $0x80  }
0x19: {  	[sflag:s20] =	ssyncset.done $0x0  }
0x1a: {  	[sflag:s20] =	ssyncadd.s32 $0xFFFFFF80  }
0x1b: {  	[tilespmem:s22], [sflag:$0x1] =	stream.indirect.gather [hbm4b:s5+s21], $0x80, s3, s21, $0xb8;
	[tilespmem:$0x1E900] =	vst v63  }
0x1c: {  	s19 =	simm.s32 $0x0;
	s29 =	simm.s32 $0x200  }
0x1d: {  	[tilespmem:s21], [sflag:$0x4] =	stream.linear.gather [hbm4b:s10+s3], $0x80, $0x38;
	[tilespmem:$0x1E900] =	vst v63  }
.LBB2_2:
0x1e: {  	p0 =	sne.s32 s29, $0xFE00;
	[tilespmem:s19+$0x4170] =	vst v0  }
0x1f: {  	[tilespmem:s19+$0x4100] =	vst v0  }
0x20: {  	[tilespmem:s19+$0x4110] =	vst v0  }
.Ltmp0:
0x21: {  	[tilespmem:s19+$0x4120] =	vst v0;
	(pc) =	sbr.rel @p0 .LBB2_2-.Ltmp0, $4  }
0x22: {  	[tilespmem:s19+$0x4130] =	vst v0  }
0x23: {  	[tilespmem:s19+$0x4140] =	vst v0  }
0x24: {  	[tilespmem:s19+$0x4150] =	vst v0  }
0x25: {  	[tilespmem:s19+$0x4160] =	vst v0;
	s19 =	sshra.s32 s29, $0x2;
	s29 =	sadd.s32 $0x200, s29  }
0x26: {  	[tilespmem:s19+$0x4170] =	vst v0  }
0x27: {  	[tilespmem:s19+$0x4100] =	vst v0  }
0x28: {  	[tilespmem:s19+$0x4110] =	vst v0  }
0x29: {  	[tilespmem:s19+$0x4120] =	vst v0  }
0x2a: {  	[tilespmem:s19+$0x4130] =	vst v0  }
0x2b: {  	[tilespmem:s19+$0x4140] =	vst v0  }
0x2c: {  	[tilespmem:s19+$0x4150] =	vst v0  }
0x2d: {  	[tilespmem:s19+$0x4160] =	vst v0  }
0x2e: {  	[spmem:s8] =	stream.linear.scatter [tilespmem:s23], [sflag:$0x5], $0x4000, $0x38;
	[tilespmem:$0x1E900] =	vst v63  }
0x2f: {  	_ =	swait.ge [sflag:s20], $0x4000  }
0x30: {  	[sflag:s20] =	ssyncset.done $0x0  }
0x31: {  	[sflag:s20] =	ssyncadd.s32 $0xFFFFC000  }
0x32: {  	[spmem:s11] =	stream.linear.scatter [tilespmem:s23], [sflag:$0x5], $0x4000, $0x38;
	[tilespmem:$0x1E900] =	vst v63  }
0x33: {  	_ =	swait.ge [sflag:s20], $0x4000  }
0x34: {  	[sflag:s20] =	ssyncset.done $0x0  }
0x35: {  	[sflag:s20] =	ssyncadd.s32 $0xFFFFC000  }
0x36: {  	[spmem:s12] =	stream.linear.scatter [tilespmem:s23], [sflag:$0x5], $0x4000, $0x38;
	[tilespmem:$0x1E900] =	vst v63  }
0x37: {  	_ =	swait.ge [sflag:s20], $0x4000  }
0x38: {  	[sflag:s20] =	ssyncset.done $0x0  }
0x39: {  	[sflag:s20] =	ssyncadd.s32 $0xFFFFC000  }
0x3a: {  	[spmem:s13] =	stream.linear.scatter [tilespmem:s23], [sflag:$0x5], $0x4000, $0x38;
	[tilespmem:$0x1E900] =	vst v63  }
0x3b: {  	_ =	swait.ge [sflag:s20], $0x4000  }
0x3c: {  	[sflag:s20] =	ssyncset.done $0x0  }
0x3d: {  	[sflag:s20] =	ssyncadd.s32 $0xFFFFC000  }
0x3e: {  	[spmem:s14] =	stream.linear.scatter [tilespmem:s23], [sflag:$0x5], $0x4000, $0x38;
	[tilespmem:$0x1E900] =	vst v63  }
0x3f: {  	_ =	swait.ge [sflag:s20], $0x4000  }
0x40: {  	[sflag:s20] =	ssyncset.done $0x0  }
0x41: {  	[sflag:s20] =	ssyncadd.s32 $0xFFFFC000  }
0x42: {  	[bflag:$0x0] =	sbarrier.arrive $0xFFFF  }
0x43: {  	s0 =	simm.s32 $0x100;
	_ =	swait.ge [sflag:s24], $0x80  }
0x44: {  	s29 =	sand.u32 $0x7C00, s0;
	[sflag:s24] =	ssyncset.done $0x0  }
0x45: {  	s19 =	sand.u32 $0x300, s0;
	s29 =	sadd.s32 s4, s29;
	[sflag:s24] =	ssyncadd.s32 $0xFFFFFF80  }
0x46: {  	[tilespmem:s23], [sflag:$0x2] =	stream.indirect.gather [hbm4b:s5+s21], $0x80, s21, s21, $0xb8;
	[tilespmem:$0x1E900] =	vst v63  }
0x47: {  	s19 =	sor.u32 s19, s29;
	_ =	swait.ge [sflag:s25], $0x4000  }
0x48: {  	s19 =	sshrl.u32 s19, $0x3;
	[sflag:s25] =	ssyncset.done $0x0  }
0x49: {  	s19 =	sadd.s32 s6, s19;
	[sflag:s25] =	ssyncadd.s32 $0xFFFFC000  }
0x4a: {  	[tilespmem:s3], [sflag:$0x3] =	stream.linear.gather [hbm4b:s19+s3], $0x80, $0x38;
	[tilespmem:$0x1E900] =	vst v63  }
0x4b: {  	s30 =	simm.s32 $0x8100  }
0x4c: {  	[spmem:s2] =	stream.indirect.scatter.add.f32 [tilespmem:s22], [sflag:$0x5], $0x80, s30, s21, $0xb8;
	[tilespmem:$0x1E900] =	vst v63  }
0x4d: {  	_ =	swait.ge [sflag:s20], $0x4000  }
0x4e: {  	[sflag:s20] =	ssyncset.done $0x0  }
0x4f: {  	[sflag:s20] =	ssyncadd.s32 $0xFFFFC000  }
0x50: {  	s31 =	simm.s32 $0x180;
	_ =	swait.ge [sflag:s26], $0x80  }
0x51: {  	s29 =	sand.u32 $0x7C00, s31;
	[sflag:s26] =	ssyncset.done $0x0  }
0x52: {  	s29 =	sadd.s32 s4, s29;
	s19 =	sand.u32 $0x380, s31;
	[sflag:s26] =	ssyncadd.s32 $0xFFFFFF80  }
0x53: {  	[tilespmem:s22], [sflag:$0x1] =	stream.indirect.gather [hbm4b:s5+s21], $0x80, s3, s21, $0xb8;
	[tilespmem:$0x1E900] =	vst v63  }
0x54: {  	s19 =	sor.u32 s19, s29;
	_ =	swait.ge [sflag:s28], $0x4000  }
0x55: {  	s19 =	sshrl.u32 s19, $0x3;
	[sflag:s28] =	ssyncset.done $0x0  }
0x56: {  	s19 =	sadd.s32 s6, s19;
	[sflag:s28] =	ssyncadd.s32 $0xFFFFC000  }
0x57: {  	[tilespmem:s21], [sflag:$0x4] =	stream.linear.gather [hbm4b:s19+s3], $0x80, $0x38;
	[tilespmem:$0x1E900] =	vst v63  }
0x58: {  	s19 =	simm.s32 $0x8180  }
0x59: {  	[spmem:s2] =	stream.indirect.scatter.add.f32 [tilespmem:s23], [sflag:$0x5], $0x80, s19, s21, $0xb8;
	[tilespmem:$0x1E900] =	vst v63  }
0x5a: {  	s29 =	simm.s32 $0x280;
	_ =	swait.ge [sflag:s20], $0x4000  }
.LBB2_4:
0x5b: {  	p0 =	sne.s32 s29, $0x2680;
	[sflag:s20] =	ssyncset.done $0x0;
	s19 =	sadd.s32 $0x100, s19  }
0x5c: {  	s30 =	smov.u32 s29;
	s29 =	sadd.s32 $0x100, s29;
	[sflag:s20] =	ssyncadd.s32 $0xFFFFC000  }
0x5d: {  	_ =	swait.ge [sflag:s24], $0x80  }
0x5e: {  	s31 =	sadd.s32 $0xFFFFFF80, s30;
	[sflag:s24] =	ssyncset.done $0x0  }
0x5f: {  	s0 =	sand.u32 $0x7C00, s31;
	s31 =	sand.u32 $0x300, s31;
	[sflag:s24] =	ssyncadd.s32 $0xFFFFFF80  }
0x60: {  	[tilespmem:s23], [sflag:$0x2] =	stream.indirect.gather [hbm4b:s5+s21], $0x80, s21, s21, $0xb8;
	[tilespmem:$0x1E900] =	vst v63  }
0x61: {  	s0 =	sadd.s32 s4, s0;
	_ =	swait.ge [sflag:s25], $0x4000  }
0x62: {  	s0 =	sor.u32 s31, s0;
	[sflag:s25] =	ssyncset.done $0x0  }
0x63: {  	s0 =	sshrl.u32 s0, $0x3;
	[sflag:s25] =	ssyncadd.s32 $0xFFFFC000  }
0x64: {  	s31 =	sadd.s32 $0xFFFFFF80, s19;
	s0 =	sadd.s32 s6, s0  }
0x65: {  	[tilespmem:s3], [sflag:$0x3] =	stream.linear.gather [hbm4b:s0+s3], $0x80, $0x38;
	[tilespmem:$0x1E900] =	vst v63  }
0x66: {  	_ = 	snop  }
0x67: {  	[spmem:s2] =	stream.indirect.scatter.add.f32 [tilespmem:s22], [sflag:$0x5], $0x80, s31, s21, $0xb8;
	[tilespmem:$0x1E900] =	vst v63  }
0x68: {  	_ =	swait.ge [sflag:s20], $0x4000  }
0x69: {  	[sflag:s20] =	ssyncset.done $0x0  }
0x6a: {  	[sflag:s20] =	ssyncadd.s32 $0xFFFFC000  }
0x6b: {  	_ =	swait.ge [sflag:s26], $0x80  }
0x6c: {  	s0 =	sand.u32 $0x7C00, s30;
	[sflag:s26] =	ssyncset.done $0x0  }
0x6d: {  	s30 =	sand.u32 $0x380, s30;
	s0 =	sadd.s32 s4, s0;
	[sflag:s26] =	ssyncadd.s32 $0xFFFFFF80  }
0x6e: {  	[tilespmem:s22], [sflag:$0x1] =	stream.indirect.gather [hbm4b:s5+s21], $0x80, s3, s21, $0xb8;
	[tilespmem:$0x1E900] =	vst v63  }
0x6f: {  	s0 =	sor.u32 s30, s0;
	_ =	swait.ge [sflag:s28], $0x4000  }
0x70: {  	s0 =	sshrl.u32 s0, $0x3;
	[sflag:s28] =	ssyncset.done $0x0  }
.Ltmp1:
0x71: {  	s0 =	sadd.s32 s6, s0;
	[sflag:s28] =	ssyncadd.s32 $0xFFFFC000;
	(pc) =	sbr.rel @p0 .LBB2_4-.Ltmp1, $4  }
0x72: {  	[tilespmem:s21], [sflag:$0x4] =	stream.linear.gather [hbm4b:s0+s3], $0x80, $0x38;
	[tilespmem:$0x1E900] =	vst v63  }
0x73: {  	_ = 	snop  }
0x74: {  	[spmem:s2] =	stream.indirect.scatter.add.f32 [tilespmem:s23], [sflag:$0x5], $0x80, s19, s21, $0xb8;
	[tilespmem:$0x1E900] =	vst v63  }
0x75: {  	_ =	swait.ge [sflag:s20], $0x4000  }
0x76: {  	[sflag:s20] =	ssyncset.done $0x0  }
0x77: {  	[sflag:s20] =	ssyncadd.s32 $0xFFFFC000  }
0x78: {  	_ =	swait.ge [sflag:s24], $0x80  }
0x79: {  	[sflag:s24] =	ssyncset.done $0x0  }
0x7a: {  	[sflag:s24] =	ssyncadd.s32 $0xFFFFFF80  }
0x7b: {  	[tilespmem:s23], [sflag:$0x2] =	stream.indirect.gather [hbm4b:s5+s21], $0x80, s21, s21, $0xb8;
	[tilespmem:$0x1E900] =	vst v63  }
0x7c: {  	_ =	swait.ge [sflag:s25], $0x4000  }
0x7d: {  	[sflag:s25] =	ssyncset.done $0x0  }
0x7e: {  	[sflag:s25] =	ssyncadd.s32 $0xFFFFC000  }
0x7f: {  	[tilespmem:s3], [sflag:$0x3] =	stream.linear.gather [hbm4b:s18+s3], $0x80, $0x38;
	[tilespmem:$0x1E900] =	vst v63  }
0x80: {  	s0 =	simm.s32 $0xA700  }
0x81: {  	[spmem:s2] =	stream.indirect.scatter.add.f32 [tilespmem:s22], [sflag:$0x5], $0x80, s0, s21, $0xb8;
	[tilespmem:$0x1E900] =	vst v63  }
0x82: {  	_ =	swait.ge [sflag:s20], $0x4000  }
0x83: {  	[sflag:s20] =	ssyncset.done $0x0  }
0x84: {  	[sflag:s20] =	ssyncadd.s32 $0xFFFFC000  }
0x85: {  	_ =	swait.ge [sflag:s26], $0x80  }
0x86: {  	[sflag:s26] =	ssyncset.done $0x0  }
0x87: {  	[sflag:s26] =	ssyncadd.s32 $0xFFFFFF80  }
0x88: {  	[tilespmem:s22], [sflag:$0x1] =	stream.indirect.gather [hbm4b:s5+s21], $0x80, s3, s21, $0xb8;
	[tilespmem:$0x1E900] =	vst v63  }
0x89: {  	_ =	swait.ge [sflag:s28], $0x4000  }
0x8a: {  	[sflag:s28] =	ssyncset.done $0x0  }
0x8b: {  	[sflag:s28] =	ssyncadd.s32 $0xFFFFC000  }
0x8c: {  	[tilespmem:s21], [sflag:$0x4] =	stream.linear.gather [hbm4b:s17+s3], $0x80, $0x38;
	[tilespmem:$0x1E900] =	vst v63  }
0x8d: {  	s19 =	simm.s32 $0xA780  }
0x8e: {  	[spmem:s2] =	stream.indirect.scatter.add.f32 [tilespmem:s23], [sflag:$0x5], $0x80, s19, s21, $0xb8;
	[tilespmem:$0x1E900] =	vst v63  }
0x8f: {  	_ =	swait.ge [sflag:s20], $0x4000  }
0x90: {  	[sflag:s20] =	ssyncset.done $0x0  }
0x91: {  	[sflag:s20] =	ssyncadd.s32 $0xFFFFC000  }
0x92: {  	_ =	swait.ge [sflag:s24], $0x80  }
0x93: {  	[sflag:s24] =	ssyncset.done $0x0  }
0x94: {  	[sflag:s24] =	ssyncadd.s32 $0xFFFFFF80  }
0x95: {  	[tilespmem:s23], [sflag:$0x2] =	stream.indirect.gather [hbm4b:s5+s21], $0x80, s21, s21, $0xb8;
	[tilespmem:$0x1E900] =	vst v63  }
0x96: {  	_ =	swait.ge [sflag:s25], $0x4000  }
0x97: {  	[sflag:s25] =	ssyncset.done $0x0  }
0x98: {  	[sflag:s25] =	ssyncadd.s32 $0xFFFFC000  }
0x99: {  	[tilespmem:s3], [sflag:$0x3] =	stream.linear.gather [hbm4b:s17+s3], $0x80, $0x38;
	[tilespmem:$0x1E900] =	vst v63  }
0x9a: {  	s29 =	simm.s32 $0xA800  }
0x9b: {  	[spmem:s2] =	stream.indirect.scatter.add.f32 [tilespmem:s22], [sflag:$0x5], $0x80, s29, s21, $0xb8;
	[tilespmem:$0x1E900] =	vst v63  }
0x9c: {  	_ =	swait.ge [sflag:s20], $0x4000  }
0x9d: {  	[sflag:s20] =	ssyncset.done $0x0  }
0x9e: {  	[sflag:s20] =	ssyncadd.s32 $0xFFFFC000  }
0x9f: {  	_ =	swait.ge [sflag:s26], $0x80  }
0xa0: {  	[sflag:s26] =	ssyncset.done $0x0  }
0xa1: {  	[sflag:s26] =	ssyncadd.s32 $0xFFFFFF80  }
0xa2: {  	[tilespmem:s22], [sflag:$0x1] =	stream.indirect.gather [hbm4b:s5+s21], $0x80, s3, s21, $0xb8;
	[tilespmem:$0x1E900] =	vst v63  }
0xa3: {  	_ =	swait.ge [sflag:s28], $0x4000  }
0xa4: {  	[sflag:s28] =	ssyncset.done $0x0  }
0xa5: {  	[sflag:s28] =	ssyncadd.s32 $0xFFFFC000  }
0xa6: {  	[tilespmem:s21], [sflag:$0x4] =	stream.linear.gather [hbm4b:s17+s3], $0x80, $0x38;
	[tilespmem:$0x1E900] =	vst v63  }
0xa7: {  	s30 =	simm.s32 $0xA880  }
0xa8: {  	[spmem:s2] =	stream.indirect.scatter.add.f32 [tilespmem:s23], [sflag:$0x5], $0x80, s30, s21, $0xb8;
	[tilespmem:$0x1E900] =	vst v63  }
0xa9: {  	_ =	swait.ge [sflag:s20], $0x4000  }
0xaa: {  	[sflag:s20] =	ssyncset.done $0x0  }
0xab: {  	[sflag:s20] =	ssyncadd.s32 $0xFFFFC000  }
0xac: {  	_ =	swait.ge [sflag:s25], $0x4000  }
0xad: {  	[sflag:s25] =	ssyncset.done $0x0  }
0xae: {  	[sflag:s25] =	ssyncadd.s32 $0xFFFFC000  }
0xaf: {  	s31 =	stileid.u32;
	_ =	swait.ge [sflag:s24], $0x80  }
0xb0: {  	s1 =	sadd.s32 $0x1, s1;
	s0 =	sshll.u32 s31, $0x6;
	[sflag:s24] =	ssyncset.done $0x0  }
0xb1: {  	p0 =	sne.s32 s1, s16;
	s0 =	sor.u32 $0x1C05, s0;
	[sflag:s24] =	ssyncadd.s32 $0xFFFFFF80  }
.Ltmp2:
0xb2: {  	s19 =	sshrl.u32 s8, $0x3;
	[bflag:$0x0] =	sbarrier.arrive $0xFFFF;
	(pc) =	sbr.rel @p0 .LBB2_1-.Ltmp2, $4  }
0xb3: {  	[hbm:s15], [sflag:s0] =	dma.local [spmem:s19], $0x2800  }
0xb4: {  	_ =	swait.ge [sflag:s20], $0x2800  }
0xb5: {  	[sflag:s20] =	ssyncset.done $0x0  }
0xb6: {  	[sflag:s20] =	ssyncadd.s32 $0xFFFFD800  }
0xb7: {  	_ =	sfence.sel $0x180000  }
0xb8: {  	[bflag:$0x0] =	sbarrier.arrive $0xFFFF  }
0xb9: {  	_ =	strace $0x9000004D  }
0xba: {  	s0 =	stileid.u32;
	[bflag:$0x2] =	sbarrier.arrive $0xFFFF  }
0xbb: {  	p0 =	sne.s32 s0, $0x0;
	s0 =	rddreg [dreg:$0x3]  }
0xbc: {  	s0 =	sadd.s32 @!p0 $0x100000, s0  }
0xbd: {  	[sflag:s0] =	ssyncadd.tile.s32 @!p0 $0x1;
	_ =	shalt  }
.Lfunc_end2:
_tile_overlayer_lowered:
.L_overlay_start_2:
0xbe: {  	(tag) =	ssettag $0x2  }
0xbf: {  	s0 =	rddreg [dreg:$0x0];
	s2 =	stileid.u32  }
0xc0: {  	s1 =	rddreg [dreg:$0x1];
	p0 =	sne.s32 s2, $0x0  }
0xc1: {  	s3 =	rddreg [dreg:$0x2];
	[bflag:$0x3] =	sbarrier.arrive $0xFFFF;
	s2 =	simm.s32 @!p0 $0x1C05  }
0xc2: {  	[timem:s3], [sflag:s2] =	dma.local @!p0 [hbm:s0], s1  }
0xc3: {  	s0 =	simm.s32 @!p0 $0x5  }
0xc4: {  	_ =	swait.ge @!p0 [sflag:s0], s1  }
0xc5: {  	s1 =	ssub.s32 @!p0 $0x0, s1;
	[sflag:s0] =	ssyncset.done @!p0 $0x0  }
0xc6: {  	[sflag:s0] =	ssyncadd.s32 @!p0 s1  }
0xc7: {  	[bflag:$0x3] =	sbarrier.arrive $0xFFFF  }
0xc8: {  	_ =	shalt  }

// kernel: kernel.19.cloned.1.call-start
scs
__scs_entry_jumppad:
0x0: {  	(pc) =	sbr.rel $0x88, $3  }
0x1: {  	(tag) =	ssettag $0x0;
	lr =	simm.s32 $0x1  }
0x2: {  	[smem:$0x3F95] =	sst lr;
	_ =	strace $0xD0000000  }
0x3: {  	_ = 	snop  }
0x4: {  	_ = 	snop  }
0x5: {  	_ = 	snop  }
0x6: {  	_ = 	snop  }
0x7: {  	_ = 	snop  }
__scs_overlays_trampoline_lowered:
0x8: {  	[smem:$0x3FA4] =	sst s0  }
0x9: {  	[smem:$0x3FA5] =	sst s1  }
0xa: {  	[smem:$0x3FA6] =	sst s2  }
0xb: {  	[smem:$0x3FA7] =	sst s3  }
0xc: {  	[smem:$0x3FA8] =	sst s4  }
0xd: {  	[smem:$0x3FA9] =	sst s5  }
0xe: {  	[smem:$0x3FAA] =	sst s6  }
0xf: {  	[smem:$0x3FAB] =	sst s7  }
0x10: {  	[smem:$0x3FAC] =	sst s8  }
0x11: {  	[smem:$0x3FAD] =	sst s9;
	s0 =	simm.s32 @!p0 $0x0  }
0x12: {  	s1 =	sld [smem:$0x3F93];
	s0 =	simm.s32 @p0 $0x1  }
0x13: {  	[smem:$0x3FAE] =	sst s0;
	s0 =	simm.s32 @!p1 $0x0  }
0x14: {  	s2 =	sld [smem:$0x3F92];
	s0 =	simm.s32 @p1 $0x1  }
0x15: {  	[smem:$0x3FAF] =	sst s0;
	s0 =	simm.s32 @!p2 $0x0  }
0x16: {  	s3 =	sld [smem:$0x3FDB];
	s0 =	simm.s32 @p2 $0x1  }
0x17: {  	s4 =	simm.s32 $0x1BF5;
	[smem:$0x3FB1] =	sst s0  }
0x18: {  	s0 =	sld [smem:$0x3F94];
	_ =	swait.ge [sflag:s4], $0x0  }
0x19: {  	s7 =	sld [smem:$0x3F95]  }
0x1a: {  	s8 =	sadd.s32 $0xFFFFE003, lr  }
0x1b: {  	s9 =	sadd.s32 $0xFFFFFEF7, lr;
	s5 =	simm.s32 $0xFFFFFFFF;
	p2 =	slt.u32 s8, $0xFFFFF086  }
0x1c: {  	p1 =	slt.u32 s9, $0xF7A;
	s5 =	simm.s32 @!p2 $0x0  }
0x1d: {  	s5 =	simm.s32 @p1 $0x1;
	p0 =	seq.s32 s7, s2  }
0x1e: {  	s7 =	smul.u32 @!p0 $0xF7A, s2;
	p2 =	seq.s32 @!p0 s5, $0x0  }
0x1f: {  	s9 =	smul.u32 $0xF7A, s1;
	s8 =	simm.s32 @!p0 $0x1BF5;
	p2 =	por !p2, p0  }
0x20: {  	[sflag:s8] =	ssyncset.s32 @!p0 $0xFFFFF086;
	s6 =	sadd.s32 @!p0 s3, s7;
	s7 =	simm.s32 @!p0 $0x108  }
0x21: {  	s3 =	sadd.s32 s3, s9;
	s6 =	sadd.s32 @!p0 $0x88, s6;
	s7 =	simm.s32 @p2 $0x1082  }
0x22: {  	[simem:s7], [sflag:s8] =	dma.local @!p0 [hbm:s6], $0xF7A  }
0x23: {  	s9 =	sor.u32 $0xD0000000, s2;
	s6 =	simm.s32 $0x108;
	_ =	swait.ge @!p0 [sflag:s8], $0x0  }
0x24: {  	s3 =	sadd.s32 $0x88, s3;
	s6 =	simm.s32 @!p1 $0x1082;
	[sflag:s4] =	ssyncset.s32 $0xFFFFF086  }
0x25: {  	[simem:s6], [sflag:s4] =	dma.local [hbm:s3], $0xF7A  }
0x26: {  	[smem:$0x3F95] =	sst s1;
	(tag) =	ssettag s2;
	_ =	strace s9  }
0x27: {  	s1 =	sld [smem:$0x3FA5]  }
0x28: {  	s2 =	sld [smem:$0x3FA6]  }
0x29: {  	s4 =	sld [smem:$0x3FA8]  }
0x2a: {  	p0 =	seq.s32 s5, $0x0;
	s5 =	sld [smem:$0x3FA9]  }
0x2b: {  	s6 =	sld [smem:$0x3FAA]  }
0x2c: {  	s7 =	sld [smem:$0x3FAB]  }
0x2d: {  	s3 =	simm.s32 $0x108;
	s8 =	sld [smem:$0x3FAC]  }
0x2e: {  	s3 =	simm.s32 @!p0 $0x1082;
	s9 =	sld [smem:$0x3FAD]  }
0x2f: {  	lr =	sadd.s32 s0, s3;
	s0 =	sld [smem:$0x3FA4]  }
0x30: {  	s3 =	sld [smem:$0x3FA7]  }
0x31: {  	[smem:$0x3FB0] =	sst s10  }
0x32: {  	s10 =	sld [smem:$0x3FAE];
	_ =	sdelay $0x3  }
0x33: {  	p0 =	seq.s32 s10, $0x1;
	s10 =	sld [smem:$0x3FB0];
	_ =	sdelay $0x3  }
0x34: {  	[smem:$0x3FB0] =	sst s10  }
0x35: {  	s10 =	sld [smem:$0x3FAF];
	_ =	sdelay $0x3  }
0x36: {  	p1 =	seq.s32 s10, $0x1;
	s10 =	sld [smem:$0x3FB0];
	_ =	sdelay $0x3  }
0x37: {  	[smem:$0x3FB0] =	sst s10  }
0x38: {  	s10 =	sld [smem:$0x3FB1]  }
0x39: {  	_ = 	snop;
	(pc) =	sbr.ind lr, $3  }
0x3a: {  	_ = 	snop  }
0x3b: {  	_ = 	snop  }
0x3c: {  	p2 =	seq.s32 s10, $0x1;
	s10 =	sld [smem:$0x3FB0]  }
0x3d: {  	_ =	shalt  }
0x3e: {  	_ =	shalt  }
0x3f: {  	_ =	shalt  }
0x40: {  	_ =	shalt  }
0x41: {  	_ =	shalt  }
0x42: {  	_ =	shalt  }
0x43: {  	_ =	shalt  }
0x44: {  	_ =	shalt  }
0x45: {  	_ =	shalt  }
0x46: {  	_ =	shalt  }
0x47: {  	_ =	shalt  }
0x48: {  	_ =	shalt  }
0x49: {  	_ =	shalt  }
0x4a: {  	_ =	shalt  }
0x4b: {  	_ =	shalt  }
0x4c: {  	_ =	shalt  }
0x4d: {  	_ =	shalt  }
0x4e: {  	_ =	shalt  }
0x4f: {  	_ =	shalt  }
0x50: {  	_ =	shalt  }
0x51: {  	_ =	shalt  }
0x52: {  	_ =	shalt  }
0x53: {  	_ =	shalt  }
0x54: {  	_ =	shalt  }
0x55: {  	_ =	shalt  }
0x56: {  	_ =	shalt  }
0x57: {  	_ =	shalt  }
0x58: {  	_ =	shalt  }
0x59: {  	_ =	shalt  }
0x5a: {  	_ =	shalt  }
0x5b: {  	_ =	shalt  }
0x5c: {  	_ =	shalt  }
0x5d: {  	_ =	shalt  }
0x5e: {  	_ =	shalt  }
0x5f: {  	_ =	shalt  }
0x60: {  	_ =	shalt  }
0x61: {  	_ =	shalt  }
0x62: {  	_ =	shalt  }
0x63: {  	_ =	shalt  }
0x64: {  	_ =	shalt  }
0x65: {  	_ =	shalt  }
0x66: {  	_ =	shalt  }
0x67: {  	_ =	shalt  }
0x68: {  	_ =	shalt  }
0x69: {  	_ =	shalt  }
0x6a: {  	_ =	shalt  }
0x6b: {  	_ =	shalt  }
0x6c: {  	_ =	shalt  }
0x6d: {  	_ =	shalt  }
0x6e: {  	_ =	shalt  }
0x6f: {  	_ =	shalt  }
0x70: {  	_ =	shalt  }
0x71: {  	_ =	shalt  }
0x72: {  	_ =	shalt  }
0x73: {  	_ =	shalt  }
0x74: {  	_ =	shalt  }
0x75: {  	_ =	shalt  }
0x76: {  	_ =	shalt  }
0x77: {  	_ =	shalt  }
0x78: {  	_ =	shalt  }
0x79: {  	_ =	shalt  }
0x7a: {  	_ =	shalt  }
0x7b: {  	_ =	shalt  }
0x7c: {  	_ =	shalt  }
0x7d: {  	_ =	shalt  }
0x7e: {  	_ =	shalt  }
0x7f: {  	_ =	shalt  }
0x80: {  	_ =	shalt  }
0x81: {  	_ =	shalt  }
0x82: {  	_ =	shalt  }
0x83: {  	_ =	shalt  }
0x84: {  	_ =	shalt  }
0x85: {  	_ =	shalt  }
0x86: {  	_ =	shalt  }
0x87: {  	_ =	shalt  }
.Lfunc_end0:
.L_simem_size_0:
called_computation.3_lowered:
.L_overlay_start_0:
0x88: {  	s2 =	sld [smem:$0x3FD9]  }
0x89: {  	s3 =	sld [smem:$0x3FFE];
	_ =	sdelay $0x1  }
0x8a: {  	s1 =	srdreg.scid  }
0x8b: {  	s0 =	sand.u32 $0x1, s1  }
0x8c: {  	s17 =	sshll.u32 s0, $0xA;
	s2 =	sadd.s32 s3, s2  }
0x8d: {  	s2 =	sadd.s32 s2, s17  }
0x8e: {  	[smem:$0x3FBC] =	sst s2  }
0x8f: {  	_ = 	snop  }
0x90: {  	s2 =	sld [smem:$0x3FD0];
	(tm) =	ssettm $0x1  }
0x91: {  	s18 =	sld [smem:$0x3FFB];
	_ =	sdelay $0x3  }
0x92: {  	_ =	strace s18  }
0x93: {  	s3 =	sld [smem:$0x3FFC];
	_ =	sdelay $0x3  }
0x94: {  	_ =	strace s3  }
0x95: {  	s3 =	sld [smem:$0x3FFD];
	_ =	sdelay $0x3  }
0x96: {  	_ =	strace s3  }
0x97: {  	_ =	strace $0x8FFFFFFF  }
0x98: {  	s19 =	sld [smem:$0x3FDB];
	_ =	sdelay $0x1  }
0x99: {  	s4 =	simm.s32 $_scs_section_size  }
0x9a: {  	s5 =	simm.s32 $_size__tile_overlayer_lowered;
	s6 =	simm.s32 $_tile_overlayer_lowered  }
0x9b: {  	s22 =	simm.s32 $0x1BFF;
	s21 =	sshll.u32 s6, $0x1;
	s3 =	sadd.s32 s4, s19  }
0x9c: {  	s7 =	simm.s32 $0x0;
	s20 =	sshll.u32 s5, $0x1;
	s5 =	sadd.s32 s21, s3  }
0x9d: {  	[timem:s7], [sflag:s22] =	dma.local [hbm:s5], s20  }
0x9e: {  	_ =	swait.ge [sflag:s22], s20  }
0x9f: {  	s4 =	ssub.s32 $0x0, s20;
	[sflag:s22] =	ssyncset.done $0x0  }
0xa0: {  	[sflag:s22] =	ssyncadd.s32 s4;
	_ =	sdelay $0x1  }
0xa1: {  	s23 =	simm.s32 $0x1B8B  }
0xa2: {  	_ =	swait.ge [sflag:s23], $0x1  }
0xa3: {  	[sflag:s23] =	ssyncset.done $0x0  }
0xa4: {  	s25 =	simm.s32 $0x1B8E;
	s24 =	sld [smem:$0x3FFE];
	[sflag:s23] =	ssyncadd.s32 $0xFFFFFFFF  }
0xa5: {  	s26 =	simm.s32 $execute0_lowered;
	[smem:$0x3FD2] =	sst s25  }
0xa6: {  	s5 =	sshll.u32 s26, $0x1;
	_ =	strace $0x8000004F;
	[dreg:$0x1] =	wrdreg $0xFFFFFFFF  }
0xa7: {  	s28 =	simm.s32 $_size_execute0_lowered;
	s3 =	sadd.s32 s3, s5;
	[dreg:$0x0] =	wrdreg $0x0  }
0xa8: {  	s5 =	sshll.u32 s28, $0x1;
	[dreg:$0x2] =	wrdreg s3  }
0xa9: {  	[dreg:$0x3] =	wrdreg s5  }
0xaa: {  	[dreg:$0x4] =	wrdreg $0xC0  }
0xab: {  	_ =	task [dreg:s7], $0x5FFFF  }
0xac: {  	[dreg:$0x1] =	wrdreg $0xFFFFFFFF  }
0xad: {  	[dreg:$0x0] =	wrdreg $0x60  }
0xae: {  	[dreg:$0x2] =	wrdreg s24  }
0xaf: {  	[dreg:$0x3] =	wrdreg s2  }
0xb0: {  	[dreg:$0x4] =	wrdreg $0xA9000  }
0xb1: {  	[dreg:$0x5] =	wrdreg $0x9  }
0xb2: {  	_ =	task.clear_ibuf [dreg:s7], $0x6FFFF;
	_ =	strace $0x9000004F  }
0xb3: {  	s29 =	simm.s32 $0x9;
	_ =	strace $0x80000051  }
0xb4: {  	_ =	swait.ge [sflag:s29], $0x1  }
0xb5: {  	[sflag:s29] =	ssyncadd.s32 $0xFFFFFFFF  }
0xb6: {  	_ =	strace $0x90000051  }
0xb7: {  	_ =	sfence  }
0xb8: {  	s30 =	sld [smem:$0x0];
	_ =	sdelay $0x2  }
0xb9: {  	s31 =	sshll.u32 s1, $0xD;
	s1 =	sshrl.u32 s1, $0x2  }
0xba: {  	s3 =	sand.u32 $0x4000, s31;
	s1 =	sadd.s32 s1, s30  }
0xbb: {  	s0 =	sor.u32 s3, s0;
	s1 =	sshll.u32 s1, $0x11  }
0xbc: {  	s0 =	sor.u32 s1, s0  }
0xbd: {  	s0 =	sadd.s32 $0x8F2B, s0  }
0xbe: {  	[sflag:s0] =	ssyncadd.remote.s32 $0x1  }
0xbf: {  	_ =	sfence.sel $0xFFFF  }
0xc0: {  	[dreg:$0x0] =	wrdreg $0xFFFFFFFF;
	(pc) =	sbr.abs _section_cstart, $3  }
0xc1: {  	[dreg:$0x1] =	wrdreg $0xFFFFFFFF  }
0xc2: {  	_ =	task.clear_ibuf [dreg:s7], $0x2FFFF;
	_ =	strace $0x9FFFFFFF  }
0xc3: {  	(tm) =	ssettm $0x7FFFFFFF  }
tec
execute0_lowered:
.L_overlay_start_1:
0x0: {  	(tag) =	ssettag $0x1  }
0x1: {  	s0 =	rddreg [dreg:$0x0]  }
0x2: {  	s1 =	rddreg [dreg:$0x1]  }
0x3: {  	s2 =	rddreg [dreg:$0x2];
	s3 =	srdreg.scid  }
0x4: {  	s9 =	stileid.u32;
	s20 =	simm.s32 $0x5;
	s21 =	simm.s32 $0x80  }
0x5: {  	s22 =	simm.s32 $0x100;
	s23 =	simm.s32 $0x4100;
	s24 =	simm.s32 $0x4  }
0x6: {  	s25 =	simm.s32 $0x1;
	s26 =	simm.s32 $0x3;
	s28 =	simm.s32 $0x2  }
0x7: {  	s7 =	sand.u32 $0x1, s3;
	s3 =	simm.s32 $0x0;
	s5 =	smul.u32 $0x14000, s9  }
0x8: {  	s4 =	smul.u32 $0x140000, s7;
	s6 =	sshll.u32 s7, $0x4;
	[smem:$0x7FF] =	sst s3  }
0x9: {  	s7 =	ssub.s32 $0x2, s7;
	s6 =	sor.u32 s9, s6;
	_ =	strace $0x80000050  }
0xa: {  	s9 =	smul.u32 $0x50000, s9;
	s31 =	sshrl.u32 s7, $0x1;
	s8 =	sadd.s32 s5, s4  }
0xb: {  	s4 =	smul.u32 $0x2800, s6;
	s5 =	sadd.s32 $0xFA00, s0;
	s6 =	sadd.s32 $0x5A00, s0  }
0xc: {  	s16 =	ssub.s32 s7, s31;
	s8 =	sshrl.u32 s8, $0x3;
	s9 =	sshrl.u32 s9, $0x2  }
0xd: {  	s16 =	smax.u32 s16, $0x1;
	s0 =	sadd.s32 s8, s0;
	s10 =	sshrl.u32 s4, $0x3  }
0xe: {  	s8 =	sadd.s32 s9, s2;
	s7 =	sadd.s32 s6, s10;
	s9 =	sadd.s32 s1, s10  }
0xf: {  	s11 =	sadd.s32 $0x4000, s8;
	s12 =	sadd.s32 $0x8000, s8;
	s13 =	sadd.s32 $0xC000, s8  }
0x10: {  	s14 =	sadd.s32 $0x10000, s8;
	s15 =	sadd.s32 $0x5FA00, s0;
	s1 =	simm.s32 $0x0  }
0x11: {  	v0 =	vimm.f32 $0.0e+00;
	s10 =	sadd.s32 $0x10, s7;
	s17 =	sadd.s32 $0x4F0, s7;
	s18 =	sadd.s32 $0x4E0, s7  }
.LBB2_1:
0x12: {  	s0 =	simm.s32 $0x8100  }
0x13: {  	[tilespmem:s0], [sflag:$0x5] =	stream.linear.gather [hbm4b:s9+s3], $0x2800, $0x38;
	[tilespmem:$0x1E900] =	vst v63  }
0x14: {  	_ =	swait.ge [sflag:s20], $0x2800  }
0x15: {  	[sflag:s20] =	ssyncset.done $0x0  }
0x16: {  	[sflag:s20] =	ssyncadd.s32 $0xFFFFD800  }
0x17: {  	[tilespmem:s3], [sflag:$0x5] =	stream.linear.gather [hbm4b:s7+s3], $0x80, $0x38;
	[tilespmem:$0x1E900] =	vst v63  }
0x18: {  	_ =	swait.ge [sflag:s20], $0x80  }
0x19: {  	[sflag:s20] =	ssyncset.done $0x0  }
0x1a: {  	[sflag:s20] =	ssyncadd.s32 $0xFFFFFF80  }
0x1b: {  	[tilespmem:s22], [sflag:$0x1] =	stream.indirect.gather [hbm4b:s5+s21], $0x80, s3, s21, $0xb8;
	[tilespmem:$0x1E900] =	vst v63  }
0x1c: {  	s19 =	simm.s32 $0x0;
	s29 =	simm.s32 $0x200  }
0x1d: {  	[tilespmem:s21], [sflag:$0x4] =	stream.linear.gather [hbm4b:s10+s3], $0x80, $0x38;
	[tilespmem:$0x1E900] =	vst v63  }
.LBB2_2:
0x1e: {  	p0 =	sne.s32 s29, $0xFE00;
	[tilespmem:s19+$0x4170] =	vst v0  }
0x1f: {  	[tilespmem:s19+$0x4100] =	vst v0  }
0x20: {  	[tilespmem:s19+$0x4110] =	vst v0  }
.Ltmp0:
0x21: {  	[tilespmem:s19+$0x4120] =	vst v0;
	(pc) =	sbr.rel @p0 .LBB2_2-.Ltmp0, $4  }
0x22: {  	[tilespmem:s19+$0x4130] =	vst v0  }
0x23: {  	[tilespmem:s19+$0x4140] =	vst v0  }
0x24: {  	[tilespmem:s19+$0x4150] =	vst v0  }
0x25: {  	[tilespmem:s19+$0x4160] =	vst v0;
	s19 =	sshra.s32 s29, $0x2;
	s29 =	sadd.s32 $0x200, s29  }
0x26: {  	[tilespmem:s19+$0x4170] =	vst v0  }
0x27: {  	[tilespmem:s19+$0x4100] =	vst v0  }
0x28: {  	[tilespmem:s19+$0x4110] =	vst v0  }
0x29: {  	[tilespmem:s19+$0x4120] =	vst v0  }
0x2a: {  	[tilespmem:s19+$0x4130] =	vst v0  }
0x2b: {  	[tilespmem:s19+$0x4140] =	vst v0  }
0x2c: {  	[tilespmem:s19+$0x4150] =	vst v0  }
0x2d: {  	[tilespmem:s19+$0x4160] =	vst v0  }
0x2e: {  	[spmem:s8] =	stream.linear.scatter [tilespmem:s23], [sflag:$0x5], $0x4000, $0x38;
	[tilespmem:$0x1E900] =	vst v63  }
0x2f: {  	_ =	swait.ge [sflag:s20], $0x4000  }
0x30: {  	[sflag:s20] =	ssyncset.done $0x0  }
0x31: {  	[sflag:s20] =	ssyncadd.s32 $0xFFFFC000  }
0x32: {  	[spmem:s11] =	stream.linear.scatter [tilespmem:s23], [sflag:$0x5], $0x4000, $0x38;
	[tilespmem:$0x1E900] =	vst v63  }
0x33: {  	_ =	swait.ge [sflag:s20], $0x4000  }
0x34: {  	[sflag:s20] =	ssyncset.done $0x0  }
0x35: {  	[sflag:s20] =	ssyncadd.s32 $0xFFFFC000  }
0x36: {  	[spmem:s12] =	stream.linear.scatter [tilespmem:s23], [sflag:$0x5], $0x4000, $0x38;
	[tilespmem:$0x1E900] =	vst v63  }
0x37: {  	_ =	swait.ge [sflag:s20], $0x4000  }
0x38: {  	[sflag:s20] =	ssyncset.done $0x0  }
0x39: {  	[sflag:s20] =	ssyncadd.s32 $0xFFFFC000  }
0x3a: {  	[spmem:s13] =	stream.linear.scatter [tilespmem:s23], [sflag:$0x5], $0x4000, $0x38;
	[tilespmem:$0x1E900] =	vst v63  }
0x3b: {  	_ =	swait.ge [sflag:s20], $0x4000  }
0x3c: {  	[sflag:s20] =	ssyncset.done $0x0  }
0x3d: {  	[sflag:s20] =	ssyncadd.s32 $0xFFFFC000  }
0x3e: {  	[spmem:s14] =	stream.linear.scatter [tilespmem:s23], [sflag:$0x5], $0x4000, $0x38;
	[tilespmem:$0x1E900] =	vst v63  }
0x3f: {  	_ =	swait.ge [sflag:s20], $0x4000  }
0x40: {  	[sflag:s20] =	ssyncset.done $0x0  }
0x41: {  	[sflag:s20] =	ssyncadd.s32 $0xFFFFC000  }
0x42: {  	[bflag:$0x0] =	sbarrier.arrive $0xFFFF  }
0x43: {  	s0 =	simm.s32 $0x100;
	_ =	swait.ge [sflag:s24], $0x80  }
0x44: {  	s29 =	sand.u32 $0x7C00, s0;
	[sflag:s24] =	ssyncset.done $0x0  }
0x45: {  	s19 =	sand.u32 $0x300, s0;
	s29 =	sadd.s32 s4, s29;
	[sflag:s24] =	ssyncadd.s32 $0xFFFFFF80  }
0x46: {  	[tilespmem:s23], [sflag:$0x2] =	stream.indirect.gather [hbm4b:s5+s21], $0x80, s21, s21, $0xb8;
	[tilespmem:$0x1E900] =	vst v63  }
0x47: {  	s19 =	sor.u32 s19, s29;
	_ =	swait.ge [sflag:s25], $0x4000  }
0x48: {  	s19 =	sshrl.u32 s19, $0x3;
	[sflag:s25] =	ssyncset.done $0x0  }
0x49: {  	s19 =	sadd.s32 s6, s19;
	[sflag:s25] =	ssyncadd.s32 $0xFFFFC000  }
0x4a: {  	[tilespmem:s3], [sflag:$0x3] =	stream.linear.gather [hbm4b:s19+s3], $0x80, $0x38;
	[tilespmem:$0x1E900] =	vst v63  }
0x4b: {  	s30 =	simm.s32 $0x8100  }
0x4c: {  	[spmem:s2] =	stream.indirect.scatter.add.f32 [tilespmem:s22], [sflag:$0x5], $0x80, s30, s21, $0xb8;
	[tilespmem:$0x1E900] =	vst v63  }
0x4d: {  	_ =	swait.ge [sflag:s20], $0x4000  }
0x4e: {  	[sflag:s20] =	ssyncset.done $0x0  }
0x4f: {  	[sflag:s20] =	ssyncadd.s32 $0xFFFFC000  }
0x50: {  	s31 =	simm.s32 $0x180;
	_ =	swait.ge [sflag:s26], $0x80  }
0x51: {  	s29 =	sand.u32 $0x7C00, s31;
	[sflag:s26] =	ssyncset.done $0x0  }
0x52: {  	s29 =	sadd.s32 s4, s29;
	s19 =	sand.u32 $0x380, s31;
	[sflag:s26] =	ssyncadd.s32 $0xFFFFFF80  }
0x53: {  	[tilespmem:s22], [sflag:$0x1] =	stream.indirect.gather [hbm4b:s5+s21], $0x80, s3, s21, $0xb8;
	[tilespmem:$0x1E900] =	vst v63  }
0x54: {  	s19 =	sor.u32 s19, s29;
	_ =	swait.ge [sflag:s28], $0x4000  }
0x55: {  	s19 =	sshrl.u32 s19, $0x3;
	[sflag:s28] =	ssyncset.done $0x0  }
0x56: {  	s19 =	sadd.s32 s6, s19;
	[sflag:s28] =	ssyncadd.s32 $0xFFFFC000  }
0x57: {  	[tilespmem:s21], [sflag:$0x4] =	stream.linear.gather [hbm4b:s19+s3], $0x80, $0x38;
	[tilespmem:$0x1E900] =	vst v63  }
0x58: {  	s19 =	simm.s32 $0x8180  }
0x59: {  	[spmem:s2] =	stream.indirect.scatter.add.f32 [tilespmem:s23], [sflag:$0x5], $0x80, s19, s21, $0xb8;
	[tilespmem:$0x1E900] =	vst v63  }
0x5a: {  	s29 =	simm.s32 $0x280;
	_ =	swait.ge [sflag:s20], $0x4000  }
.LBB2_4:
0x5b: {  	p0 =	sne.s32 s29, $0x2680;
	[sflag:s20] =	ssyncset.done $0x0;
	s19 =	sadd.s32 $0x100, s19  }
0x5c: {  	s30 =	smov.u32 s29;
	s29 =	sadd.s32 $0x100, s29;
	[sflag:s20] =	ssyncadd.s32 $0xFFFFC000  }
0x5d: {  	_ =	swait.ge [sflag:s24], $0x80  }
0x5e: {  	s31 =	sadd.s32 $0xFFFFFF80, s30;
	[sflag:s24] =	ssyncset.done $0x0  }
0x5f: {  	s0 =	sand.u32 $0x7C00, s31;
	s31 =	sand.u32 $0x300, s31;
	[sflag:s24] =	ssyncadd.s32 $0xFFFFFF80  }
0x60: {  	[tilespmem:s23], [sflag:$0x2] =	stream.indirect.gather [hbm4b:s5+s21], $0x80, s21, s21, $0xb8;
	[tilespmem:$0x1E900] =	vst v63  }
0x61: {  	s0 =	sadd.s32 s4, s0;
	_ =	swait.ge [sflag:s25], $0x4000  }
0x62: {  	s0 =	sor.u32 s31, s0;
	[sflag:s25] =	ssyncset.done $0x0  }
0x63: {  	s0 =	sshrl.u32 s0, $0x3;
	[sflag:s25] =	ssyncadd.s32 $0xFFFFC000  }
0x64: {  	s31 =	sadd.s32 $0xFFFFFF80, s19;
	s0 =	sadd.s32 s6, s0  }
0x65: {  	[tilespmem:s3], [sflag:$0x3] =	stream.linear.gather [hbm4b:s0+s3], $0x80, $0x38;
	[tilespmem:$0x1E900] =	vst v63  }
0x66: {  	_ = 	snop  }
0x67: {  	[spmem:s2] =	stream.indirect.scatter.add.f32 [tilespmem:s22], [sflag:$0x5], $0x80, s31, s21, $0xb8;
	[tilespmem:$0x1E900] =	vst v63  }
0x68: {  	_ =	swait.ge [sflag:s20], $0x4000  }
0x69: {  	[sflag:s20] =	ssyncset.done $0x0  }
0x6a: {  	[sflag:s20] =	ssyncadd.s32 $0xFFFFC000  }
0x6b: {  	_ =	swait.ge [sflag:s26], $0x80  }
0x6c: {  	s0 =	sand.u32 $0x7C00, s30;
	[sflag:s26] =	ssyncset.done $0x0  }
0x6d: {  	s30 =	sand.u32 $0x380, s30;
	s0 =	sadd.s32 s4, s0;
	[sflag:s26] =	ssyncadd.s32 $0xFFFFFF80  }
0x6e: {  	[tilespmem:s22], [sflag:$0x1] =	stream.indirect.gather [hbm4b:s5+s21], $0x80, s3, s21, $0xb8;
	[tilespmem:$0x1E900] =	vst v63  }
0x6f: {  	s0 =	sor.u32 s30, s0;
	_ =	swait.ge [sflag:s28], $0x4000  }
0x70: {  	s0 =	sshrl.u32 s0, $0x3;
	[sflag:s28] =	ssyncset.done $0x0  }
.Ltmp1:
0x71: {  	s0 =	sadd.s32 s6, s0;
	[sflag:s28] =	ssyncadd.s32 $0xFFFFC000;
	(pc) =	sbr.rel @p0 .LBB2_4-.Ltmp1, $4  }
0x72: {  	[tilespmem:s21], [sflag:$0x4] =	stream.linear.gather [hbm4b:s0+s3], $0x80, $0x38;
	[tilespmem:$0x1E900] =	vst v63  }
0x73: {  	_ = 	snop  }
0x74: {  	[spmem:s2] =	stream.indirect.scatter.add.f32 [tilespmem:s23], [sflag:$0x5], $0x80, s19, s21, $0xb8;
	[tilespmem:$0x1E900] =	vst v63  }
0x75: {  	_ =	swait.ge [sflag:s20], $0x4000  }
0x76: {  	[sflag:s20] =	ssyncset.done $0x0  }
0x77: {  	[sflag:s20] =	ssyncadd.s32 $0xFFFFC000  }
0x78: {  	_ =	swait.ge [sflag:s24], $0x80  }
0x79: {  	[sflag:s24] =	ssyncset.done $0x0  }
0x7a: {  	[sflag:s24] =	ssyncadd.s32 $0xFFFFFF80  }
0x7b: {  	[tilespmem:s23], [sflag:$0x2] =	stream.indirect.gather [hbm4b:s5+s21], $0x80, s21, s21, $0xb8;
	[tilespmem:$0x1E900] =	vst v63  }
0x7c: {  	_ =	swait.ge [sflag:s25], $0x4000  }
0x7d: {  	[sflag:s25] =	ssyncset.done $0x0  }
0x7e: {  	[sflag:s25] =	ssyncadd.s32 $0xFFFFC000  }
0x7f: {  	[tilespmem:s3], [sflag:$0x3] =	stream.linear.gather [hbm4b:s18+s3], $0x80, $0x38;
	[tilespmem:$0x1E900] =	vst v63  }
0x80: {  	s0 =	simm.s32 $0xA700  }
0x81: {  	[spmem:s2] =	stream.indirect.scatter.add.f32 [tilespmem:s22], [sflag:$0x5], $0x80, s0, s21, $0xb8;
	[tilespmem:$0x1E900] =	vst v63  }
0x82: {  	_ =	swait.ge [sflag:s20], $0x4000  }
0x83: {  	[sflag:s20] =	ssyncset.done $0x0  }
0x84: {  	[sflag:s20] =	ssyncadd.s32 $0xFFFFC000  }
0x85: {  	_ =	swait.ge [sflag:s26], $0x80  }
0x86: {  	[sflag:s26] =	ssyncset.done $0x0  }
0x87: {  	[sflag:s26] =	ssyncadd.s32 $0xFFFFFF80  }
0x88: {  	[tilespmem:s22], [sflag:$0x1] =	stream.indirect.gather [hbm4b:s5+s21], $0x80, s3, s21, $0xb8;
	[tilespmem:$0x1E900] =	vst v63  }
0x89: {  	_ =	swait.ge [sflag:s28], $0x4000  }
0x8a: {  	[sflag:s28] =	ssyncset.done $0x0  }
0x8b: {  	[sflag:s28] =	ssyncadd.s32 $0xFFFFC000  }
0x8c: {  	[tilespmem:s21], [sflag:$0x4] =	stream.linear.gather [hbm4b:s17+s3], $0x80, $0x38;
	[tilespmem:$0x1E900] =	vst v63  }
0x8d: {  	s19 =	simm.s32 $0xA780  }
0x8e: {  	[spmem:s2] =	stream.indirect.scatter.add.f32 [tilespmem:s23], [sflag:$0x5], $0x80, s19, s21, $0xb8;
	[tilespmem:$0x1E900] =	vst v63  }
0x8f: {  	_ =	swait.ge [sflag:s20], $0x4000  }
0x90: {  	[sflag:s20] =	ssyncset.done $0x0  }
0x91: {  	[sflag:s20] =	ssyncadd.s32 $0xFFFFC000  }
0x92: {  	_ =	swait.ge [sflag:s24], $0x80  }
0x93: {  	[sflag:s24] =	ssyncset.done $0x0  }
0x94: {  	[sflag:s24] =	ssyncadd.s32 $0xFFFFFF80  }
0x95: {  	[tilespmem:s23], [sflag:$0x2] =	stream.indirect.gather [hbm4b:s5+s21], $0x80, s21, s21, $0xb8;
	[tilespmem:$0x1E900] =	vst v63  }
0x96: {  	_ =	swait.ge [sflag:s25], $0x4000  }
0x97: {  	[sflag:s25] =	ssyncset.done $0x0  }
0x98: {  	[sflag:s25] =	ssyncadd.s32 $0xFFFFC000  }
0x99: {  	[tilespmem:s3], [sflag:$0x3] =	stream.linear.gather [hbm4b:s17+s3], $0x80, $0x38;
	[tilespmem:$0x1E900] =	vst v63  }
0x9a: {  	s29 =	simm.s32 $0xA800  }
0x9b: {  	[spmem:s2] =	stream.indirect.scatter.add.f32 [tilespmem:s22], [sflag:$0x5], $0x80, s29, s21, $0xb8;
	[tilespmem:$0x1E900] =	vst v63  }
0x9c: {  	_ =	swait.ge [sflag:s20], $0x4000  }
0x9d: {  	[sflag:s20] =	ssyncset.done $0x0  }
0x9e: {  	[sflag:s20] =	ssyncadd.s32 $0xFFFFC000  }
0x9f: {  	_ =	swait.ge [sflag:s26], $0x80  }
0xa0: {  	[sflag:s26] =	ssyncset.done $0x0  }
0xa1: {  	[sflag:s26] =	ssyncadd.s32 $0xFFFFFF80  }
0xa2: {  	[tilespmem:s22], [sflag:$0x1] =	stream.indirect.gather [hbm4b:s5+s21], $0x80, s3, s21, $0xb8;
	[tilespmem:$0x1E900] =	vst v63  }
0xa3: {  	_ =	swait.ge [sflag:s28], $0x4000  }
0xa4: {  	[sflag:s28] =	ssyncset.done $0x0  }
0xa5: {  	[sflag:s28] =	ssyncadd.s32 $0xFFFFC000  }
0xa6: {  	[tilespmem:s21], [sflag:$0x4] =	stream.linear.gather [hbm4b:s17+s3], $0x80, $0x38;
	[tilespmem:$0x1E900] =	vst v63  }
0xa7: {  	s30 =	simm.s32 $0xA880  }
0xa8: {  	[spmem:s2] =	stream.indirect.scatter.add.f32 [tilespmem:s23], [sflag:$0x5], $0x80, s30, s21, $0xb8;
	[tilespmem:$0x1E900] =	vst v63  }
0xa9: {  	_ =	swait.ge [sflag:s20], $0x4000  }
0xaa: {  	[sflag:s20] =	ssyncset.done $0x0  }
0xab: {  	[sflag:s20] =	ssyncadd.s32 $0xFFFFC000  }
0xac: {  	_ =	swait.ge [sflag:s25], $0x4000  }
0xad: {  	[sflag:s25] =	ssyncset.done $0x0  }
0xae: {  	[sflag:s25] =	ssyncadd.s32 $0xFFFFC000  }
0xaf: {  	s31 =	stileid.u32;
	_ =	swait.ge [sflag:s24], $0x80  }
0xb0: {  	s1 =	sadd.s32 $0x1, s1;
	s0 =	sshll.u32 s31, $0x6;
	[sflag:s24] =	ssyncset.done $0x0  }
0xb1: {  	p0 =	sne.s32 s1, s16;
	s0 =	sor.u32 $0x1C05, s0;
	[sflag:s24] =	ssyncadd.s32 $0xFFFFFF80  }
.Ltmp2:
0xb2: {  	s19 =	sshrl.u32 s8, $0x3;
	[bflag:$0x0] =	sbarrier.arrive $0xFFFF;
	(pc) =	sbr.rel @p0 .LBB2_1-.Ltmp2, $4  }
0xb3: {  	[hbm:s15], [sflag:s0] =	dma.local [spmem:s19], $0x2800  }
0xb4: {  	_ =	swait.ge [sflag:s20], $0x2800  }
0xb5: {  	[sflag:s20] =	ssyncset.done $0x0  }
0xb6: {  	[sflag:s20] =	ssyncadd.s32 $0xFFFFD800  }
0xb7: {  	_ =	sfence.sel $0x180000  }
0xb8: {  	[bflag:$0x0] =	sbarrier.arrive $0xFFFF  }
0xb9: {  	_ =	strace $0x90000050  }
0xba: {  	s0 =	stileid.u32;
	[bflag:$0x2] =	sbarrier.arrive $0xFFFF  }
0xbb: {  	p0 =	sne.s32 s0, $0x0;
	s0 =	rddreg [dreg:$0x3]  }
0xbc: {  	s0 =	sadd.s32 @!p0 $0x100000, s0  }
0xbd: {  	[sflag:s0] =	ssyncadd.tile.s32 @!p0 $0x1;
	_ =	shalt  }
.Lfunc_end2:
_tile_overlayer_lowered:
.L_overlay_start_2:
0xbe: {  	(tag) =	ssettag $0x2  }
0xbf: {  	s0 =	rddreg [dreg:$0x0];
	s2 =	stileid.u32  }
0xc0: {  	s1 =	rddreg [dreg:$0x1];
	p0 =	sne.s32 s2, $0x0  }
0xc1: {  	s3 =	rddreg [dreg:$0x2];
	[bflag:$0x3] =	sbarrier.arrive $0xFFFF;
	s2 =	simm.s32 @!p0 $0x1C05  }
0xc2: {  	[timem:s3], [sflag:s2] =	dma.local @!p0 [hbm:s0], s1  }
0xc3: {  	s0 =	simm.s32 @!p0 $0x5  }
0xc4: {  	_ =	swait.ge @!p0 [sflag:s0], s1  }
0xc5: {  	s1 =	ssub.s32 @!p0 $0x0, s1;
	[sflag:s0] =	ssyncset.done @!p0 $0x0  }
0xc6: {  	[sflag:s0] =	ssyncadd.s32 @!p0 s1  }
0xc7: {  	[bflag:$0x3] =	sbarrier.arrive $0xFFFF  }
0xc8: {  	_ =	shalt  }

</sc_bundles>
